<compile_context>
chip_gen: v7x
topology: tpu7x:2x2x1
jax: 0.10.2.dev20260603
libtpu: 0.0.44.dev20260713+nightly
codegen_flags: <defaults>
</compile_context>

<pallas_src>
import functools

import jax
import jax.numpy as jnp
from jax import lax
from jax.experimental import pallas as pl
from jax.experimental.pallas import tpu as pltpu
from jax.experimental.pallas import tpu_sc as plsc

EMBEDDING_DIM = 128
BASE_ROWS = 20
EXT_ROWS = 180
TABLE_ROWS = BASE_ROWS + EXT_ROWS
NUM_CORES = 2
NUM_SUBCORES = 16
NW = NUM_CORES * NUM_SUBCORES

SEQ_LEN = 204800
ROWS_PER_WORKER = SEQ_LEN // NW
STEP = 64
STEPS = ROWS_PER_WORKER // STEP
NBUF = 10
ROUNDS = STEPS // NBUF


@functools.partial(
    pl.kernel,
    mesh=plsc.VectorSubcoreMesh(core_axis_name="c", subcore_axis_name="s"),
    out_type=jax.ShapeDtypeStruct((SEQ_LEN, EMBEDDING_DIM), jnp.float32),
    scratch_types=[
        pltpu.VMEM_SHARED((TABLE_ROWS, EMBEDDING_DIM), jnp.float32),
        pltpu.VMEM((ROWS_PER_WORKER,), jnp.int32),
        pltpu.VMEM((NBUF, STEP, EMBEDDING_DIM), jnp.float32),
        pltpu.SemaphoreType.DMA((NBUF,)),
        pltpu.SemaphoreType.DMA((NBUF,)),
    ],
)
def _sc_embed(pos_hbm, base_hbm, ext_hbm, out_hbm,
              tbl_sh, idx_v, rows_v, gsem, wsem):
    sid = lax.axis_index("s")
    wid = sid * NUM_CORES + lax.axis_index("c")
    base_row = wid * ROWS_PER_WORKER

    @pl.when(sid == 0)
    def _():
        pltpu.sync_copy(base_hbm, tbl_sh.at[pl.ds(0, BASE_ROWS)])
        pltpu.sync_copy(ext_hbm, tbl_sh.at[pl.ds(BASE_ROWS, EXT_ROWS)])

    pltpu.sync_copy(pos_hbm.at[pl.ds(base_row, ROWS_PER_WORKER)], idx_v)
    plsc.subcore_barrier()

    def gather_start(j, b):
        pltpu.async_copy(
            tbl_sh.at[idx_v.at[pl.ds(j * STEP, STEP)]], rows_v.at[b],
            gsem.at[b])

    def gather_wait(j, b):
        pltpu.make_async_copy(
            tbl_sh.at[idx_v.at[pl.ds(j * STEP, STEP)]], rows_v.at[b],
            gsem.at[b]).wait()

    def wb_start(j, b):
        pltpu.async_copy(
            rows_v.at[b], out_hbm.at[pl.ds(base_row + j * STEP, STEP)],
            wsem.at[b])

    def wb_wait(j, b):
        pltpu.make_async_copy(
            rows_v.at[b], out_hbm.at[pl.ds(base_row + j * STEP, STEP)],
            wsem.at[b]).wait()

    for b in range(NBUF):
        gather_start(b, b)

    def round_body(i, carry):
        j0 = i * NBUF
        for b in range(NBUF):
            gather_wait(j0 + b, b)
            wb_start(j0 + b, b)
        for b in range(NBUF):
            wb_wait(j0 + b, b)
            gather_start(j0 + NBUF + b, b)
        return carry

    lax.fori_loop(0, ROUNDS - 1, round_body, 0, unroll=False)

    jlast = (ROUNDS - 1) * NBUF
    for b in range(NBUF):
        gather_wait(jlast + b, b)
        wb_start(jlast + b, b)
    for b in range(NBUF):
        wb_wait(jlast + b, b)


def kernel(positions, base_table, extended_table):
    return _sc_embed(positions.astype(jnp.int32), base_table, extended_table)

# --- scband reference (transcript-rebuilt; emitter-appended) ---
"""Pipeline reference for scband-flexible-position-embedding-72756745994873 (READ-ONLY COPY).

The authoritative reference and input builder live on the scoring server;
editing this copy changes nothing except your own understanding.
"""

import jax, jax.numpy as jnp
import numpy as np

EMBEDDING_DIM = 128
MAX_LENGTH = 200
BASE_LENGTH = 20
SEQ_LEN = 204800


def setup_inputs(seed: int = 0) -> dict:
    key = jax.random.key(seed)
    k1, k2, k3 = jax.random.split(key, 3)
    positions = jax.random.randint(k1, (SEQ_LEN,), 0, MAX_LENGTH, dtype=jnp.int64 if jax.config.jax_enable_x64 else jnp.int32)
    base_table = jax.random.normal(k2, (BASE_LENGTH, EMBEDDING_DIM), dtype=jnp.float32)
    extended_table = jax.random.normal(k3, (MAX_LENGTH - BASE_LENGTH, EMBEDDING_DIM), dtype=jnp.float32)
    return {"positions": positions, "base_table": base_table, "extended_table": extended_table}


def reference(positions, base_table, extended_table):
    # base_mask = positions < base_length; extended_mask = positions >= base_length
    base_mask = positions < BASE_LENGTH
    # gather from both tables with safe (clipped) indices, then select per-row;
    # this reproduces embeddings[base_mask] = base_embeds / embeddings[ext_mask] = ext_embeds
    base_idx = jnp.where(base_mask, positions, 0)
    ext_idx = jnp.where(base_mask, 0, positions - BASE_LENGTH)
    base_embeds = jnp.take(base_table, base_idx, axis=0)
    ext_embeds = jnp.take(extended_table, ext_idx, axis=0)
    embeddings = jnp.where(base_mask[:, None], base_embeds, ext_embeds)
    return embeddings.astype(jnp.float32)

if __name__ == "__main__":
    import jax
    _d = setup_inputs()
    print(jax.jit(kernel)(*tuple(_d.values())))

</pallas_src>

<mosaic_0001>
#map = affine_map<(d0, d1) -> (0)>
#map1 = affine_map<(d0, d1) -> (0, 0)>
module attributes {stable_mosaic.version = 14 : i64} {
  func.func @_sc_embed(%arg0: i32, %arg1: i32, %arg2: memref<204800xi32, #tpu.memory_space<hbm>>, %arg3: memref<20x128xf32, #tpu.memory_space<hbm>>, %arg4: memref<180x128xf32, #tpu.memory_space<hbm>>, %arg5: memref<204800x128xf32, #tpu.memory_space<hbm>>, %arg6: memref<200x128xf32, #tpu.memory_space<vmem_shared>>, %arg7: memref<6400xi32, #tpu.memory_space<vmem>>, %arg8: memref<10x64x128xf32, #tpu.memory_space<vmem>>, %arg9: memref<10x!tpu.dma_semaphore, #tpu.memory_space<semaphore_mem>>, %arg10: memref<10x!tpu.dma_semaphore, #tpu.memory_space<semaphore_mem>>) attributes {dimension_semantics = [#tpu.dimension_semantics<core_parallel>, #tpu.dimension_semantics<subcore_parallel>], iteration_bounds = array<i64: 2, 16>, scalar_prefetch = 0 : i64, scratch_operands = 5 : i64, tpu.core_type = #tpu.core_type<sc_vector_subcore>, window_params = [{transform_indices = #map}, {transform_indices = #map1}, {transform_indices = #map1}, {transform_indices = #map1}]} {
    %mul3A = arith.constant 2 : i32
    %mul3A_0 = arith.muli %arg1, %mul3A : i32
    %add3A = arith.addi %mul3A_0, %arg0 : i32
    %mul3A_1 = arith.constant 6400 : i32
    %mul3A_2 = arith.muli %add3A, %mul3A_1 : i32
    %eq3A = arith.constant 0 : i32
    %eq3A_3 = arith.cmpi eq, %arg1, %eq3A : i32
    %convert_element_type3A = arith.extui %eq3A_3 : i1 to i32
    %cond3A = arith.constant 0 : i32
    %cond3A_4 = arith.cmpi ne, %convert_element_type3A, %cond3A : i32
    scf.if %cond3A_4 {
      "tpu.region"() ({
        %run_scoped3A = tpu.sem_alloc : memref<!tpu.dma_semaphore, #tpu.memory_space<semaphore_mem>>
        %dma_start3A_628 = arith.constant 0 : i32
        %dma_start3A_629 = arith.constant 0 : i32
        %dma_start3A_630 = tpu.memref_slice %arg6[%dma_start3A_628, %dma_start3A_629] : memref<200x128xf32, #tpu.memory_space<vmem_shared>> -> memref<20x128xf32, #tpu.memory_space<vmem_shared>>
        tpu.enqueue_dma source(%arg3 : memref<20x128xf32, #tpu.memory_space<hbm>>) target(%dma_start3A_630 : memref<20x128xf32, #tpu.memory_space<vmem_shared>>) target_semaphore(%run_scoped3A : memref<!tpu.dma_semaphore, #tpu.memory_space<semaphore_mem>>)
        %dma_wait3A_631 = arith.constant 0 : i32
        %dma_wait3A_632 = arith.constant 0 : i32
        %dma_wait3A_633 = tpu.memref_slice %arg6[%dma_wait3A_631, %dma_wait3A_632] : memref<200x128xf32, #tpu.memory_space<vmem_shared>> -> memref<20x128xf32, #tpu.memory_space<vmem_shared>>
        tpu.wait_dma2 semaphore(%run_scoped3A : memref<!tpu.dma_semaphore, #tpu.memory_space<semaphore_mem>>) src(%arg3 : memref<20x128xf32, #tpu.memory_space<hbm>>) dst(%dma_wait3A_633 : memref<20x128xf32, #tpu.memory_space<vmem_shared>>)
        tpu.yield
      }) : () -> ()
      "tpu.region"() ({
        %run_scoped3A = tpu.sem_alloc : memref<!tpu.dma_semaphore, #tpu.memory_space<semaphore_mem>>
        %dma_start3A_628 = arith.constant 20 : i32
        %dma_start3A_629 = arith.constant 0 : i32
        %dma_start3A_630 = tpu.memref_slice %arg6[%dma_start3A_628, %dma_start3A_629] : memref<200x128xf32, #tpu.memory_space<vmem_shared>> -> memref<180x128xf32, #tpu.memory_space<vmem_shared>>
        tpu.enqueue_dma source(%arg4 : memref<180x128xf32, #tpu.memory_space<hbm>>) target(%dma_start3A_630 : memref<180x128xf32, #tpu.memory_space<vmem_shared>>) target_semaphore(%run_scoped3A : memref<!tpu.dma_semaphore, #tpu.memory_space<semaphore_mem>>)
        %dma_wait3A_631 = arith.constant 20 : i32
        %dma_wait3A_632 = arith.constant 0 : i32
        %dma_wait3A_633 = tpu.memref_slice %arg6[%dma_wait3A_631, %dma_wait3A_632] : memref<200x128xf32, #tpu.memory_space<vmem_shared>> -> memref<180x128xf32, #tpu.memory_space<vmem_shared>>
        tpu.wait_dma2 semaphore(%run_scoped3A : memref<!tpu.dma_semaphore, #tpu.memory_space<semaphore_mem>>) src(%arg4 : memref<180x128xf32, #tpu.memory_space<hbm>>) dst(%dma_wait3A_633 : memref<180x128xf32, #tpu.memory_space<vmem_shared>>)
        tpu.yield
      }) : () -> ()
    } else {
    }
    "tpu.region"() ({
      %run_scoped3A = tpu.sem_alloc : memref<!tpu.dma_semaphore, #tpu.memory_space<semaphore_mem>>
      %dma_start3A_628 = tpu.memref_slice %arg2[%mul3A_2] : memref<204800xi32, #tpu.memory_space<hbm>> -> memref<6400xi32, #tpu.memory_space<hbm>>
      %dma_start3A_629 = tpu.memref_slice %arg2[%mul3A_2] : memref<204800xi32, #tpu.memory_space<hbm>> -> memref<6400xi32, #tpu.memory_space<hbm>>
      tpu.enqueue_dma source(%dma_start3A_629 : memref<6400xi32, #tpu.memory_space<hbm>>) target(%arg7 : memref<6400xi32, #tpu.memory_space<vmem>>) target_semaphore(%run_scoped3A : memref<!tpu.dma_semaphore, #tpu.memory_space<semaphore_mem>>)
      %dma_wait3A_630 = tpu.memref_slice %arg2[%mul3A_2] : memref<204800xi32, #tpu.memory_space<hbm>> -> memref<6400xi32, #tpu.memory_space<hbm>>
      %dma_wait3A_631 = tpu.memref_slice %arg2[%mul3A_2] : memref<204800xi32, #tpu.memory_space<hbm>> -> memref<6400xi32, #tpu.memory_space<hbm>>
      tpu.wait_dma2 semaphore(%run_scoped3A : memref<!tpu.dma_semaphore, #tpu.memory_space<semaphore_mem>>) src(%dma_wait3A_631 : memref<6400xi32, #tpu.memory_space<hbm>>) dst(%arg7 : memref<6400xi32, #tpu.memory_space<vmem>>)
      tpu.yield
    }) : () -> ()
    %barrier3A = arith.constant 0 : index
    tpu.barrier barrier_id(%barrier3A)
    %dma_start3A = arith.constant 0 : i32
    %dma_start3A_5 = arith.constant 0 : i32
    %dma_start3A_6 = arith.constant 0 : i32
    %dma_start3A_7 = arith.constant 0 : i32
    %dma_start3A_8 = tpu.memref_slice %arg8[%dma_start3A, %dma_start3A_6, %dma_start3A_7] : memref<10x64x128xf32, #tpu.memory_space<vmem>> -> memref<1x64x128xf32, #tpu.memory_space<vmem>>
    %dma_start3A_9 = tpu.memref_squeeze %dma_start3A_8 : memref<1x64x128xf32, #tpu.memory_space<vmem>> -> memref<64x128xf32, #tpu.memory_space<vmem>>
    %dma_start3A_10 = arith.constant 0 : i32
    %dma_start3A_11 = tpu.memref_slice %arg7[%dma_start3A_10] : memref<6400xi32, #tpu.memory_space<vmem>> -> memref<64xi32, #tpu.memory_space<vmem>>
    %dma_start3A_12 = arith.constant 0 : i32
    %dma_start3A_13 = arith.constant 0 : i32
    %dma_start3A_14 = tpu.memref_slice %arg6[%dma_start3A_12, %dma_start3A_13] : memref<200x128xf32, #tpu.memory_space<vmem_shared>> -> memref<200x128xf32, #tpu.memory_space<vmem_shared>>
    %dma_start3A_15 = tpu.memref_slice %arg9[%dma_start3A_5] : memref<10x!tpu.dma_semaphore, #tpu.memory_space<semaphore_mem>> -> memref<1x!tpu.dma_semaphore, #tpu.memory_space<semaphore_mem>>
    %dma_start3A_16 = tpu.memref_squeeze %dma_start3A_15 : memref<1x!tpu.dma_semaphore, #tpu.memory_space<semaphore_mem>> -> memref<!tpu.dma_semaphore, #tpu.memory_space<semaphore_mem>>
    tpu.enqueue_indirect_dma source(%dma_start3A_14 : memref<200x128xf32, #tpu.memory_space<vmem_shared>>) target(%dma_start3A_9 : memref<64x128xf32, #tpu.memory_space<vmem>>) offsets(%dma_start3A_11 : memref<64xi32, #tpu.memory_space<vmem>>) semaphore(%dma_start3A_16 : memref<!tpu.dma_semaphore, #tpu.memory_space<semaphore_mem>>)
    %dma_start3A_17 = arith.constant 1 : i32
    %dma_start3A_18 = arith.constant 1 : i32
    %dma_start3A_19 = arith.constant 0 : i32
    %dma_start3A_20 = arith.constant 0 : i32
    %dma_start3A_21 = tpu.memref_slice %arg8[%dma_start3A_17, %dma_start3A_19, %dma_start3A_20] : memref<10x64x128xf32, #tpu.memory_space<vmem>> -> memref<1x64x128xf32, #tpu.memory_space<vmem>>
    %dma_start3A_22 = tpu.memref_squeeze %dma_start3A_21 : memref<1x64x128xf32, #tpu.memory_space<vmem>> -> memref<64x128xf32, #tpu.memory_space<vmem>>
    %dma_start3A_23 = arith.constant 64 : i32
    %dma_start3A_24 = tpu.memref_slice %arg7[%dma_start3A_23] : memref<6400xi32, #tpu.memory_space<vmem>> -> memref<64xi32, #tpu.memory_space<vmem>>
    %dma_start3A_25 = arith.constant 0 : i32
    %dma_start3A_26 = arith.constant 0 : i32
    %dma_start3A_27 = tpu.memref_slice %arg6[%dma_start3A_25, %dma_start3A_26] : memref<200x128xf32, #tpu.memory_space<vmem_shared>> -> memref<200x128xf32, #tpu.memory_space<vmem_shared>>
    %dma_start3A_28 = tpu.memref_slice %arg9[%dma_start3A_18] : memref<10x!tpu.dma_semaphore, #tpu.memory_space<semaphore_mem>> -> memref<1x!tpu.dma_semaphore, #tpu.memory_space<semaphore_mem>>
    %dma_start3A_29 = tpu.memref_squeeze %dma_start3A_28 : memref<1x!tpu.dma_semaphore, #tpu.memory_space<semaphore_mem>> -> memref<!tpu.dma_semaphore, #tpu.memory_space<semaphore_mem>>
    tpu.enqueue_indirect_dma source(%dma_start3A_27 : memref<200x128xf32, #tpu.memory_space<vmem_shared>>) target(%dma_start3A_22 : memref<64x128xf32, #tpu.memory_space<vmem>>) offsets(%dma_start3A_24 : memref<64xi32, #tpu.memory_space<vmem>>) semaphore(%dma_start3A_29 : memref<!tpu.dma_semaphore, #tpu.memory_space<semaphore_mem>>)
    %dma_start3A_30 = arith.constant 2 : i32
    %dma_start3A_31 = arith.constant 2 : i32
    %dma_start3A_32 = arith.constant 0 : i32
    %dma_start3A_33 = arith.constant 0 : i32
    %dma_start3A_34 = tpu.memref_slice %arg8[%dma_start3A_30, %dma_start3A_32, %dma_start3A_33] : memref<10x64x128xf32, #tpu.memory_space<vmem>> -> memref<1x64x128xf32, #tpu.memory_space<vmem>>
    %dma_start3A_35 = tpu.memref_squeeze %dma_start3A_34 : memref<1x64x128xf32, #tpu.memory_space<vmem>> -> memref<64x128xf32, #tpu.memory_space<vmem>>
    %dma_start3A_36 = arith.constant 128 : i32
    %dma_start3A_37 = tpu.memref_slice %arg7[%dma_start3A_36] : memref<6400xi32, #tpu.memory_space<vmem>> -> memref<64xi32, #tpu.memory_space<vmem>>
    %dma_start3A_38 = arith.constant 0 : i32
    %dma_start3A_39 = arith.constant 0 : i32
    %dma_start3A_40 = tpu.memref_slice %arg6[%dma_start3A_38, %dma_start3A_39] : memref<200x128xf32, #tpu.memory_space<vmem_shared>> -> memref<200x128xf32, #tpu.memory_space<vmem_shared>>
    %dma_start3A_41 = tpu.memref_slice %arg9[%dma_start3A_31] : memref<10x!tpu.dma_semaphore, #tpu.memory_space<semaphore_mem>> -> memref<1x!tpu.dma_semaphore, #tpu.memory_space<semaphore_mem>>
    %dma_start3A_42 = tpu.memref_squeeze %dma_start3A_41 : memref<1x!tpu.dma_semaphore, #tpu.memory_space<semaphore_mem>> -> memref<!tpu.dma_semaphore, #tpu.memory_space<semaphore_mem>>
    tpu.enqueue_indirect_dma source(%dma_start3A_40 : memref<200x128xf32, #tpu.memory_space<vmem_shared>>) target(%dma_start3A_35 : memref<64x128xf32, #tpu.memory_space<vmem>>) offsets(%dma_start3A_37 : memref<64xi32, #tpu.memory_space<vmem>>) semaphore(%dma_start3A_42 : memref<!tpu.dma_semaphore, #tpu.memory_space<semaphore_mem>>)
    %dma_start3A_43 = arith.constant 3 : i32
    %dma_start3A_44 = arith.constant 3 : i32
    %dma_start3A_45 = arith.constant 0 : i32
    %dma_start3A_46 = arith.constant 0 : i32
    %dma_start3A_47 = tpu.memref_slice %arg8[%dma_start3A_43, %dma_start3A_45, %dma_start3A_46] : memref<10x64x128xf32, #tpu.memory_space<vmem>> -> memref<1x64x128xf32, #tpu.memory_space<vmem>>
    %dma_start3A_48 = tpu.memref_squeeze %dma_start3A_47 : memref<1x64x128xf32, #tpu.memory_space<vmem>> -> memref<64x128xf32, #tpu.memory_space<vmem>>
    %dma_start3A_49 = arith.constant 192 : i32
    %dma_start3A_50 = tpu.memref_slice %arg7[%dma_start3A_49] : memref<6400xi32, #tpu.memory_space<vmem>> -> memref<64xi32, #tpu.memory_space<vmem>>
    %dma_start3A_51 = arith.constant 0 : i32
    %dma_start3A_52 = arith.constant 0 : i32
    %dma_start3A_53 = tpu.memref_slice %arg6[%dma_start3A_51, %dma_start3A_52] : memref<200x128xf32, #tpu.memory_space<vmem_shared>> -> memref<200x128xf32, #tpu.memory_space<vmem_shared>>
    %dma_start3A_54 = tpu.memref_slice %arg9[%dma_start3A_44] : memref<10x!tpu.dma_semaphore, #tpu.memory_space<semaphore_mem>> -> memref<1x!tpu.dma_semaphore, #tpu.memory_space<semaphore_mem>>
    %dma_start3A_55 = tpu.memref_squeeze %dma_start3A_54 : memref<1x!tpu.dma_semaphore, #tpu.memory_space<semaphore_mem>> -> memref<!tpu.dma_semaphore, #tpu.memory_space<semaphore_mem>>
    tpu.enqueue_indirect_dma source(%dma_start3A_53 : memref<200x128xf32, #tpu.memory_space<vmem_shared>>) target(%dma_start3A_48 : memref<64x128xf32, #tpu.memory_space<vmem>>) offsets(%dma_start3A_50 : memref<64xi32, #tpu.memory_space<vmem>>) semaphore(%dma_start3A_55 : memref<!tpu.dma_semaphore, #tpu.memory_space<semaphore_mem>>)
    %dma_start3A_56 = arith.constant 4 : i32
    %dma_start3A_57 = arith.constant 4 : i32
    %dma_start3A_58 = arith.constant 0 : i32
    %dma_start3A_59 = arith.constant 0 : i32
    %dma_start3A_60 = tpu.memref_slice %arg8[%dma_start3A_56, %dma_start3A_58, %dma_start3A_59] : memref<10x64x128xf32, #tpu.memory_space<vmem>> -> memref<1x64x128xf32, #tpu.memory_space<vmem>>
    %dma_start3A_61 = tpu.memref_squeeze %dma_start3A_60 : memref<1x64x128xf32, #tpu.memory_space<vmem>> -> memref<64x128xf32, #tpu.memory_space<vmem>>
    %dma_start3A_62 = arith.constant 256 : i32
    %dma_start3A_63 = tpu.memref_slice %arg7[%dma_start3A_62] : memref<6400xi32, #tpu.memory_space<vmem>> -> memref<64xi32, #tpu.memory_space<vmem>>
    %dma_start3A_64 = arith.constant 0 : i32
    %dma_start3A_65 = arith.constant 0 : i32
    %dma_start3A_66 = tpu.memref_slice %arg6[%dma_start3A_64, %dma_start3A_65] : memref<200x128xf32, #tpu.memory_space<vmem_shared>> -> memref<200x128xf32, #tpu.memory_space<vmem_shared>>
    %dma_start3A_67 = tpu.memref_slice %arg9[%dma_start3A_57] : memref<10x!tpu.dma_semaphore, #tpu.memory_space<semaphore_mem>> -> memref<1x!tpu.dma_semaphore, #tpu.memory_space<semaphore_mem>>
    %dma_start3A_68 = tpu.memref_squeeze %dma_start3A_67 : memref<1x!tpu.dma_semaphore, #tpu.memory_space<semaphore_mem>> -> memref<!tpu.dma_semaphore, #tpu.memory_space<semaphore_mem>>
    tpu.enqueue_indirect_dma source(%dma_start3A_66 : memref<200x128xf32, #tpu.memory_space<vmem_shared>>) target(%dma_start3A_61 : memref<64x128xf32, #tpu.memory_space<vmem>>) offsets(%dma_start3A_63 : memref<64xi32, #tpu.memory_space<vmem>>) semaphore(%dma_start3A_68 : memref<!tpu.dma_semaphore, #tpu.memory_space<semaphore_mem>>)
    %dma_start3A_69 = arith.constant 5 : i32
    %dma_start3A_70 = arith.constant 5 : i32
    %dma_start3A_71 = arith.constant 0 : i32
    %dma_start3A_72 = arith.constant 0 : i32
    %dma_start3A_73 = tpu.memref_slice %arg8[%dma_start3A_69, %dma_start3A_71, %dma_start3A_72] : memref<10x64x128xf32, #tpu.memory_space<vmem>> -> memref<1x64x128xf32, #tpu.memory_space<vmem>>
    %dma_start3A_74 = tpu.memref_squeeze %dma_start3A_73 : memref<1x64x128xf32, #tpu.memory_space<vmem>> -> memref<64x128xf32, #tpu.memory_space<vmem>>
    %dma_start3A_75 = arith.constant 320 : i32
    %dma_start3A_76 = tpu.memref_slice %arg7[%dma_start3A_75] : memref<6400xi32, #tpu.memory_space<vmem>> -> memref<64xi32, #tpu.memory_space<vmem>>
    %dma_start3A_77 = arith.constant 0 : i32
    %dma_start3A_78 = arith.constant 0 : i32
    %dma_start3A_79 = tpu.memref_slice %arg6[%dma_start3A_77, %dma_start3A_78] : memref<200x128xf32, #tpu.memory_space<vmem_shared>> -> memref<200x128xf32, #tpu.memory_space<vmem_shared>>
    %dma_start3A_80 = tpu.memref_slice %arg9[%dma_start3A_70] : memref<10x!tpu.dma_semaphore, #tpu.memory_space<semaphore_mem>> -> memref<1x!tpu.dma_semaphore, #tpu.memory_space<semaphore_mem>>
    %dma_start3A_81 = tpu.memref_squeeze %dma_start3A_80 : memref<1x!tpu.dma_semaphore, #tpu.memory_space<semaphore_mem>> -> memref<!tpu.dma_semaphore, #tpu.memory_space<semaphore_mem>>
    tpu.enqueue_indirect_dma source(%dma_start3A_79 : memref<200x128xf32, #tpu.memory_space<vmem_shared>>) target(%dma_start3A_74 : memref<64x128xf32, #tpu.memory_space<vmem>>) offsets(%dma_start3A_76 : memref<64xi32, #tpu.memory_space<vmem>>) semaphore(%dma_start3A_81 : memref<!tpu.dma_semaphore, #tpu.memory_space<semaphore_mem>>)
    %dma_start3A_82 = arith.constant 6 : i32
    %dma_start3A_83 = arith.constant 6 : i32
    %dma_start3A_84 = arith.constant 0 : i32
    %dma_start3A_85 = arith.constant 0 : i32
    %dma_start3A_86 = tpu.memref_slice %arg8[%dma_start3A_82, %dma_start3A_84, %dma_start3A_85] : memref<10x64x128xf32, #tpu.memory_space<vmem>> -> memref<1x64x128xf32, #tpu.memory_space<vmem>>
    %dma_start3A_87 = tpu.memref_squeeze %dma_start3A_86 : memref<1x64x128xf32, #tpu.memory_space<vmem>> -> memref<64x128xf32, #tpu.memory_space<vmem>>
    %dma_start3A_88 = arith.constant 384 : i32
    %dma_start3A_89 = tpu.memref_slice %arg7[%dma_start3A_88] : memref<6400xi32, #tpu.memory_space<vmem>> -> memref<64xi32, #tpu.memory_space<vmem>>
    %dma_start3A_90 = arith.constant 0 : i32
    %dma_start3A_91 = arith.constant 0 : i32
    %dma_start3A_92 = tpu.memref_slice %arg6[%dma_start3A_90, %dma_start3A_91] : memref<200x128xf32, #tpu.memory_space<vmem_shared>> -> memref<200x128xf32, #tpu.memory_space<vmem_shared>>
    %dma_start3A_93 = tpu.memref_slice %arg9[%dma_start3A_83] : memref<10x!tpu.dma_semaphore, #tpu.memory_space<semaphore_mem>> -> memref<1x!tpu.dma_semaphore, #tpu.memory_space<semaphore_mem>>
    %dma_start3A_94 = tpu.memref_squeeze %dma_start3A_93 : memref<1x!tpu.dma_semaphore, #tpu.memory_space<semaphore_mem>> -> memref<!tpu.dma_semaphore, #tpu.memory_space<semaphore_mem>>
    tpu.enqueue_indirect_dma source(%dma_start3A_92 : memref<200x128xf32, #tpu.memory_space<vmem_shared>>) target(%dma_start3A_87 : memref<64x128xf32, #tpu.memory_space<vmem>>) offsets(%dma_start3A_89 : memref<64xi32, #tpu.memory_space<vmem>>) semaphore(%dma_start3A_94 : memref<!tpu.dma_semaphore, #tpu.memory_space<semaphore_mem>>)
    %dma_start3A_95 = arith.constant 7 : i32
    %dma_start3A_96 = arith.constant 7 : i32
    %dma_start3A_97 = arith.constant 0 : i32
    %dma_start3A_98 = arith.constant 0 : i32
    %dma_start3A_99 = tpu.memref_slice %arg8[%dma_start3A_95, %dma_start3A_97, %dma_start3A_98] : memref<10x64x128xf32, #tpu.memory_space<vmem>> -> memref<1x64x128xf32, #tpu.memory_space<vmem>>
    %dma_start3A_100 = tpu.memref_squeeze %dma_start3A_99 : memref<1x64x128xf32, #tpu.memory_space<vmem>> -> memref<64x128xf32, #tpu.memory_space<vmem>>
    %dma_start3A_101 = arith.constant 448 : i32
    %dma_start3A_102 = tpu.memref_slice %arg7[%dma_start3A_101] : memref<6400xi32, #tpu.memory_space<vmem>> -> memref<64xi32, #tpu.memory_space<vmem>>
    %dma_start3A_103 = arith.constant 0 : i32
    %dma_start3A_104 = arith.constant 0 : i32
    %dma_start3A_105 = tpu.memref_slice %arg6[%dma_start3A_103, %dma_start3A_104] : memref<200x128xf32, #tpu.memory_space<vmem_shared>> -> memref<200x128xf32, #tpu.memory_space<vmem_shared>>
    %dma_start3A_106 = tpu.memref_slice %arg9[%dma_start3A_96] : memref<10x!tpu.dma_semaphore, #tpu.memory_space<semaphore_mem>> -> memref<1x!tpu.dma_semaphore, #tpu.memory_space<semaphore_mem>>
    %dma_start3A_107 = tpu.memref_squeeze %dma_start3A_106 : memref<1x!tpu.dma_semaphore, #tpu.memory_space<semaphore_mem>> -> memref<!tpu.dma_semaphore, #tpu.memory_space<semaphore_mem>>
    tpu.enqueue_indirect_dma source(%dma_start3A_105 : memref<200x128xf32, #tpu.memory_space<vmem_shared>>) target(%dma_start3A_100 : memref<64x128xf32, #tpu.memory_space<vmem>>) offsets(%dma_start3A_102 : memref<64xi32, #tpu.memory_space<vmem>>) semaphore(%dma_start3A_107 : memref<!tpu.dma_semaphore, #tpu.memory_space<semaphore_mem>>)
    %dma_start3A_108 = arith.constant 8 : i32
    %dma_start3A_109 = arith.constant 8 : i32
    %dma_start3A_110 = arith.constant 0 : i32
    %dma_start3A_111 = arith.constant 0 : i32
    %dma_start3A_112 = tpu.memref_slice %arg8[%dma_start3A_108, %dma_start3A_110, %dma_start3A_111] : memref<10x64x128xf32, #tpu.memory_space<vmem>> -> memref<1x64x128xf32, #tpu.memory_space<vmem>>
    %dma_start3A_113 = tpu.memref_squeeze %dma_start3A_112 : memref<1x64x128xf32, #tpu.memory_space<vmem>> -> memref<64x128xf32, #tpu.memory_space<vmem>>
    %dma_start3A_114 = arith.constant 512 : i32
    %dma_start3A_115 = tpu.memref_slice %arg7[%dma_start3A_114] : memref<6400xi32, #tpu.memory_space<vmem>> -> memref<64xi32, #tpu.memory_space<vmem>>
    %dma_start3A_116 = arith.constant 0 : i32
    %dma_start3A_117 = arith.constant 0 : i32
    %dma_start3A_118 = tpu.memref_slice %arg6[%dma_start3A_116, %dma_start3A_117] : memref<200x128xf32, #tpu.memory_space<vmem_shared>> -> memref<200x128xf32, #tpu.memory_space<vmem_shared>>
    %dma_start3A_119 = tpu.memref_slice %arg9[%dma_start3A_109] : memref<10x!tpu.dma_semaphore, #tpu.memory_space<semaphore_mem>> -> memref<1x!tpu.dma_semaphore, #tpu.memory_space<semaphore_mem>>
    %dma_start3A_120 = tpu.memref_squeeze %dma_start3A_119 : memref<1x!tpu.dma_semaphore, #tpu.memory_space<semaphore_mem>> -> memref<!tpu.dma_semaphore, #tpu.memory_space<semaphore_mem>>
    tpu.enqueue_indirect_dma source(%dma_start3A_118 : memref<200x128xf32, #tpu.memory_space<vmem_shared>>) target(%dma_start3A_113 : memref<64x128xf32, #tpu.memory_space<vmem>>) offsets(%dma_start3A_115 : memref<64xi32, #tpu.memory_space<vmem>>) semaphore(%dma_start3A_120 : memref<!tpu.dma_semaphore, #tpu.memory_space<semaphore_mem>>)
    %dma_start3A_121 = arith.constant 9 : i32
    %dma_start3A_122 = arith.constant 9 : i32
    %dma_start3A_123 = arith.constant 0 : i32
    %dma_start3A_124 = arith.constant 0 : i32
    %dma_start3A_125 = tpu.memref_slice %arg8[%dma_start3A_121, %dma_start3A_123, %dma_start3A_124] : memref<10x64x128xf32, #tpu.memory_space<vmem>> -> memref<1x64x128xf32, #tpu.memory_space<vmem>>
    %dma_start3A_126 = tpu.memref_squeeze %dma_start3A_125 : memref<1x64x128xf32, #tpu.memory_space<vmem>> -> memref<64x128xf32, #tpu.memory_space<vmem>>
    %dma_start3A_127 = arith.constant 576 : i32
    %dma_start3A_128 = tpu.memref_slice %arg7[%dma_start3A_127] : memref<6400xi32, #tpu.memory_space<vmem>> -> memref<64xi32, #tpu.memory_space<vmem>>
    %dma_start3A_129 = arith.constant 0 : i32
    %dma_start3A_130 = arith.constant 0 : i32
    %dma_start3A_131 = tpu.memref_slice %arg6[%dma_start3A_129, %dma_start3A_130] : memref<200x128xf32, #tpu.memory_space<vmem_shared>> -> memref<200x128xf32, #tpu.memory_space<vmem_shared>>
    %dma_start3A_132 = tpu.memref_slice %arg9[%dma_start3A_122] : memref<10x!tpu.dma_semaphore, #tpu.memory_space<semaphore_mem>> -> memref<1x!tpu.dma_semaphore, #tpu.memory_space<semaphore_mem>>
    %dma_start3A_133 = tpu.memref_squeeze %dma_start3A_132 : memref<1x!tpu.dma_semaphore, #tpu.memory_space<semaphore_mem>> -> memref<!tpu.dma_semaphore, #tpu.memory_space<semaphore_mem>>
    tpu.enqueue_indirect_dma source(%dma_start3A_131 : memref<200x128xf32, #tpu.memory_space<vmem_shared>>) target(%dma_start3A_126 : memref<64x128xf32, #tpu.memory_space<vmem>>) offsets(%dma_start3A_128 : memref<64xi32, #tpu.memory_space<vmem>>) semaphore(%dma_start3A_133 : memref<!tpu.dma_semaphore, #tpu.memory_space<semaphore_mem>>)
    %scan3A = arith.constant 0 : i32
    %scan3A_134 = arith.constant 0 : i32
    %scan3A_135 = arith.constant 9 : i32
    %scan3A_136 = arith.addi %scan3A_134, %scan3A_135 : i32
    %scan3A_137 = arith.constant 1 : i32
    scf.for %scan3A_628 = %scan3A_134 to %scan3A_136 step %scan3A_137  : i32 {
      %mul3A_629 = arith.constant 10 : i32
      %mul3A_630 = arith.muli %scan3A_628, %mul3A_629 : i32
      %add3A_631 = arith.constant 0 : i32
      %add3A_632 = arith.addi %mul3A_630, %add3A_631 : i32
      %mul3A_633 = arith.constant 64 : i32
      %mul3A_634 = arith.muli %add3A_632, %mul3A_633 : i32
      %dma_wait3A_635 = arith.constant 0 : i32
      %dma_wait3A_636 = arith.constant 0 : i32
      %dma_wait3A_637 = arith.constant 0 : i32
      %dma_wait3A_638 = arith.constant 0 : i32
      %dma_wait3A_639 = tpu.memref_slice %arg8[%dma_wait3A_635, %dma_wait3A_637, %dma_wait3A_638] : memref<10x64x128xf32, #tpu.memory_space<vmem>> -> memref<1x64x128xf32, #tpu.memory_space<vmem>>
      %dma_wait3A_640 = tpu.memref_squeeze %dma_wait3A_639 : memref<1x64x128xf32, #tpu.memory_space<vmem>> -> memref<64x128xf32, #tpu.memory_space<vmem>>
      %dma_wait3A_641 = tpu.memref_slice %arg7[%mul3A_634] : memref<6400xi32, #tpu.memory_space<vmem>> -> memref<64xi32, #tpu.memory_space<vmem>>
      %dma_wait3A_642 = arith.constant 0 : i32
      %dma_wait3A_643 = arith.constant 0 : i32
      %dma_wait3A_644 = tpu.memref_slice %arg6[%dma_wait3A_642, %dma_wait3A_643] : memref<200x128xf32, #tpu.memory_space<vmem_shared>> -> memref<200x128xf32, #tpu.memory_space<vmem_shared>>
      %dma_wait3A_645 = tpu.memref_slice %arg9[%dma_wait3A_636] : memref<10x!tpu.dma_semaphore, #tpu.memory_space<semaphore_mem>> -> memref<1x!tpu.dma_semaphore, #tpu.memory_space<semaphore_mem>>
      %dma_wait3A_646 = tpu.memref_squeeze %dma_wait3A_645 : memref<1x!tpu.dma_semaphore, #tpu.memory_space<semaphore_mem>> -> memref<!tpu.dma_semaphore, #tpu.memory_space<semaphore_mem>>
      tpu.wait_indirect_dma semaphore(%dma_wait3A_646 : memref<!tpu.dma_semaphore, #tpu.memory_space<semaphore_mem>>) src(%dma_wait3A_644 : memref<200x128xf32, #tpu.memory_space<vmem_shared>>) dst(%dma_wait3A_640 : memref<64x128xf32, #tpu.memory_space<vmem>>)
      %add3A_647 = arith.constant 0 : i32
      %add3A_648 = arith.addi %mul3A_630, %add3A_647 : i32
      %mul3A_649 = arith.constant 64 : i32
      %mul3A_650 = arith.muli %add3A_648, %mul3A_649 : i32
      %add3A_651 = arith.addi %mul3A_2, %mul3A_650 : i32
      %dma_start3A_652 = arith.constant 0 : i32
      %dma_start3A_653 = arith.constant 0 : i32
      %dma_start3A_654 = arith.constant 0 : i32
      %dma_start3A_655 = arith.constant 0 : i32
      %dma_start3A_656 = tpu.memref_slice %arg8[%dma_start3A_652, %dma_start3A_654, %dma_start3A_655] : memref<10x64x128xf32, #tpu.memory_space<vmem>> -> memref<1x64x128xf32, #tpu.memory_space<vmem>>
      %dma_start3A_657 = tpu.memref_squeeze %dma_start3A_656 : memref<1x64x128xf32, #tpu.memory_space<vmem>> -> memref<64x128xf32, #tpu.memory_space<vmem>>
      %dma_start3A_658 = arith.constant 0 : i32
      %dma_start3A_659 = tpu.memref_slice %arg5[%add3A_651, %dma_start3A_658] : memref<204800x128xf32, #tpu.memory_space<hbm>> -> memref<64x128xf32, #tpu.memory_space<hbm>>
      %dma_start3A_660 = tpu.memref_slice %arg10[%dma_start3A_653] : memref<10x!tpu.dma_semaphore, #tpu.memory_space<semaphore_mem>> -> memref<1x!tpu.dma_semaphore, #tpu.memory_space<semaphore_mem>>
      %dma_start3A_661 = tpu.memref_squeeze %dma_start3A_660 : memref<1x!tpu.dma_semaphore, #tpu.memory_space<semaphore_mem>> -> memref<!tpu.dma_semaphore, #tpu.memory_space<semaphore_mem>>
      %dma_start3A_662 = arith.constant 0 : i32
      %dma_start3A_663 = tpu.memref_slice %arg5[%add3A_651, %dma_start3A_662] : memref<204800x128xf32, #tpu.memory_space<hbm>> -> memref<64x128xf32, #tpu.memory_space<hbm>>
      %dma_start3A_664 = arith.constant 0 : i32
      %dma_start3A_665 = arith.constant 0 : i32
      %dma_start3A_666 = tpu.memref_slice %arg8[%dma_start3A_652, %dma_start3A_664, %dma_start3A_665] : memref<10x64x128xf32, #tpu.memory_space<vmem>> -> memref<1x64x128xf32, #tpu.memory_space<vmem>>
      %dma_start3A_667 = tpu.memref_squeeze %dma_start3A_666 : memref<1x64x128xf32, #tpu.memory_space<vmem>> -> memref<64x128xf32, #tpu.memory_space<vmem>>
      tpu.enqueue_dma source(%dma_start3A_667 : memref<64x128xf32, #tpu.memory_space<vmem>>) target(%dma_start3A_663 : memref<64x128xf32, #tpu.memory_space<hbm>>) target_semaphore(%dma_start3A_661 : memref<!tpu.dma_semaphore, #tpu.memory_space<semaphore_mem>>)
      %add3A_668 = arith.constant 1 : i32
      %add3A_669 = arith.addi %mul3A_630, %add3A_668 : i32
      %mul3A_670 = arith.constant 64 : i32
      %mul3A_671 = arith.muli %add3A_669, %mul3A_670 : i32
      %dma_wait3A_672 = arith.constant 1 : i32
      %dma_wait3A_673 = arith.constant 1 : i32
      %dma_wait3A_674 = arith.constant 0 : i32
      %dma_wait3A_675 = arith.constant 0 : i32
      %dma_wait3A_676 = tpu.memref_slice %arg8[%dma_wait3A_672, %dma_wait3A_674, %dma_wait3A_675] : memref<10x64x128xf32, #tpu.memory_space<vmem>> -> memref<1x64x128xf32, #tpu.memory_space<vmem>>
      %dma_wait3A_677 = tpu.memref_squeeze %dma_wait3A_676 : memref<1x64x128xf32, #tpu.memory_space<vmem>> -> memref<64x128xf32, #tpu.memory_space<vmem>>
      %dma_wait3A_678 = tpu.memref_slice %arg7[%mul3A_671] : memref<6400xi32, #tpu.memory_space<vmem>> -> memref<64xi32, #tpu.memory_space<vmem>>
      %dma_wait3A_679 = arith.constant 0 : i32
      %dma_wait3A_680 = arith.constant 0 : i32
      %dma_wait3A_681 = tpu.memref_slice %arg6[%dma_wait3A_679, %dma_wait3A_680] : memref<200x128xf32, #tpu.memory_space<vmem_shared>> -> memref<200x128xf32, #tpu.memory_space<vmem_shared>>
      %dma_wait3A_682 = tpu.memref_slice %arg9[%dma_wait3A_673] : memref<10x!tpu.dma_semaphore, #tpu.memory_space<semaphore_mem>> -> memref<1x!tpu.dma_semaphore, #tpu.memory_space<semaphore_mem>>
      %dma_wait3A_683 = tpu.memref_squeeze %dma_wait3A_682 : memref<1x!tpu.dma_semaphore, #tpu.memory_space<semaphore_mem>> -> memref<!tpu.dma_semaphore, #tpu.memory_space<semaphore_mem>>
      tpu.wait_indirect_dma semaphore(%dma_wait3A_683 : memref<!tpu.dma_semaphore, #tpu.memory_space<semaphore_mem>>) src(%dma_wait3A_681 : memref<200x128xf32, #tpu.memory_space<vmem_shared>>) dst(%dma_wait3A_677 : memref<64x128xf32, #tpu.memory_space<vmem>>)
      %add3A_684 = arith.constant 1 : i32
      %add3A_685 = arith.addi %mul3A_630, %add3A_684 : i32
      %mul3A_686 = arith.constant 64 : i32
      %mul3A_687 = arith.muli %add3A_685, %mul3A_686 : i32
      %add3A_688 = arith.addi %mul3A_2, %mul3A_687 : i32
      %dma_start3A_689 = arith.constant 1 : i32
      %dma_start3A_690 = arith.constant 1 : i32
      %dma_start3A_691 = arith.constant 0 : i32
      %dma_start3A_692 = arith.constant 0 : i32
      %dma_start3A_693 = tpu.memref_slice %arg8[%dma_start3A_689, %dma_start3A_691, %dma_start3A_692] : memref<10x64x128xf32, #tpu.memory_space<vmem>> -> memref<1x64x128xf32, #tpu.memory_space<vmem>>
      %dma_start3A_694 = tpu.memref_squeeze %dma_start3A_693 : memref<1x64x128xf32, #tpu.memory_space<vmem>> -> memref<64x128xf32, #tpu.memory_space<vmem>>
      %dma_start3A_695 = arith.constant 0 : i32
      %dma_start3A_696 = tpu.memref_slice %arg5[%add3A_688, %dma_start3A_695] : memref<204800x128xf32, #tpu.memory_space<hbm>> -> memref<64x128xf32, #tpu.memory_space<hbm>>
      %dma_start3A_697 = tpu.memref_slice %arg10[%dma_start3A_690] : memref<10x!tpu.dma_semaphore, #tpu.memory_space<semaphore_mem>> -> memref<1x!tpu.dma_semaphore, #tpu.memory_space<semaphore_mem>>
      %dma_start3A_698 = tpu.memref_squeeze %dma_start3A_697 : memref<1x!tpu.dma_semaphore, #tpu.memory_space<semaphore_mem>> -> memref<!tpu.dma_semaphore, #tpu.memory_space<semaphore_mem>>
      %dma_start3A_699 = arith.constant 0 : i32
      %dma_start3A_700 = tpu.memref_slice %arg5[%add3A_688, %dma_start3A_699] : memref<204800x128xf32, #tpu.memory_space<hbm>> -> memref<64x128xf32, #tpu.memory_space<hbm>>
      %dma_start3A_701 = arith.constant 0 : i32
      %dma_start3A_702 = arith.constant 0 : i32
      %dma_start3A_703 = tpu.memref_slice %arg8[%dma_start3A_689, %dma_start3A_701, %dma_start3A_702] : memref<10x64x128xf32, #tpu.memory_space<vmem>> -> memref<1x64x128xf32, #tpu.memory_space<vmem>>
      %dma_start3A_704 = tpu.memref_squeeze %dma_start3A_703 : memref<1x64x128xf32, #tpu.memory_space<vmem>> -> memref<64x128xf32, #tpu.memory_space<vmem>>
      tpu.enqueue_dma source(%dma_start3A_704 : memref<64x128xf32, #tpu.memory_space<vmem>>) target(%dma_start3A_700 : memref<64x128xf32, #tpu.memory_space<hbm>>) target_semaphore(%dma_start3A_698 : memref<!tpu.dma_semaphore, #tpu.memory_space<semaphore_mem>>)
      %add3A_705 = arith.constant 2 : i32
      %add3A_706 = arith.addi %mul3A_630, %add3A_705 : i32
      %mul3A_707 = arith.constant 64 : i32
      %mul3A_708 = arith.muli %add3A_706, %mul3A_707 : i32
      %dma_wait3A_709 = arith.constant 2 : i32
      %dma_wait3A_710 = arith.constant 2 : i32
      %dma_wait3A_711 = arith.constant 0 : i32
      %dma_wait3A_712 = arith.constant 0 : i32
      %dma_wait3A_713 = tpu.memref_slice %arg8[%dma_wait3A_709, %dma_wait3A_711, %dma_wait3A_712] : memref<10x64x128xf32, #tpu.memory_space<vmem>> -> memref<1x64x128xf32, #tpu.memory_space<vmem>>
      %dma_wait3A_714 = tpu.memref_squeeze %dma_wait3A_713 : memref<1x64x128xf32, #tpu.memory_space<vmem>> -> memref<64x128xf32, #tpu.memory_space<vmem>>
      %dma_wait3A_715 = tpu.memref_slice %arg7[%mul3A_708] : memref<6400xi32, #tpu.memory_space<vmem>> -> memref<64xi32, #tpu.memory_space<vmem>>
      %dma_wait3A_716 = arith.constant 0 : i32
      %dma_wait3A_717 = arith.constant 0 : i32
      %dma_wait3A_718 = tpu.memref_slice %arg6[%dma_wait3A_716, %dma_wait3A_717] : memref<200x128xf32, #tpu.memory_space<vmem_shared>> -> memref<200x128xf32, #tpu.memory_space<vmem_shared>>
      %dma_wait3A_719 = tpu.memref_slice %arg9[%dma_wait3A_710] : memref<10x!tpu.dma_semaphore, #tpu.memory_space<semaphore_mem>> -> memref<1x!tpu.dma_semaphore, #tpu.memory_space<semaphore_mem>>
      %dma_wait3A_720 = tpu.memref_squeeze %dma_wait3A_719 : memref<1x!tpu.dma_semaphore, #tpu.memory_space<semaphore_mem>> -> memref<!tpu.dma_semaphore, #tpu.memory_space<semaphore_mem>>
      tpu.wait_indirect_dma semaphore(%dma_wait3A_720 : memref<!tpu.dma_semaphore, #tpu.memory_space<semaphore_mem>>) src(%dma_wait3A_718 : memref<200x128xf32, #tpu.memory_space<vmem_shared>>) dst(%dma_wait3A_714 : memref<64x128xf32, #tpu.memory_space<vmem>>)
      %add3A_721 = arith.constant 2 : i32
      %add3A_722 = arith.addi %mul3A_630, %add3A_721 : i32
      %mul3A_723 = arith.constant 64 : i32
      %mul3A_724 = arith.muli %add3A_722, %mul3A_723 : i32
      %add3A_725 = arith.addi %mul3A_2, %mul3A_724 : i32
      %dma_start3A_726 = arith.constant 2 : i32
      %dma_start3A_727 = arith.constant 2 : i32
      %dma_start3A_728 = arith.constant 0 : i32
      %dma_start3A_729 = arith.constant 0 : i32
      %dma_start3A_730 = tpu.memref_slice %arg8[%dma_start3A_726, %dma_start3A_728, %dma_start3A_729] : memref<10x64x128xf32, #tpu.memory_space<vmem>> -> memref<1x64x128xf32, #tpu.memory_space<vmem>>
      %dma_start3A_731 = tpu.memref_squeeze %dma_start3A_730 : memref<1x64x128xf32, #tpu.memory_space<vmem>> -> memref<64x128xf32, #tpu.memory_space<vmem>>
      %dma_start3A_732 = arith.constant 0 : i32
      %dma_start3A_733 = tpu.memref_slice %arg5[%add3A_725, %dma_start3A_732] : memref<204800x128xf32, #tpu.memory_space<hbm>> -> memref<64x128xf32, #tpu.memory_space<hbm>>
      %dma_start3A_734 = tpu.memref_slice %arg10[%dma_start3A_727] : memref<10x!tpu.dma_semaphore, #tpu.memory_space<semaphore_mem>> -> memref<1x!tpu.dma_semaphore, #tpu.memory_space<semaphore_mem>>
      %dma_start3A_735 = tpu.memref_squeeze %dma_start3A_734 : memref<1x!tpu.dma_semaphore, #tpu.memory_space<semaphore_mem>> -> memref<!tpu.dma_semaphore, #tpu.memory_space<semaphore_mem>>
      %dma_start3A_736 = arith.constant 0 : i32
      %dma_start3A_737 = tpu.memref_slice %arg5[%add3A_725, %dma_start3A_736] : memref<204800x128xf32, #tpu.memory_space<hbm>> -> memref<64x128xf32, #tpu.memory_space<hbm>>
      %dma_start3A_738 = arith.constant 0 : i32
      %dma_start3A_739 = arith.constant 0 : i32
      %dma_start3A_740 = tpu.memref_slice %arg8[%dma_start3A_726, %dma_start3A_738, %dma_start3A_739] : memref<10x64x128xf32, #tpu.memory_space<vmem>> -> memref<1x64x128xf32, #tpu.memory_space<vmem>>
      %dma_start3A_741 = tpu.memref_squeeze %dma_start3A_740 : memref<1x64x128xf32, #tpu.memory_space<vmem>> -> memref<64x128xf32, #tpu.memory_space<vmem>>
      tpu.enqueue_dma source(%dma_start3A_741 : memref<64x128xf32, #tpu.memory_space<vmem>>) target(%dma_start3A_737 : memref<64x128xf32, #tpu.memory_space<hbm>>) target_semaphore(%dma_start3A_735 : memref<!tpu.dma_semaphore, #tpu.memory_space<semaphore_mem>>)
      %add3A_742 = arith.constant 3 : i32
      %add3A_743 = arith.addi %mul3A_630, %add3A_742 : i32
      %mul3A_744 = arith.constant 64 : i32
      %mul3A_745 = arith.muli %add3A_743, %mul3A_744 : i32
      %dma_wait3A_746 = arith.constant 3 : i32
      %dma_wait3A_747 = arith.constant 3 : i32
      %dma_wait3A_748 = arith.constant 0 : i32
      %dma_wait3A_749 = arith.constant 0 : i32
      %dma_wait3A_750 = tpu.memref_slice %arg8[%dma_wait3A_746, %dma_wait3A_748, %dma_wait3A_749] : memref<10x64x128xf32, #tpu.memory_space<vmem>> -> memref<1x64x128xf32, #tpu.memory_space<vmem>>
      %dma_wait3A_751 = tpu.memref_squeeze %dma_wait3A_750 : memref<1x64x128xf32, #tpu.memory_space<vmem>> -> memref<64x128xf32, #tpu.memory_space<vmem>>
      %dma_wait3A_752 = tpu.memref_slice %arg7[%mul3A_745] : memref<6400xi32, #tpu.memory_space<vmem>> -> memref<64xi32, #tpu.memory_space<vmem>>
      %dma_wait3A_753 = arith.constant 0 : i32
      %dma_wait3A_754 = arith.constant 0 : i32
      %dma_wait3A_755 = tpu.memref_slice %arg6[%dma_wait3A_753, %dma_wait3A_754] : memref<200x128xf32, #tpu.memory_space<vmem_shared>> -> memref<200x128xf32, #tpu.memory_space<vmem_shared>>
      %dma_wait3A_756 = tpu.memref_slice %arg9[%dma_wait3A_747] : memref<10x!tpu.dma_semaphore, #tpu.memory_space<semaphore_mem>> -> memref<1x!tpu.dma_semaphore, #tpu.memory_space<semaphore_mem>>
      %dma_wait3A_757 = tpu.memref_squeeze %dma_wait3A_756 : memref<1x!tpu.dma_semaphore, #tpu.memory_space<semaphore_mem>> -> memref<!tpu.dma_semaphore, #tpu.memory_space<semaphore_mem>>
      tpu.wait_indirect_dma semaphore(%dma_wait3A_757 : memref<!tpu.dma_semaphore, #tpu.memory_space<semaphore_mem>>) src(%dma_wait3A_755 : memref<200x128xf32, #tpu.memory_space<vmem_shared>>) dst(%dma_wait3A_751 : memref<64x128xf32, #tpu.memory_space<vmem>>)
      %add3A_758 = arith.constant 3 : i32
      %add3A_759 = arith.addi %mul3A_630, %add3A_758 : i32
      %mul3A_760 = arith.constant 64 : i32
      %mul3A_761 = arith.muli %add3A_759, %mul3A_760 : i32
      %add3A_762 = arith.addi %mul3A_2, %mul3A_761 : i32
      %dma_start3A_763 = arith.constant 3 : i32
      %dma_start3A_764 = arith.constant 3 : i32
      %dma_start3A_765 = arith.constant 0 : i32
      %dma_start3A_766 = arith.constant 0 : i32
      %dma_start3A_767 = tpu.memref_slice %arg8[%dma_start3A_763, %dma_start3A_765, %dma_start3A_766] : memref<10x64x128xf32, #tpu.memory_space<vmem>> -> memref<1x64x128xf32, #tpu.memory_space<vmem>>
      %dma_start3A_768 = tpu.memref_squeeze %dma_start3A_767 : memref<1x64x128xf32, #tpu.memory_space<vmem>> -> memref<64x128xf32, #tpu.memory_space<vmem>>
      %dma_start3A_769 = arith.constant 0 : i32
      %dma_start3A_770 = tpu.memref_slice %arg5[%add3A_762, %dma_start3A_769] : memref<204800x128xf32, #tpu.memory_space<hbm>> -> memref<64x128xf32, #tpu.memory_space<hbm>>
      %dma_start3A_771 = tpu.memref_slice %arg10[%dma_start3A_764] : memref<10x!tpu.dma_semaphore, #tpu.memory_space<semaphore_mem>> -> memref<1x!tpu.dma_semaphore, #tpu.memory_space<semaphore_mem>>
      %dma_start3A_772 = tpu.memref_squeeze %dma_start3A_771 : memref<1x!tpu.dma_semaphore, #tpu.memory_space<semaphore_mem>> -> memref<!tpu.dma_semaphore, #tpu.memory_space<semaphore_mem>>
      %dma_start3A_773 = arith.constant 0 : i32
      %dma_start3A_774 = tpu.memref_slice %arg5[%add3A_762, %dma_start3A_773] : memref<204800x128xf32, #tpu.memory_space<hbm>> -> memref<64x128xf32, #tpu.memory_space<hbm>>
      %dma_start3A_775 = arith.constant 0 : i32
      %dma_start3A_776 = arith.constant 0 : i32
      %dma_start3A_777 = tpu.memref_slice %arg8[%dma_start3A_763, %dma_start3A_775, %dma_start3A_776] : memref<10x64x128xf32, #tpu.memory_space<vmem>> -> memref<1x64x128xf32, #tpu.memory_space<vmem>>
      %dma_start3A_778 = tpu.memref_squeeze %dma_start3A_777 : memref<1x64x128xf32, #tpu.memory_space<vmem>> -> memref<64x128xf32, #tpu.memory_space<vmem>>
      tpu.enqueue_dma source(%dma_start3A_778 : memref<64x128xf32, #tpu.memory_space<vmem>>) target(%dma_start3A_774 : memref<64x128xf32, #tpu.memory_space<hbm>>) target_semaphore(%dma_start3A_772 : memref<!tpu.dma_semaphore, #tpu.memory_space<semaphore_mem>>)
      %add3A_779 = arith.constant 4 : i32
      %add3A_780 = arith.addi %mul3A_630, %add3A_779 : i32
      %mul3A_781 = arith.constant 64 : i32
      %mul3A_782 = arith.muli %add3A_780, %mul3A_781 : i32
      %dma_wait3A_783 = arith.constant 4 : i32
      %dma_wait3A_784 = arith.constant 4 : i32
      %dma_wait3A_785 = arith.constant 0 : i32
      %dma_wait3A_786 = arith.constant 0 : i32
      %dma_wait3A_787 = tpu.memref_slice %arg8[%dma_wait3A_783, %dma_wait3A_785, %dma_wait3A_786] : memref<10x64x128xf32, #tpu.memory_space<vmem>> -> memref<1x64x128xf32, #tpu.memory_space<vmem>>
      %dma_wait3A_788 = tpu.memref_squeeze %dma_wait3A_787 : memref<1x64x128xf32, #tpu.memory_space<vmem>> -> memref<64x128xf32, #tpu.memory_space<vmem>>
      %dma_wait3A_789 = tpu.memref_slice %arg7[%mul3A_782] : memref<6400xi32, #tpu.memory_space<vmem>> -> memref<64xi32, #tpu.memory_space<vmem>>
      %dma_wait3A_790 = arith.constant 0 : i32
      %dma_wait3A_791 = arith.constant 0 : i32
      %dma_wait3A_792 = tpu.memref_slice %arg6[%dma_wait3A_790, %dma_wait3A_791] : memref<200x128xf32, #tpu.memory_space<vmem_shared>> -> memref<200x128xf32, #tpu.memory_space<vmem_shared>>
      %dma_wait3A_793 = tpu.memref_slice %arg9[%dma_wait3A_784] : memref<10x!tpu.dma_semaphore, #tpu.memory_space<semaphore_mem>> -> memref<1x!tpu.dma_semaphore, #tpu.memory_space<semaphore_mem>>
      %dma_wait3A_794 = tpu.memref_squeeze %dma_wait3A_793 : memref<1x!tpu.dma_semaphore, #tpu.memory_space<semaphore_mem>> -> memref<!tpu.dma_semaphore, #tpu.memory_space<semaphore_mem>>
      tpu.wait_indirect_dma semaphore(%dma_wait3A_794 : memref<!tpu.dma_semaphore, #tpu.memory_space<semaphore_mem>>) src(%dma_wait3A_792 : memref<200x128xf32, #tpu.memory_space<vmem_shared>>) dst(%dma_wait3A_788 : memref<64x128xf32, #tpu.memory_space<vmem>>)
      %add3A_795 = arith.constant 4 : i32
      %add3A_796 = arith.addi %mul3A_630, %add3A_795 : i32
      %mul3A_797 = arith.constant 64 : i32
      %mul3A_798 = arith.muli %add3A_796, %mul3A_797 : i32
      %add3A_799 = arith.addi %mul3A_2, %mul3A_798 : i32
      %dma_start3A_800 = arith.constant 4 : i32
      %dma_start3A_801 = arith.constant 4 : i32
      %dma_start3A_802 = arith.constant 0 : i32
      %dma_start3A_803 = arith.constant 0 : i32
      %dma_start3A_804 = tpu.memref_slice %arg8[%dma_start3A_800, %dma_start3A_802, %dma_start3A_803] : memref<10x64x128xf32, #tpu.memory_space<vmem>> -> memref<1x64x128xf32, #tpu.memory_space<vmem>>
      %dma_start3A_805 = tpu.memref_squeeze %dma_start3A_804 : memref<1x64x128xf32, #tpu.memory_space<vmem>> -> memref<64x128xf32, #tpu.memory_space<vmem>>
      %dma_start3A_806 = arith.constant 0 : i32
      %dma_start3A_807 = tpu.memref_slice %arg5[%add3A_799, %dma_start3A_806] : memref<204800x128xf32, #tpu.memory_space<hbm>> -> memref<64x128xf32, #tpu.memory_space<hbm>>
      %dma_start3A_808 = tpu.memref_slice %arg10[%dma_start3A_801] : memref<10x!tpu.dma_semaphore, #tpu.memory_space<semaphore_mem>> -> memref<1x!tpu.dma_semaphore, #tpu.memory_space<semaphore_mem>>
      %dma_start3A_809 = tpu.memref_squeeze %dma_start3A_808 : memref<1x!tpu.dma_semaphore, #tpu.memory_space<semaphore_mem>> -> memref<!tpu.dma_semaphore, #tpu.memory_space<semaphore_mem>>
      %dma_start3A_810 = arith.constant 0 : i32
      %dma_start3A_811 = tpu.memref_slice %arg5[%add3A_799, %dma_start3A_810] : memref<204800x128xf32, #tpu.memory_space<hbm>> -> memref<64x128xf32, #tpu.memory_space<hbm>>
      %dma_start3A_812 = arith.constant 0 : i32
      %dma_start3A_813 = arith.constant 0 : i32
      %dma_start3A_814 = tpu.memref_slice %arg8[%dma_start3A_800, %dma_start3A_812, %dma_start3A_813] : memref<10x64x128xf32, #tpu.memory_space<vmem>> -> memref<1x64x128xf32, #tpu.memory_space<vmem>>
      %dma_start3A_815 = tpu.memref_squeeze %dma_start3A_814 : memref<1x64x128xf32, #tpu.memory_space<vmem>> -> memref<64x128xf32, #tpu.memory_space<vmem>>
      tpu.enqueue_dma source(%dma_start3A_815 : memref<64x128xf32, #tpu.memory_space<vmem>>) target(%dma_start3A_811 : memref<64x128xf32, #tpu.memory_space<hbm>>) target_semaphore(%dma_start3A_809 : memref<!tpu.dma_semaphore, #tpu.memory_space<semaphore_mem>>)
      %add3A_816 = arith.constant 5 : i32
      %add3A_817 = arith.addi %mul3A_630, %add3A_816 : i32
      %mul3A_818 = arith.constant 64 : i32
      %mul3A_819 = arith.muli %add3A_817, %mul3A_818 : i32
      %dma_wait3A_820 = arith.constant 5 : i32
      %dma_wait3A_821 = arith.constant 5 : i32
      %dma_wait3A_822 = arith.constant 0 : i32
      %dma_wait3A_823 = arith.constant 0 : i32
      %dma_wait3A_824 = tpu.memref_slice %arg8[%dma_wait3A_820, %dma_wait3A_822, %dma_wait3A_823] : memref<10x64x128xf32, #tpu.memory_space<vmem>> -> memref<1x64x128xf32, #tpu.memory_space<vmem>>
      %dma_wait3A_825 = tpu.memref_squeeze %dma_wait3A_824 : memref<1x64x128xf32, #tpu.memory_space<vmem>> -> memref<64x128xf32, #tpu.memory_space<vmem>>
      %dma_wait3A_826 = tpu.memref_slice %arg7[%mul3A_819] : memref<6400xi32, #tpu.memory_space<vmem>> -> memref<64xi32, #tpu.memory_space<vmem>>
      %dma_wait3A_827 = arith.constant 0 : i32
      %dma_wait3A_828 = arith.constant 0 : i32
      %dma_wait3A_829 = tpu.memref_slice %arg6[%dma_wait3A_827, %dma_wait3A_828] : memref<200x128xf32, #tpu.memory_space<vmem_shared>> -> memref<200x128xf32, #tpu.memory_space<vmem_shared>>
      %dma_wait3A_830 = tpu.memref_slice %arg9[%dma_wait3A_821] : memref<10x!tpu.dma_semaphore, #tpu.memory_space<semaphore_mem>> -> memref<1x!tpu.dma_semaphore, #tpu.memory_space<semaphore_mem>>
      %dma_wait3A_831 = tpu.memref_squeeze %dma_wait3A_830 : memref<1x!tpu.dma_semaphore, #tpu.memory_space<semaphore_mem>> -> memref<!tpu.dma_semaphore, #tpu.memory_space<semaphore_mem>>
      tpu.wait_indirect_dma semaphore(%dma_wait3A_831 : memref<!tpu.dma_semaphore, #tpu.memory_space<semaphore_mem>>) src(%dma_wait3A_829 : memref<200x128xf32, #tpu.memory_space<vmem_shared>>) dst(%dma_wait3A_825 : memref<64x128xf32, #tpu.memory_space<vmem>>)
      %add3A_832 = arith.constant 5 : i32
      %add3A_833 = arith.addi %mul3A_630, %add3A_832 : i32
      %mul3A_834 = arith.constant 64 : i32
      %mul3A_835 = arith.muli %add3A_833, %mul3A_834 : i32
      %add3A_836 = arith.addi %mul3A_2, %mul3A_835 : i32
      %dma_start3A_837 = arith.constant 5 : i32
      %dma_start3A_838 = arith.constant 5 : i32
      %dma_start3A_839 = arith.constant 0 : i32
      %dma_start3A_840 = arith.constant 0 : i32
      %dma_start3A_841 = tpu.memref_slice %arg8[%dma_start3A_837, %dma_start3A_839, %dma_start3A_840] : memref<10x64x128xf32, #tpu.memory_space<vmem>> -> memref<1x64x128xf32, #tpu.memory_space<vmem>>
      %dma_start3A_842 = tpu.memref_squeeze %dma_start3A_841 : memref<1x64x128xf32, #tpu.memory_space<vmem>> -> memref<64x128xf32, #tpu.memory_space<vmem>>
      %dma_start3A_843 = arith.constant 0 : i32
      %dma_start3A_844 = tpu.memref_slice %arg5[%add3A_836, %dma_start3A_843] : memref<204800x128xf32, #tpu.memory_space<hbm>> -> memref<64x128xf32, #tpu.memory_space<hbm>>
      %dma_start3A_845 = tpu.memref_slice %arg10[%dma_start3A_838] : memref<10x!tpu.dma_semaphore, #tpu.memory_space<semaphore_mem>> -> memref<1x!tpu.dma_semaphore, #tpu.memory_space<semaphore_mem>>
      %dma_start3A_846 = tpu.memref_squeeze %dma_start3A_845 : memref<1x!tpu.dma_semaphore, #tpu.memory_space<semaphore_mem>> -> memref<!tpu.dma_semaphore, #tpu.memory_space<semaphore_mem>>
      %dma_start3A_847 = arith.constant 0 : i32
      %dma_start3A_848 = tpu.memref_slice %arg5[%add3A_836, %dma_start3A_847] : memref<204800x128xf32, #tpu.memory_space<hbm>> -> memref<64x128xf32, #tpu.memory_space<hbm>>
      %dma_start3A_849 = arith.constant 0 : i32
      %dma_start3A_850 = arith.constant 0 : i32
      %dma_start3A_851 = tpu.memref_slice %arg8[%dma_start3A_837, %dma_start3A_849, %dma_start3A_850] : memref<10x64x128xf32, #tpu.memory_space<vmem>> -> memref<1x64x128xf32, #tpu.memory_space<vmem>>
      %dma_start3A_852 = tpu.memref_squeeze %dma_start3A_851 : memref<1x64x128xf32, #tpu.memory_space<vmem>> -> memref<64x128xf32, #tpu.memory_space<vmem>>
      tpu.enqueue_dma source(%dma_start3A_852 : memref<64x128xf32, #tpu.memory_space<vmem>>) target(%dma_start3A_848 : memref<64x128xf32, #tpu.memory_space<hbm>>) target_semaphore(%dma_start3A_846 : memref<!tpu.dma_semaphore, #tpu.memory_space<semaphore_mem>>)
      %add3A_853 = arith.constant 6 : i32
      %add3A_854 = arith.addi %mul3A_630, %add3A_853 : i32
      %mul3A_855 = arith.constant 64 : i32
      %mul3A_856 = arith.muli %add3A_854, %mul3A_855 : i32
      %dma_wait3A_857 = arith.constant 6 : i32
      %dma_wait3A_858 = arith.constant 6 : i32
      %dma_wait3A_859 = arith.constant 0 : i32
      %dma_wait3A_860 = arith.constant 0 : i32
      %dma_wait3A_861 = tpu.memref_slice %arg8[%dma_wait3A_857, %dma_wait3A_859, %dma_wait3A_860] : memref<10x64x128xf32, #tpu.memory_space<vmem>> -> memref<1x64x128xf32, #tpu.memory_space<vmem>>
      %dma_wait3A_862 = tpu.memref_squeeze %dma_wait3A_861 : memref<1x64x128xf32, #tpu.memory_space<vmem>> -> memref<64x128xf32, #tpu.memory_space<vmem>>
      %dma_wait3A_863 = tpu.memref_slice %arg7[%mul3A_856] : memref<6400xi32, #tpu.memory_space<vmem>> -> memref<64xi32, #tpu.memory_space<vmem>>
      %dma_wait3A_864 = arith.constant 0 : i32
      %dma_wait3A_865 = arith.constant 0 : i32
      %dma_wait3A_866 = tpu.memref_slice %arg6[%dma_wait3A_864, %dma_wait3A_865] : memref<200x128xf32, #tpu.memory_space<vmem_shared>> -> memref<200x128xf32, #tpu.memory_space<vmem_shared>>
      %dma_wait3A_867 = tpu.memref_slice %arg9[%dma_wait3A_858] : memref<10x!tpu.dma_semaphore, #tpu.memory_space<semaphore_mem>> -> memref<1x!tpu.dma_semaphore, #tpu.memory_space<semaphore_mem>>
      %dma_wait3A_868 = tpu.memref_squeeze %dma_wait3A_867 : memref<1x!tpu.dma_semaphore, #tpu.memory_space<semaphore_mem>> -> memref<!tpu.dma_semaphore, #tpu.memory_space<semaphore_mem>>
      tpu.wait_indirect_dma semaphore(%dma_wait3A_868 : memref<!tpu.dma_semaphore, #tpu.memory_space<semaphore_mem>>) src(%dma_wait3A_866 : memref<200x128xf32, #tpu.memory_space<vmem_shared>>) dst(%dma_wait3A_862 : memref<64x128xf32, #tpu.memory_space<vmem>>)
      %add3A_869 = arith.constant 6 : i32
      %add3A_870 = arith.addi %mul3A_630, %add3A_869 : i32
      %mul3A_871 = arith.constant 64 : i32
      %mul3A_872 = arith.muli %add3A_870, %mul3A_871 : i32
      %add3A_873 = arith.addi %mul3A_2, %mul3A_872 : i32
      %dma_start3A_874 = arith.constant 6 : i32
      %dma_start3A_875 = arith.constant 6 : i32
      %dma_start3A_876 = arith.constant 0 : i32
      %dma_start3A_877 = arith.constant 0 : i32
      %dma_start3A_878 = tpu.memref_slice %arg8[%dma_start3A_874, %dma_start3A_876, %dma_start3A_877] : memref<10x64x128xf32, #tpu.memory_space<vmem>> -> memref<1x64x128xf32, #tpu.memory_space<vmem>>
      %dma_start3A_879 = tpu.memref_squeeze %dma_start3A_878 : memref<1x64x128xf32, #tpu.memory_space<vmem>> -> memref<64x128xf32, #tpu.memory_space<vmem>>
      %dma_start3A_880 = arith.constant 0 : i32
      %dma_start3A_881 = tpu.memref_slice %arg5[%add3A_873, %dma_start3A_880] : memref<204800x128xf32, #tpu.memory_space<hbm>> -> memref<64x128xf32, #tpu.memory_space<hbm>>
      %dma_start3A_882 = tpu.memref_slice %arg10[%dma_start3A_875] : memref<10x!tpu.dma_semaphore, #tpu.memory_space<semaphore_mem>> -> memref<1x!tpu.dma_semaphore, #tpu.memory_space<semaphore_mem>>
      %dma_start3A_883 = tpu.memref_squeeze %dma_start3A_882 : memref<1x!tpu.dma_semaphore, #tpu.memory_space<semaphore_mem>> -> memref<!tpu.dma_semaphore, #tpu.memory_space<semaphore_mem>>
      %dma_start3A_884 = arith.constant 0 : i32
      %dma_start3A_885 = tpu.memref_slice %arg5[%add3A_873, %dma_start3A_884] : memref<204800x128xf32, #tpu.memory_space<hbm>> -> memref<64x128xf32, #tpu.memory_space<hbm>>
      %dma_start3A_886 = arith.constant 0 : i32
      %dma_start3A_887 = arith.constant 0 : i32
      %dma_start3A_888 = tpu.memref_slice %arg8[%dma_start3A_874, %dma_start3A_886, %dma_start3A_887] : memref<10x64x128xf32, #tpu.memory_space<vmem>> -> memref<1x64x128xf32, #tpu.memory_space<vmem>>
      %dma_start3A_889 = tpu.memref_squeeze %dma_start3A_888 : memref<1x64x128xf32, #tpu.memory_space<vmem>> -> memref<64x128xf32, #tpu.memory_space<vmem>>
      tpu.enqueue_dma source(%dma_start3A_889 : memref<64x128xf32, #tpu.memory_space<vmem>>) target(%dma_start3A_885 : memref<64x128xf32, #tpu.memory_space<hbm>>) target_semaphore(%dma_start3A_883 : memref<!tpu.dma_semaphore, #tpu.memory_space<semaphore_mem>>)
      %add3A_890 = arith.constant 7 : i32
      %add3A_891 = arith.addi %mul3A_630, %add3A_890 : i32
      %mul3A_892 = arith.constant 64 : i32
      %mul3A_893 = arith.muli %add3A_891, %mul3A_892 : i32
      %dma_wait3A_894 = arith.constant 7 : i32
      %dma_wait3A_895 = arith.constant 7 : i32
      %dma_wait3A_896 = arith.constant 0 : i32
      %dma_wait3A_897 = arith.constant 0 : i32
      %dma_wait3A_898 = tpu.memref_slice %arg8[%dma_wait3A_894, %dma_wait3A_896, %dma_wait3A_897] : memref<10x64x128xf32, #tpu.memory_space<vmem>> -> memref<1x64x128xf32, #tpu.memory_space<vmem>>
      %dma_wait3A_899 = tpu.memref_squeeze %dma_wait3A_898 : memref<1x64x128xf32, #tpu.memory_space<vmem>> -> memref<64x128xf32, #tpu.memory_space<vmem>>
      %dma_wait3A_900 = tpu.memref_slice %arg7[%mul3A_893] : memref<6400xi32, #tpu.memory_space<vmem>> -> memref<64xi32, #tpu.memory_space<vmem>>
      %dma_wait3A_901 = arith.constant 0 : i32
      %dma_wait3A_902 = arith.constant 0 : i32
      %dma_wait3A_903 = tpu.memref_slice %arg6[%dma_wait3A_901, %dma_wait3A_902] : memref<200x128xf32, #tpu.memory_space<vmem_shared>> -> memref<200x128xf32, #tpu.memory_space<vmem_shared>>
      %dma_wait3A_904 = tpu.memref_slice %arg9[%dma_wait3A_895] : memref<10x!tpu.dma_semaphore, #tpu.memory_space<semaphore_mem>> -> memref<1x!tpu.dma_semaphore, #tpu.memory_space<semaphore_mem>>
      %dma_wait3A_905 = tpu.memref_squeeze %dma_wait3A_904 : memref<1x!tpu.dma_semaphore, #tpu.memory_space<semaphore_mem>> -> memref<!tpu.dma_semaphore, #tpu.memory_space<semaphore_mem>>
      tpu.wait_indirect_dma semaphore(%dma_wait3A_905 : memref<!tpu.dma_semaphore, #tpu.memory_space<semaphore_mem>>) src(%dma_wait3A_903 : memref<200x128xf32, #tpu.memory_space<vmem_shared>>) dst(%dma_wait3A_899 : memref<64x128xf32, #tpu.memory_space<vmem>>)
      %add3A_906 = arith.constant 7 : i32
      %add3A_907 = arith.addi %mul3A_630, %add3A_906 : i32
      %mul3A_908 = arith.constant 64 : i32
      %mul3A_909 = arith.muli %add3A_907, %mul3A_908 : i32
      %add3A_910 = arith.addi %mul3A_2, %mul3A_909 : i32
      %dma_start3A_911 = arith.constant 7 : i32
      %dma_start3A_912 = arith.constant 7 : i32
      %dma_start3A_913 = arith.constant 0 : i32
      %dma_start3A_914 = arith.constant 0 : i32
      %dma_start3A_915 = tpu.memref_slice %arg8[%dma_start3A_911, %dma_start3A_913, %dma_start3A_914] : memref<10x64x128xf32, #tpu.memory_space<vmem>> -> memref<1x64x128xf32, #tpu.memory_space<vmem>>
      %dma_start3A_916 = tpu.memref_squeeze %dma_start3A_915 : memref<1x64x128xf32, #tpu.memory_space<vmem>> -> memref<64x128xf32, #tpu.memory_space<vmem>>
      %dma_start3A_917 = arith.constant 0 : i32
      %dma_start3A_918 = tpu.memref_slice %arg5[%add3A_910, %dma_start3A_917] : memref<204800x128xf32, #tpu.memory_space<hbm>> -> memref<64x128xf32, #tpu.memory_space<hbm>>
      %dma_start3A_919 = tpu.memref_slice %arg10[%dma_start3A_912] : memref<10x!tpu.dma_semaphore, #tpu.memory_space<semaphore_mem>> -> memref<1x!tpu.dma_semaphore, #tpu.memory_space<semaphore_mem>>
      %dma_start3A_920 = tpu.memref_squeeze %dma_start3A_919 : memref<1x!tpu.dma_semaphore, #tpu.memory_space<semaphore_mem>> -> memref<!tpu.dma_semaphore, #tpu.memory_space<semaphore_mem>>
      %dma_start3A_921 = arith.constant 0 : i32
      %dma_start3A_922 = tpu.memref_slice %arg5[%add3A_910, %dma_start3A_921] : memref<204800x128xf32, #tpu.memory_space<hbm>> -> memref<64x128xf32, #tpu.memory_space<hbm>>
      %dma_start3A_923 = arith.constant 0 : i32
      %dma_start3A_924 = arith.constant 0 : i32
      %dma_start3A_925 = tpu.memref_slice %arg8[%dma_start3A_911, %dma_start3A_923, %dma_start3A_924] : memref<10x64x128xf32, #tpu.memory_space<vmem>> -> memref<1x64x128xf32, #tpu.memory_space<vmem>>
      %dma_start3A_926 = tpu.memref_squeeze %dma_start3A_925 : memref<1x64x128xf32, #tpu.memory_space<vmem>> -> memref<64x128xf32, #tpu.memory_space<vmem>>
      tpu.enqueue_dma source(%dma_start3A_926 : memref<64x128xf32, #tpu.memory_space<vmem>>) target(%dma_start3A_922 : memref<64x128xf32, #tpu.memory_space<hbm>>) target_semaphore(%dma_start3A_920 : memref<!tpu.dma_semaphore, #tpu.memory_space<semaphore_mem>>)
      %add3A_927 = arith.constant 8 : i32
      %add3A_928 = arith.addi %mul3A_630, %add3A_927 : i32
      %mul3A_929 = arith.constant 64 : i32
      %mul3A_930 = arith.muli %add3A_928, %mul3A_929 : i32
      %dma_wait3A_931 = arith.constant 8 : i32
      %dma_wait3A_932 = arith.constant 8 : i32
      %dma_wait3A_933 = arith.constant 0 : i32
      %dma_wait3A_934 = arith.constant 0 : i32
      %dma_wait3A_935 = tpu.memref_slice %arg8[%dma_wait3A_931, %dma_wait3A_933, %dma_wait3A_934] : memref<10x64x128xf32, #tpu.memory_space<vmem>> -> memref<1x64x128xf32, #tpu.memory_space<vmem>>
      %dma_wait3A_936 = tpu.memref_squeeze %dma_wait3A_935 : memref<1x64x128xf32, #tpu.memory_space<vmem>> -> memref<64x128xf32, #tpu.memory_space<vmem>>
      %dma_wait3A_937 = tpu.memref_slice %arg7[%mul3A_930] : memref<6400xi32, #tpu.memory_space<vmem>> -> memref<64xi32, #tpu.memory_space<vmem>>
      %dma_wait3A_938 = arith.constant 0 : i32
      %dma_wait3A_939 = arith.constant 0 : i32
      %dma_wait3A_940 = tpu.memref_slice %arg6[%dma_wait3A_938, %dma_wait3A_939] : memref<200x128xf32, #tpu.memory_space<vmem_shared>> -> memref<200x128xf32, #tpu.memory_space<vmem_shared>>
      %dma_wait3A_941 = tpu.memref_slice %arg9[%dma_wait3A_932] : memref<10x!tpu.dma_semaphore, #tpu.memory_space<semaphore_mem>> -> memref<1x!tpu.dma_semaphore, #tpu.memory_space<semaphore_mem>>
      %dma_wait3A_942 = tpu.memref_squeeze %dma_wait3A_941 : memref<1x!tpu.dma_semaphore, #tpu.memory_space<semaphore_mem>> -> memref<!tpu.dma_semaphore, #tpu.memory_space<semaphore_mem>>
      tpu.wait_indirect_dma semaphore(%dma_wait3A_942 : memref<!tpu.dma_semaphore, #tpu.memory_space<semaphore_mem>>) src(%dma_wait3A_940 : memref<200x128xf32, #tpu.memory_space<vmem_shared>>) dst(%dma_wait3A_936 : memref<64x128xf32, #tpu.memory_space<vmem>>)
      %add3A_943 = arith.constant 8 : i32
      %add3A_944 = arith.addi %mul3A_630, %add3A_943 : i32
      %mul3A_945 = arith.constant 64 : i32
      %mul3A_946 = arith.muli %add3A_944, %mul3A_945 : i32
      %add3A_947 = arith.addi %mul3A_2, %mul3A_946 : i32
      %dma_start3A_948 = arith.constant 8 : i32
      %dma_start3A_949 = arith.constant 8 : i32
      %dma_start3A_950 = arith.constant 0 : i32
      %dma_start3A_951 = arith.constant 0 : i32
      %dma_start3A_952 = tpu.memref_slice %arg8[%dma_start3A_948, %dma_start3A_950, %dma_start3A_951] : memref<10x64x128xf32, #tpu.memory_space<vmem>> -> memref<1x64x128xf32, #tpu.memory_space<vmem>>
      %dma_start3A_953 = tpu.memref_squeeze %dma_start3A_952 : memref<1x64x128xf32, #tpu.memory_space<vmem>> -> memref<64x128xf32, #tpu.memory_space<vmem>>
      %dma_start3A_954 = arith.constant 0 : i32
      %dma_start3A_955 = tpu.memref_slice %arg5[%add3A_947, %dma_start3A_954] : memref<204800x128xf32, #tpu.memory_space<hbm>> -> memref<64x128xf32, #tpu.memory_space<hbm>>
      %dma_start3A_956 = tpu.memref_slice %arg10[%dma_start3A_949] : memref<10x!tpu.dma_semaphore, #tpu.memory_space<semaphore_mem>> -> memref<1x!tpu.dma_semaphore, #tpu.memory_space<semaphore_mem>>
      %dma_start3A_957 = tpu.memref_squeeze %dma_start3A_956 : memref<1x!tpu.dma_semaphore, #tpu.memory_space<semaphore_mem>> -> memref<!tpu.dma_semaphore, #tpu.memory_space<semaphore_mem>>
      %dma_start3A_958 = arith.constant 0 : i32
      %dma_start3A_959 = tpu.memref_slice %arg5[%add3A_947, %dma_start3A_958] : memref<204800x128xf32, #tpu.memory_space<hbm>> -> memref<64x128xf32, #tpu.memory_space<hbm>>
      %dma_start3A_960 = arith.constant 0 : i32
      %dma_start3A_961 = arith.constant 0 : i32
      %dma_start3A_962 = tpu.memref_slice %arg8[%dma_start3A_948, %dma_start3A_960, %dma_start3A_961] : memref<10x64x128xf32, #tpu.memory_space<vmem>> -> memref<1x64x128xf32, #tpu.memory_space<vmem>>
      %dma_start3A_963 = tpu.memref_squeeze %dma_start3A_962 : memref<1x64x128xf32, #tpu.memory_space<vmem>> -> memref<64x128xf32, #tpu.memory_space<vmem>>
      tpu.enqueue_dma source(%dma_start3A_963 : memref<64x128xf32, #tpu.memory_space<vmem>>) target(%dma_start3A_959 : memref<64x128xf32, #tpu.memory_space<hbm>>) target_semaphore(%dma_start3A_957 : memref<!tpu.dma_semaphore, #tpu.memory_space<semaphore_mem>>)
      %add3A_964 = arith.constant 9 : i32
      %add3A_965 = arith.addi %mul3A_630, %add3A_964 : i32
      %mul3A_966 = arith.constant 64 : i32
      %mul3A_967 = arith.muli %add3A_965, %mul3A_966 : i32
      %dma_wait3A_968 = arith.constant 9 : i32
      %dma_wait3A_969 = arith.constant 9 : i32
      %dma_wait3A_970 = arith.constant 0 : i32
      %dma_wait3A_971 = arith.constant 0 : i32
      %dma_wait3A_972 = tpu.memref_slice %arg8[%dma_wait3A_968, %dma_wait3A_970, %dma_wait3A_971] : memref<10x64x128xf32, #tpu.memory_space<vmem>> -> memref<1x64x128xf32, #tpu.memory_space<vmem>>
      %dma_wait3A_973 = tpu.memref_squeeze %dma_wait3A_972 : memref<1x64x128xf32, #tpu.memory_space<vmem>> -> memref<64x128xf32, #tpu.memory_space<vmem>>
      %dma_wait3A_974 = tpu.memref_slice %arg7[%mul3A_967] : memref<6400xi32, #tpu.memory_space<vmem>> -> memref<64xi32, #tpu.memory_space<vmem>>
      %dma_wait3A_975 = arith.constant 0 : i32
      %dma_wait3A_976 = arith.constant 0 : i32
      %dma_wait3A_977 = tpu.memref_slice %arg6[%dma_wait3A_975, %dma_wait3A_976] : memref<200x128xf32, #tpu.memory_space<vmem_shared>> -> memref<200x128xf32, #tpu.memory_space<vmem_shared>>
      %dma_wait3A_978 = tpu.memref_slice %arg9[%dma_wait3A_969] : memref<10x!tpu.dma_semaphore, #tpu.memory_space<semaphore_mem>> -> memref<1x!tpu.dma_semaphore, #tpu.memory_space<semaphore_mem>>
      %dma_wait3A_979 = tpu.memref_squeeze %dma_wait3A_978 : memref<1x!tpu.dma_semaphore, #tpu.memory_space<semaphore_mem>> -> memref<!tpu.dma_semaphore, #tpu.memory_space<semaphore_mem>>
      tpu.wait_indirect_dma semaphore(%dma_wait3A_979 : memref<!tpu.dma_semaphore, #tpu.memory_space<semaphore_mem>>) src(%dma_wait3A_977 : memref<200x128xf32, #tpu.memory_space<vmem_shared>>) dst(%dma_wait3A_973 : memref<64x128xf32, #tpu.memory_space<vmem>>)
      %add3A_980 = arith.constant 9 : i32
      %add3A_981 = arith.addi %mul3A_630, %add3A_980 : i32
      %mul3A_982 = arith.constant 64 : i32
      %mul3A_983 = arith.muli %add3A_981, %mul3A_982 : i32
      %add3A_984 = arith.addi %mul3A_2, %mul3A_983 : i32
      %dma_start3A_985 = arith.constant 9 : i32
      %dma_start3A_986 = arith.constant 9 : i32
      %dma_start3A_987 = arith.constant 0 : i32
      %dma_start3A_988 = arith.constant 0 : i32
      %dma_start3A_989 = tpu.memref_slice %arg8[%dma_start3A_985, %dma_start3A_987, %dma_start3A_988] : memref<10x64x128xf32, #tpu.memory_space<vmem>> -> memref<1x64x128xf32, #tpu.memory_space<vmem>>
      %dma_start3A_990 = tpu.memref_squeeze %dma_start3A_989 : memref<1x64x128xf32, #tpu.memory_space<vmem>> -> memref<64x128xf32, #tpu.memory_space<vmem>>
      %dma_start3A_991 = arith.constant 0 : i32
      %dma_start3A_992 = tpu.memref_slice %arg5[%add3A_984, %dma_start3A_991] : memref<204800x128xf32, #tpu.memory_space<hbm>> -> memref<64x128xf32, #tpu.memory_space<hbm>>
      %dma_start3A_993 = tpu.memref_slice %arg10[%dma_start3A_986] : memref<10x!tpu.dma_semaphore, #tpu.memory_space<semaphore_mem>> -> memref<1x!tpu.dma_semaphore, #tpu.memory_space<semaphore_mem>>
      %dma_start3A_994 = tpu.memref_squeeze %dma_start3A_993 : memref<1x!tpu.dma_semaphore, #tpu.memory_space<semaphore_mem>> -> memref<!tpu.dma_semaphore, #tpu.memory_space<semaphore_mem>>
      %dma_start3A_995 = arith.constant 0 : i32
      %dma_start3A_996 = tpu.memref_slice %arg5[%add3A_984, %dma_start3A_995] : memref<204800x128xf32, #tpu.memory_space<hbm>> -> memref<64x128xf32, #tpu.memory_space<hbm>>
      %dma_start3A_997 = arith.constant 0 : i32
      %dma_start3A_998 = arith.constant 0 : i32
      %dma_start3A_999 = tpu.memref_slice %arg8[%dma_start3A_985, %dma_start3A_997, %dma_start3A_998] : memref<10x64x128xf32, #tpu.memory_space<vmem>> -> memref<1x64x128xf32, #tpu.memory_space<vmem>>
      %dma_start3A_1000 = tpu.memref_squeeze %dma_start3A_999 : memref<1x64x128xf32, #tpu.memory_space<vmem>> -> memref<64x128xf32, #tpu.memory_space<vmem>>
      tpu.enqueue_dma source(%dma_start3A_1000 : memref<64x128xf32, #tpu.memory_space<vmem>>) target(%dma_start3A_996 : memref<64x128xf32, #tpu.memory_space<hbm>>) target_semaphore(%dma_start3A_994 : memref<!tpu.dma_semaphore, #tpu.memory_space<semaphore_mem>>)
      %add3A_1001 = arith.constant 0 : i32
      %add3A_1002 = arith.addi %mul3A_630, %add3A_1001 : i32
      %mul3A_1003 = arith.constant 64 : i32
      %mul3A_1004 = arith.muli %add3A_1002, %mul3A_1003 : i32
      %add3A_1005 = arith.addi %mul3A_2, %mul3A_1004 : i32
      %dma_wait3A_1006 = arith.constant 0 : i32
      %dma_wait3A_1007 = arith.constant 0 : i32
      %dma_wait3A_1008 = arith.constant 0 : i32
      %dma_wait3A_1009 = arith.constant 0 : i32
      %dma_wait3A_1010 = tpu.memref_slice %arg8[%dma_wait3A_1006, %dma_wait3A_1008, %dma_wait3A_1009] : memref<10x64x128xf32, #tpu.memory_space<vmem>> -> memref<1x64x128xf32, #tpu.memory_space<vmem>>
      %dma_wait3A_1011 = tpu.memref_squeeze %dma_wait3A_1010 : memref<1x64x128xf32, #tpu.memory_space<vmem>> -> memref<64x128xf32, #tpu.memory_space<vmem>>
      %dma_wait3A_1012 = arith.constant 0 : i32
      %dma_wait3A_1013 = tpu.memref_slice %arg5[%add3A_1005, %dma_wait3A_1012] : memref<204800x128xf32, #tpu.memory_space<hbm>> -> memref<64x128xf32, #tpu.memory_space<hbm>>
      %dma_wait3A_1014 = tpu.memref_slice %arg10[%dma_wait3A_1007] : memref<10x!tpu.dma_semaphore, #tpu.memory_space<semaphore_mem>> -> memref<1x!tpu.dma_semaphore, #tpu.memory_space<semaphore_mem>>
      %dma_wait3A_1015 = tpu.memref_squeeze %dma_wait3A_1014 : memref<1x!tpu.dma_semaphore, #tpu.memory_space<semaphore_mem>> -> memref<!tpu.dma_semaphore, #tpu.memory_space<semaphore_mem>>
      %dma_wait3A_1016 = arith.constant 0 : i32
      %dma_wait3A_1017 = tpu.memref_slice %arg5[%add3A_1005, %dma_wait3A_1016] : memref<204800x128xf32, #tpu.memory_space<hbm>> -> memref<64x128xf32, #tpu.memory_space<hbm>>
      %dma_wait3A_1018 = arith.constant 0 : i32
      %dma_wait3A_1019 = arith.constant 0 : i32
      %dma_wait3A_1020 = tpu.memref_slice %arg8[%dma_wait3A_1006, %dma_wait3A_1018, %dma_wait3A_1019] : memref<10x64x128xf32, #tpu.memory_space<vmem>> -> memref<1x64x128xf32, #tpu.memory_space<vmem>>
      %dma_wait3A_1021 = tpu.memref_squeeze %dma_wait3A_1020 : memref<1x64x128xf32, #tpu.memory_space<vmem>> -> memref<64x128xf32, #tpu.memory_space<vmem>>
      tpu.wait_dma2 semaphore(%dma_wait3A_1015 : memref<!tpu.dma_semaphore, #tpu.memory_space<semaphore_mem>>) src(%dma_wait3A_1021 : memref<64x128xf32, #tpu.memory_space<vmem>>) dst(%dma_wait3A_1017 : memref<64x128xf32, #tpu.memory_space<hbm>>)
      %add3A_1022 = arith.constant 10 : i32
      %add3A_1023 = arith.addi %mul3A_630, %add3A_1022 : i32
      %add3A_1024 = arith.constant 0 : i32
      %add3A_1025 = arith.addi %add3A_1023, %add3A_1024 : i32
      %mul3A_1026 = arith.constant 64 : i32
      %mul3A_1027 = arith.muli %add3A_1025, %mul3A_1026 : i32
      %dma_start3A_1028 = arith.constant 0 : i32
      %dma_start3A_1029 = arith.constant 0 : i32
      %dma_start3A_1030 = arith.constant 0 : i32
      %dma_start3A_1031 = arith.constant 0 : i32
      %dma_start3A_1032 = tpu.memref_slice %arg8[%dma_start3A_1028, %dma_start3A_1030, %dma_start3A_1031] : memref<10x64x128xf32, #tpu.memory_space<vmem>> -> memref<1x64x128xf32, #tpu.memory_space<vmem>>
      %dma_start3A_1033 = tpu.memref_squeeze %dma_start3A_1032 : memref<1x64x128xf32, #tpu.memory_space<vmem>> -> memref<64x128xf32, #tpu.memory_space<vmem>>
      %dma_start3A_1034 = tpu.memref_slice %arg7[%mul3A_1027] : memref<6400xi32, #tpu.memory_space<vmem>> -> memref<64xi32, #tpu.memory_space<vmem>>
      %dma_start3A_1035 = arith.constant 0 : i32
      %dma_start3A_1036 = arith.constant 0 : i32
      %dma_start3A_1037 = tpu.memref_slice %arg6[%dma_start3A_1035, %dma_start3A_1036] : memref<200x128xf32, #tpu.memory_space<vmem_shared>> -> memref<200x128xf32, #tpu.memory_space<vmem_shared>>
      %dma_start3A_1038 = tpu.memref_slice %arg9[%dma_start3A_1029] : memref<10x!tpu.dma_semaphore, #tpu.memory_space<semaphore_mem>> -> memref<1x!tpu.dma_semaphore, #tpu.memory_space<semaphore_mem>>
      %dma_start3A_1039 = tpu.memref_squeeze %dma_start3A_1038 : memref<1x!tpu.dma_semaphore, #tpu.memory_space<semaphore_mem>> -> memref<!tpu.dma_semaphore, #tpu.memory_space<semaphore_mem>>
      tpu.enqueue_indirect_dma source(%dma_start3A_1037 : memref<200x128xf32, #tpu.memory_space<vmem_shared>>) target(%dma_start3A_1033 : memref<64x128xf32, #tpu.memory_space<vmem>>) offsets(%dma_start3A_1034 : memref<64xi32, #tpu.memory_space<vmem>>) semaphore(%dma_start3A_1039 : memref<!tpu.dma_semaphore, #tpu.memory_space<semaphore_mem>>)
      %add3A_1040 = arith.constant 1 : i32
      %add3A_1041 = arith.addi %mul3A_630, %add3A_1040 : i32
      %mul3A_1042 = arith.constant 64 : i32
      %mul3A_1043 = arith.muli %add3A_1041, %mul3A_1042 : i32
      %add3A_1044 = arith.addi %mul3A_2, %mul3A_1043 : i32
      %dma_wait3A_1045 = arith.constant 1 : i32
      %dma_wait3A_1046 = arith.constant 1 : i32
      %dma_wait3A_1047 = arith.constant 0 : i32
      %dma_wait3A_1048 = arith.constant 0 : i32
      %dma_wait3A_1049 = tpu.memref_slice %arg8[%dma_wait3A_1045, %dma_wait3A_1047, %dma_wait3A_1048] : memref<10x64x128xf32, #tpu.memory_space<vmem>> -> memref<1x64x128xf32, #tpu.memory_space<vmem>>
      %dma_wait3A_1050 = tpu.memref_squeeze %dma_wait3A_1049 : memref<1x64x128xf32, #tpu.memory_space<vmem>> -> memref<64x128xf32, #tpu.memory_space<vmem>>
      %dma_wait3A_1051 = arith.constant 0 : i32
      %dma_wait3A_1052 = tpu.memref_slice %arg5[%add3A_1044, %dma_wait3A_1051] : memref<204800x128xf32, #tpu.memory_space<hbm>> -> memref<64x128xf32, #tpu.memory_space<hbm>>
      %dma_wait3A_1053 = tpu.memref_slice %arg10[%dma_wait3A_1046] : memref<10x!tpu.dma_semaphore, #tpu.memory_space<semaphore_mem>> -> memref<1x!tpu.dma_semaphore, #tpu.memory_space<semaphore_mem>>
      %dma_wait3A_1054 = tpu.memref_squeeze %dma_wait3A_1053 : memref<1x!tpu.dma_semaphore, #tpu.memory_space<semaphore_mem>> -> memref<!tpu.dma_semaphore, #tpu.memory_space<semaphore_mem>>
      %dma_wait3A_1055 = arith.constant 0 : i32
      %dma_wait3A_1056 = tpu.memref_slice %arg5[%add3A_1044, %dma_wait3A_1055] : memref<204800x128xf32, #tpu.memory_space<hbm>> -> memref<64x128xf32, #tpu.memory_space<hbm>>
      %dma_wait3A_1057 = arith.constant 0 : i32
      %dma_wait3A_1058 = arith.constant 0 : i32
      %dma_wait3A_1059 = tpu.memref_slice %arg8[%dma_wait3A_1045, %dma_wait3A_1057, %dma_wait3A_1058] : memref<10x64x128xf32, #tpu.memory_space<vmem>> -> memref<1x64x128xf32, #tpu.memory_space<vmem>>
      %dma_wait3A_1060 = tpu.memref_squeeze %dma_wait3A_1059 : memref<1x64x128xf32, #tpu.memory_space<vmem>> -> memref<64x128xf32, #tpu.memory_space<vmem>>
      tpu.wait_dma2 semaphore(%dma_wait3A_1054 : memref<!tpu.dma_semaphore, #tpu.memory_space<semaphore_mem>>) src(%dma_wait3A_1060 : memref<64x128xf32, #tpu.memory_space<vmem>>) dst(%dma_wait3A_1056 : memref<64x128xf32, #tpu.memory_space<hbm>>)
      %add3A_1061 = arith.constant 10 : i32
      %add3A_1062 = arith.addi %mul3A_630, %add3A_1061 : i32
      %add3A_1063 = arith.constant 1 : i32
      %add3A_1064 = arith.addi %add3A_1062, %add3A_1063 : i32
      %mul3A_1065 = arith.constant 64 : i32
      %mul3A_1066 = arith.muli %add3A_1064, %mul3A_1065 : i32
      %dma_start3A_1067 = arith.constant 1 : i32
      %dma_start3A_1068 = arith.constant 1 : i32
      %dma_start3A_1069 = arith.constant 0 : i32
      %dma_start3A_1070 = arith.constant 0 : i32
      %dma_start3A_1071 = tpu.memref_slice %arg8[%dma_start3A_1067, %dma_start3A_1069, %dma_start3A_1070] : memref<10x64x128xf32, #tpu.memory_space<vmem>> -> memref<1x64x128xf32, #tpu.memory_space<vmem>>
      %dma_start3A_1072 = tpu.memref_squeeze %dma_start3A_1071 : memref<1x64x128xf32, #tpu.memory_space<vmem>> -> memref<64x128xf32, #tpu.memory_space<vmem>>
      %dma_start3A_1073 = tpu.memref_slice %arg7[%mul3A_1066] : memref<6400xi32, #tpu.memory_space<vmem>> -> memref<64xi32, #tpu.memory_space<vmem>>
      %dma_start3A_1074 = arith.constant 0 : i32
      %dma_start3A_1075 = arith.constant 0 : i32
      %dma_start3A_1076 = tpu.memref_slice %arg6[%dma_start3A_1074, %dma_start3A_1075] : memref<200x128xf32, #tpu.memory_space<vmem_shared>> -> memref<200x128xf32, #tpu.memory_space<vmem_shared>>
      %dma_start3A_1077 = tpu.memref_slice %arg9[%dma_start3A_1068] : memref<10x!tpu.dma_semaphore, #tpu.memory_space<semaphore_mem>> -> memref<1x!tpu.dma_semaphore, #tpu.memory_space<semaphore_mem>>
      %dma_start3A_1078 = tpu.memref_squeeze %dma_start3A_1077 : memref<1x!tpu.dma_semaphore, #tpu.memory_space<semaphore_mem>> -> memref<!tpu.dma_semaphore, #tpu.memory_space<semaphore_mem>>
      tpu.enqueue_indirect_dma source(%dma_start3A_1076 : memref<200x128xf32, #tpu.memory_space<vmem_shared>>) target(%dma_start3A_1072 : memref<64x128xf32, #tpu.memory_space<vmem>>) offsets(%dma_start3A_1073 : memref<64xi32, #tpu.memory_space<vmem>>) semaphore(%dma_start3A_1078 : memref<!tpu.dma_semaphore, #tpu.memory_space<semaphore_mem>>)
      %add3A_1079 = arith.constant 2 : i32
      %add3A_1080 = arith.addi %mul3A_630, %add3A_1079 : i32
      %mul3A_1081 = arith.constant 64 : i32
      %mul3A_1082 = arith.muli %add3A_1080, %mul3A_1081 : i32
      %add3A_1083 = arith.addi %mul3A_2, %mul3A_1082 : i32
      %dma_wait3A_1084 = arith.constant 2 : i32
      %dma_wait3A_1085 = arith.constant 2 : i32
      %dma_wait3A_1086 = arith.constant 0 : i32
      %dma_wait3A_1087 = arith.constant 0 : i32
      %dma_wait3A_1088 = tpu.memref_slice %arg8[%dma_wait3A_1084, %dma_wait3A_1086, %dma_wait3A_1087] : memref<10x64x128xf32, #tpu.memory_space<vmem>> -> memref<1x64x128xf32, #tpu.memory_space<vmem>>
      %dma_wait3A_1089 = tpu.memref_squeeze %dma_wait3A_1088 : memref<1x64x128xf32, #tpu.memory_space<vmem>> -> memref<64x128xf32, #tpu.memory_space<vmem>>
      %dma_wait3A_1090 = arith.constant 0 : i32
      %dma_wait3A_1091 = tpu.memref_slice %arg5[%add3A_1083, %dma_wait3A_1090] : memref<204800x128xf32, #tpu.memory_space<hbm>> -> memref<64x128xf32, #tpu.memory_space<hbm>>
      %dma_wait3A_1092 = tpu.memref_slice %arg10[%dma_wait3A_1085] : memref<10x!tpu.dma_semaphore, #tpu.memory_space<semaphore_mem>> -> memref<1x!tpu.dma_semaphore, #tpu.memory_space<semaphore_mem>>
      %dma_wait3A_1093 = tpu.memref_squeeze %dma_wait3A_1092 : memref<1x!tpu.dma_semaphore, #tpu.memory_space<semaphore_mem>> -> memref<!tpu.dma_semaphore, #tpu.memory_space<semaphore_mem>>
      %dma_wait3A_1094 = arith.constant 0 : i32
      %dma_wait3A_1095 = tpu.memref_slice %arg5[%add3A_1083, %dma_wait3A_1094] : memref<204800x128xf32, #tpu.memory_space<hbm>> -> memref<64x128xf32, #tpu.memory_space<hbm>>
      %dma_wait3A_1096 = arith.constant 0 : i32
      %dma_wait3A_1097 = arith.constant 0 : i32
      %dma_wait3A_1098 = tpu.memref_slice %arg8[%dma_wait3A_1084, %dma_wait3A_1096, %dma_wait3A_1097] : memref<10x64x128xf32, #tpu.memory_space<vmem>> -> memref<1x64x128xf32, #tpu.memory_space<vmem>>
      %dma_wait3A_1099 = tpu.memref_squeeze %dma_wait3A_1098 : memref<1x64x128xf32, #tpu.memory_space<vmem>> -> memref<64x128xf32, #tpu.memory_space<vmem>>
      tpu.wait_dma2 semaphore(%dma_wait3A_1093 : memref<!tpu.dma_semaphore, #tpu.memory_space<semaphore_mem>>) src(%dma_wait3A_1099 : memref<64x128xf32, #tpu.memory_space<vmem>>) dst(%dma_wait3A_1095 : memref<64x128xf32, #tpu.memory_space<hbm>>)
      %add3A_1100 = arith.constant 10 : i32
      %add3A_1101 = arith.addi %mul3A_630, %add3A_1100 : i32
      %add3A_1102 = arith.constant 2 : i32
      %add3A_1103 = arith.addi %add3A_1101, %add3A_1102 : i32
      %mul3A_1104 = arith.constant 64 : i32
      %mul3A_1105 = arith.muli %add3A_1103, %mul3A_1104 : i32
      %dma_start3A_1106 = arith.constant 2 : i32
      %dma_start3A_1107 = arith.constant 2 : i32
      %dma_start3A_1108 = arith.constant 0 : i32
      %dma_start3A_1109 = arith.constant 0 : i32
      %dma_start3A_1110 = tpu.memref_slice %arg8[%dma_start3A_1106, %dma_start3A_1108, %dma_start3A_1109] : memref<10x64x128xf32, #tpu.memory_space<vmem>> -> memref<1x64x128xf32, #tpu.memory_space<vmem>>
      %dma_start3A_1111 = tpu.memref_squeeze %dma_start3A_1110 : memref<1x64x128xf32, #tpu.memory_space<vmem>> -> memref<64x128xf32, #tpu.memory_space<vmem>>
      %dma_start3A_1112 = tpu.memref_slice %arg7[%mul3A_1105] : memref<6400xi32, #tpu.memory_space<vmem>> -> memref<64xi32, #tpu.memory_space<vmem>>
      %dma_start3A_1113 = arith.constant 0 : i32
      %dma_start3A_1114 = arith.constant 0 : i32
      %dma_start3A_1115 = tpu.memref_slice %arg6[%dma_start3A_1113, %dma_start3A_1114] : memref<200x128xf32, #tpu.memory_space<vmem_shared>> -> memref<200x128xf32, #tpu.memory_space<vmem_shared>>
      %dma_start3A_1116 = tpu.memref_slice %arg9[%dma_start3A_1107] : memref<10x!tpu.dma_semaphore, #tpu.memory_space<semaphore_mem>> -> memref<1x!tpu.dma_semaphore, #tpu.memory_space<semaphore_mem>>
      %dma_start3A_1117 = tpu.memref_squeeze %dma_start3A_1116 : memref<1x!tpu.dma_semaphore, #tpu.memory_space<semaphore_mem>> -> memref<!tpu.dma_semaphore, #tpu.memory_space<semaphore_mem>>
      tpu.enqueue_indirect_dma source(%dma_start3A_1115 : memref<200x128xf32, #tpu.memory_space<vmem_shared>>) target(%dma_start3A_1111 : memref<64x128xf32, #tpu.memory_space<vmem>>) offsets(%dma_start3A_1112 : memref<64xi32, #tpu.memory_space<vmem>>) semaphore(%dma_start3A_1117 : memref<!tpu.dma_semaphore, #tpu.memory_space<semaphore_mem>>)
      %add3A_1118 = arith.constant 3 : i32
      %add3A_1119 = arith.addi %mul3A_630, %add3A_1118 : i32
      %mul3A_1120 = arith.constant 64 : i32
      %mul3A_1121 = arith.muli %add3A_1119, %mul3A_1120 : i32
      %add3A_1122 = arith.addi %mul3A_2, %mul3A_1121 : i32
      %dma_wait3A_1123 = arith.constant 3 : i32
      %dma_wait3A_1124 = arith.constant 3 : i32
      %dma_wait3A_1125 = arith.constant 0 : i32
      %dma_wait3A_1126 = arith.constant 0 : i32
      %dma_wait3A_1127 = tpu.memref_slice %arg8[%dma_wait3A_1123, %dma_wait3A_1125, %dma_wait3A_1126] : memref<10x64x128xf32, #tpu.memory_space<vmem>> -> memref<1x64x128xf32, #tpu.memory_space<vmem>>
      %dma_wait3A_1128 = tpu.memref_squeeze %dma_wait3A_1127 : memref<1x64x128xf32, #tpu.memory_space<vmem>> -> memref<64x128xf32, #tpu.memory_space<vmem>>
      %dma_wait3A_1129 = arith.constant 0 : i32
      %dma_wait3A_1130 = tpu.memref_slice %arg5[%add3A_1122, %dma_wait3A_1129] : memref<204800x128xf32, #tpu.memory_space<hbm>> -> memref<64x128xf32, #tpu.memory_space<hbm>>
      %dma_wait3A_1131 = tpu.memref_slice %arg10[%dma_wait3A_1124] : memref<10x!tpu.dma_semaphore, #tpu.memory_space<semaphore_mem>> -> memref<1x!tpu.dma_semaphore, #tpu.memory_space<semaphore_mem>>
      %dma_wait3A_1132 = tpu.memref_squeeze %dma_wait3A_1131 : memref<1x!tpu.dma_semaphore, #tpu.memory_space<semaphore_mem>> -> memref<!tpu.dma_semaphore, #tpu.memory_space<semaphore_mem>>
      %dma_wait3A_1133 = arith.constant 0 : i32
      %dma_wait3A_1134 = tpu.memref_slice %arg5[%add3A_1122, %dma_wait3A_1133] : memref<204800x128xf32, #tpu.memory_space<hbm>> -> memref<64x128xf32, #tpu.memory_space<hbm>>
      %dma_wait3A_1135 = arith.constant 0 : i32
      %dma_wait3A_1136 = arith.constant 0 : i32
      %dma_wait3A_1137 = tpu.memref_slice %arg8[%dma_wait3A_1123, %dma_wait3A_1135, %dma_wait3A_1136] : memref<10x64x128xf32, #tpu.memory_space<vmem>> -> memref<1x64x128xf32, #tpu.memory_space<vmem>>
      %dma_wait3A_1138 = tpu.memref_squeeze %dma_wait3A_1137 : memref<1x64x128xf32, #tpu.memory_space<vmem>> -> memref<64x128xf32, #tpu.memory_space<vmem>>
      tpu.wait_dma2 semaphore(%dma_wait3A_1132 : memref<!tpu.dma_semaphore, #tpu.memory_space<semaphore_mem>>) src(%dma_wait3A_1138 : memref<64x128xf32, #tpu.memory_space<vmem>>) dst(%dma_wait3A_1134 : memref<64x128xf32, #tpu.memory_space<hbm>>)
      %add3A_1139 = arith.constant 10 : i32
      %add3A_1140 = arith.addi %mul3A_630, %add3A_1139 : i32
      %add3A_1141 = arith.constant 3 : i32
      %add3A_1142 = arith.addi %add3A_1140, %add3A_1141 : i32
      %mul3A_1143 = arith.constant 64 : i32
      %mul3A_1144 = arith.muli %add3A_1142, %mul3A_1143 : i32
      %dma_start3A_1145 = arith.constant 3 : i32
      %dma_start3A_1146 = arith.constant 3 : i32
      %dma_start3A_1147 = arith.constant 0 : i32
      %dma_start3A_1148 = arith.constant 0 : i32
      %dma_start3A_1149 = tpu.memref_slice %arg8[%dma_start3A_1145, %dma_start3A_1147, %dma_start3A_1148] : memref<10x64x128xf32, #tpu.memory_space<vmem>> -> memref<1x64x128xf32, #tpu.memory_space<vmem>>
      %dma_start3A_1150 = tpu.memref_squeeze %dma_start3A_1149 : memref<1x64x128xf32, #tpu.memory_space<vmem>> -> memref<64x128xf32, #tpu.memory_space<vmem>>
      %dma_start3A_1151 = tpu.memref_slice %arg7[%mul3A_1144] : memref<6400xi32, #tpu.memory_space<vmem>> -> memref<64xi32, #tpu.memory_space<vmem>>
      %dma_start3A_1152 = arith.constant 0 : i32
      %dma_start3A_1153 = arith.constant 0 : i32
      %dma_start3A_1154 = tpu.memref_slice %arg6[%dma_start3A_1152, %dma_start3A_1153] : memref<200x128xf32, #tpu.memory_space<vmem_shared>> -> memref<200x128xf32, #tpu.memory_space<vmem_shared>>
      %dma_start3A_1155 = tpu.memref_slice %arg9[%dma_start3A_1146] : memref<10x!tpu.dma_semaphore, #tpu.memory_space<semaphore_mem>> -> memref<1x!tpu.dma_semaphore, #tpu.memory_space<semaphore_mem>>
      %dma_start3A_1156 = tpu.memref_squeeze %dma_start3A_1155 : memref<1x!tpu.dma_semaphore, #tpu.memory_space<semaphore_mem>> -> memref<!tpu.dma_semaphore, #tpu.memory_space<semaphore_mem>>
      tpu.enqueue_indirect_dma source(%dma_start3A_1154 : memref<200x128xf32, #tpu.memory_space<vmem_shared>>) target(%dma_start3A_1150 : memref<64x128xf32, #tpu.memory_space<vmem>>) offsets(%dma_start3A_1151 : memref<64xi32, #tpu.memory_space<vmem>>) semaphore(%dma_start3A_1156 : memref<!tpu.dma_semaphore, #tpu.memory_space<semaphore_mem>>)
      %add3A_1157 = arith.constant 4 : i32
      %add3A_1158 = arith.addi %mul3A_630, %add3A_1157 : i32
      %mul3A_1159 = arith.constant 64 : i32
      %mul3A_1160 = arith.muli %add3A_1158, %mul3A_1159 : i32
      %add3A_1161 = arith.addi %mul3A_2, %mul3A_1160 : i32
      %dma_wait3A_1162 = arith.constant 4 : i32
      %dma_wait3A_1163 = arith.constant 4 : i32
      %dma_wait3A_1164 = arith.constant 0 : i32
      %dma_wait3A_1165 = arith.constant 0 : i32
      %dma_wait3A_1166 = tpu.memref_slice %arg8[%dma_wait3A_1162, %dma_wait3A_1164, %dma_wait3A_1165] : memref<10x64x128xf32, #tpu.memory_space<vmem>> -> memref<1x64x128xf32, #tpu.memory_space<vmem>>
      %dma_wait3A_1167 = tpu.memref_squeeze %dma_wait3A_1166 : memref<1x64x128xf32, #tpu.memory_space<vmem>> -> memref<64x128xf32, #tpu.memory_space<vmem>>
      %dma_wait3A_1168 = arith.constant 0 : i32
      %dma_wait3A_1169 = tpu.memref_slice %arg5[%add3A_1161, %dma_wait3A_1168] : memref<204800x128xf32, #tpu.memory_space<hbm>> -> memref<64x128xf32, #tpu.memory_space<hbm>>
      %dma_wait3A_1170 = tpu.memref_slice %arg10[%dma_wait3A_1163] : memref<10x!tpu.dma_semaphore, #tpu.memory_space<semaphore_mem>> -> memref<1x!tpu.dma_semaphore, #tpu.memory_space<semaphore_mem>>
      %dma_wait3A_1171 = tpu.memref_squeeze %dma_wait3A_1170 : memref<1x!tpu.dma_semaphore, #tpu.memory_space<semaphore_mem>> -> memref<!tpu.dma_semaphore, #tpu.memory_space<semaphore_mem>>
      %dma_wait3A_1172 = arith.constant 0 : i32
      %dma_wait3A_1173 = tpu.memref_slice %arg5[%add3A_1161, %dma_wait3A_1172] : memref<204800x128xf32, #tpu.memory_space<hbm>> -> memref<64x128xf32, #tpu.memory_space<hbm>>
      %dma_wait3A_1174 = arith.constant 0 : i32
      %dma_wait3A_1175 = arith.constant 0 : i32
      %dma_wait3A_1176 = tpu.memref_slice %arg8[%dma_wait3A_1162, %dma_wait3A_1174, %dma_wait3A_1175] : memref<10x64x128xf32, #tpu.memory_space<vmem>> -> memref<1x64x128xf32, #tpu.memory_space<vmem>>
      %dma_wait3A_1177 = tpu.memref_squeeze %dma_wait3A_1176 : memref<1x64x128xf32, #tpu.memory_space<vmem>> -> memref<64x128xf32, #tpu.memory_space<vmem>>
      tpu.wait_dma2 semaphore(%dma_wait3A_1171 : memref<!tpu.dma_semaphore, #tpu.memory_space<semaphore_mem>>) src(%dma_wait3A_1177 : memref<64x128xf32, #tpu.memory_space<vmem>>) dst(%dma_wait3A_1173 : memref<64x128xf32, #tpu.memory_space<hbm>>)
      %add3A_1178 = arith.constant 10 : i32
      %add3A_1179 = arith.addi %mul3A_630, %add3A_1178 : i32
      %add3A_1180 = arith.constant 4 : i32
      %add3A_1181 = arith.addi %add3A_1179, %add3A_1180 : i32
      %mul3A_1182 = arith.constant 64 : i32
      %mul3A_1183 = arith.muli %add3A_1181, %mul3A_1182 : i32
      %dma_start3A_1184 = arith.constant 4 : i32
      %dma_start3A_1185 = arith.constant 4 : i32
      %dma_start3A_1186 = arith.constant 0 : i32
      %dma_start3A_1187 = arith.constant 0 : i32
      %dma_start3A_1188 = tpu.memref_slice %arg8[%dma_start3A_1184, %dma_start3A_1186, %dma_start3A_1187] : memref<10x64x128xf32, #tpu.memory_space<vmem>> -> memref<1x64x128xf32, #tpu.memory_space<vmem>>
      %dma_start3A_1189 = tpu.memref_squeeze %dma_start3A_1188 : memref<1x64x128xf32, #tpu.memory_space<vmem>> -> memref<64x128xf32, #tpu.memory_space<vmem>>
      %dma_start3A_1190 = tpu.memref_slice %arg7[%mul3A_1183] : memref<6400xi32, #tpu.memory_space<vmem>> -> memref<64xi32, #tpu.memory_space<vmem>>
      %dma_start3A_1191 = arith.constant 0 : i32
      %dma_start3A_1192 = arith.constant 0 : i32
      %dma_start3A_1193 = tpu.memref_slice %arg6[%dma_start3A_1191, %dma_start3A_1192] : memref<200x128xf32, #tpu.memory_space<vmem_shared>> -> memref<200x128xf32, #tpu.memory_space<vmem_shared>>
      %dma_start3A_1194 = tpu.memref_slice %arg9[%dma_start3A_1185] : memref<10x!tpu.dma_semaphore, #tpu.memory_space<semaphore_mem>> -> memref<1x!tpu.dma_semaphore, #tpu.memory_space<semaphore_mem>>
      %dma_start3A_1195 = tpu.memref_squeeze %dma_start3A_1194 : memref<1x!tpu.dma_semaphore, #tpu.memory_space<semaphore_mem>> -> memref<!tpu.dma_semaphore, #tpu.memory_space<semaphore_mem>>
      tpu.enqueue_indirect_dma source(%dma_start3A_1193 : memref<200x128xf32, #tpu.memory_space<vmem_shared>>) target(%dma_start3A_1189 : memref<64x128xf32, #tpu.memory_space<vmem>>) offsets(%dma_start3A_1190 : memref<64xi32, #tpu.memory_space<vmem>>) semaphore(%dma_start3A_1195 : memref<!tpu.dma_semaphore, #tpu.memory_space<semaphore_mem>>)
      %add3A_1196 = arith.constant 5 : i32
      %add3A_1197 = arith.addi %mul3A_630, %add3A_1196 : i32
      %mul3A_1198 = arith.constant 64 : i32
      %mul3A_1199 = arith.muli %add3A_1197, %mul3A_1198 : i32
      %add3A_1200 = arith.addi %mul3A_2, %mul3A_1199 : i32
      %dma_wait3A_1201 = arith.constant 5 : i32
      %dma_wait3A_1202 = arith.constant 5 : i32
      %dma_wait3A_1203 = arith.constant 0 : i32
      %dma_wait3A_1204 = arith.constant 0 : i32
      %dma_wait3A_1205 = tpu.memref_slice %arg8[%dma_wait3A_1201, %dma_wait3A_1203, %dma_wait3A_1204] : memref<10x64x128xf32, #tpu.memory_space<vmem>> -> memref<1x64x128xf32, #tpu.memory_space<vmem>>
      %dma_wait3A_1206 = tpu.memref_squeeze %dma_wait3A_1205 : memref<1x64x128xf32, #tpu.memory_space<vmem>> -> memref<64x128xf32, #tpu.memory_space<vmem>>
      %dma_wait3A_1207 = arith.constant 0 : i32
      %dma_wait3A_1208 = tpu.memref_slice %arg5[%add3A_1200, %dma_wait3A_1207] : memref<204800x128xf32, #tpu.memory_space<hbm>> -> memref<64x128xf32, #tpu.memory_space<hbm>>
      %dma_wait3A_1209 = tpu.memref_slice %arg10[%dma_wait3A_1202] : memref<10x!tpu.dma_semaphore, #tpu.memory_space<semaphore_mem>> -> memref<1x!tpu.dma_semaphore, #tpu.memory_space<semaphore_mem>>
      %dma_wait3A_1210 = tpu.memref_squeeze %dma_wait3A_1209 : memref<1x!tpu.dma_semaphore, #tpu.memory_space<semaphore_mem>> -> memref<!tpu.dma_semaphore, #tpu.memory_space<semaphore_mem>>
      %dma_wait3A_1211 = arith.constant 0 : i32
      %dma_wait3A_1212 = tpu.memref_slice %arg5[%add3A_1200, %dma_wait3A_1211] : memref<204800x128xf32, #tpu.memory_space<hbm>> -> memref<64x128xf32, #tpu.memory_space<hbm>>
      %dma_wait3A_1213 = arith.constant 0 : i32
      %dma_wait3A_1214 = arith.constant 0 : i32
      %dma_wait3A_1215 = tpu.memref_slice %arg8[%dma_wait3A_1201, %dma_wait3A_1213, %dma_wait3A_1214] : memref<10x64x128xf32, #tpu.memory_space<vmem>> -> memref<1x64x128xf32, #tpu.memory_space<vmem>>
      %dma_wait3A_1216 = tpu.memref_squeeze %dma_wait3A_1215 : memref<1x64x128xf32, #tpu.memory_space<vmem>> -> memref<64x128xf32, #tpu.memory_space<vmem>>
      tpu.wait_dma2 semaphore(%dma_wait3A_1210 : memref<!tpu.dma_semaphore, #tpu.memory_space<semaphore_mem>>) src(%dma_wait3A_1216 : memref<64x128xf32, #tpu.memory_space<vmem>>) dst(%dma_wait3A_1212 : memref<64x128xf32, #tpu.memory_space<hbm>>)
      %add3A_1217 = arith.constant 10 : i32
      %add3A_1218 = arith.addi %mul3A_630, %add3A_1217 : i32
      %add3A_1219 = arith.constant 5 : i32
      %add3A_1220 = arith.addi %add3A_1218, %add3A_1219 : i32
      %mul3A_1221 = arith.constant 64 : i32
      %mul3A_1222 = arith.muli %add3A_1220, %mul3A_1221 : i32
      %dma_start3A_1223 = arith.constant 5 : i32
      %dma_start3A_1224 = arith.constant 5 : i32
      %dma_start3A_1225 = arith.constant 0 : i32
      %dma_start3A_1226 = arith.constant 0 : i32
      %dma_start3A_1227 = tpu.memref_slice %arg8[%dma_start3A_1223, %dma_start3A_1225, %dma_start3A_1226] : memref<10x64x128xf32, #tpu.memory_space<vmem>> -> memref<1x64x128xf32, #tpu.memory_space<vmem>>
      %dma_start3A_1228 = tpu.memref_squeeze %dma_start3A_1227 : memref<1x64x128xf32, #tpu.memory_space<vmem>> -> memref<64x128xf32, #tpu.memory_space<vmem>>
      %dma_start3A_1229 = tpu.memref_slice %arg7[%mul3A_1222] : memref<6400xi32, #tpu.memory_space<vmem>> -> memref<64xi32, #tpu.memory_space<vmem>>
      %dma_start3A_1230 = arith.constant 0 : i32
      %dma_start3A_1231 = arith.constant 0 : i32
      %dma_start3A_1232 = tpu.memref_slice %arg6[%dma_start3A_1230, %dma_start3A_1231] : memref<200x128xf32, #tpu.memory_space<vmem_shared>> -> memref<200x128xf32, #tpu.memory_space<vmem_shared>>
      %dma_start3A_1233 = tpu.memref_slice %arg9[%dma_start3A_1224] : memref<10x!tpu.dma_semaphore, #tpu.memory_space<semaphore_mem>> -> memref<1x!tpu.dma_semaphore, #tpu.memory_space<semaphore_mem>>
      %dma_start3A_1234 = tpu.memref_squeeze %dma_start3A_1233 : memref<1x!tpu.dma_semaphore, #tpu.memory_space<semaphore_mem>> -> memref<!tpu.dma_semaphore, #tpu.memory_space<semaphore_mem>>
      tpu.enqueue_indirect_dma source(%dma_start3A_1232 : memref<200x128xf32, #tpu.memory_space<vmem_shared>>) target(%dma_start3A_1228 : memref<64x128xf32, #tpu.memory_space<vmem>>) offsets(%dma_start3A_1229 : memref<64xi32, #tpu.memory_space<vmem>>) semaphore(%dma_start3A_1234 : memref<!tpu.dma_semaphore, #tpu.memory_space<semaphore_mem>>)
      %add3A_1235 = arith.constant 6 : i32
      %add3A_1236 = arith.addi %mul3A_630, %add3A_1235 : i32
      %mul3A_1237 = arith.constant 64 : i32
      %mul3A_1238 = arith.muli %add3A_1236, %mul3A_1237 : i32
      %add3A_1239 = arith.addi %mul3A_2, %mul3A_1238 : i32
      %dma_wait3A_1240 = arith.constant 6 : i32
      %dma_wait3A_1241 = arith.constant 6 : i32
      %dma_wait3A_1242 = arith.constant 0 : i32
      %dma_wait3A_1243 = arith.constant 0 : i32
      %dma_wait3A_1244 = tpu.memref_slice %arg8[%dma_wait3A_1240, %dma_wait3A_1242, %dma_wait3A_1243] : memref<10x64x128xf32, #tpu.memory_space<vmem>> -> memref<1x64x128xf32, #tpu.memory_space<vmem>>
      %dma_wait3A_1245 = tpu.memref_squeeze %dma_wait3A_1244 : memref<1x64x128xf32, #tpu.memory_space<vmem>> -> memref<64x128xf32, #tpu.memory_space<vmem>>
      %dma_wait3A_1246 = arith.constant 0 : i32
      %dma_wait3A_1247 = tpu.memref_slice %arg5[%add3A_1239, %dma_wait3A_1246] : memref<204800x128xf32, #tpu.memory_space<hbm>> -> memref<64x128xf32, #tpu.memory_space<hbm>>
      %dma_wait3A_1248 = tpu.memref_slice %arg10[%dma_wait3A_1241] : memref<10x!tpu.dma_semaphore, #tpu.memory_space<semaphore_mem>> -> memref<1x!tpu.dma_semaphore, #tpu.memory_space<semaphore_mem>>
      %dma_wait3A_1249 = tpu.memref_squeeze %dma_wait3A_1248 : memref<1x!tpu.dma_semaphore, #tpu.memory_space<semaphore_mem>> -> memref<!tpu.dma_semaphore, #tpu.memory_space<semaphore_mem>>
      %dma_wait3A_1250 = arith.constant 0 : i32
      %dma_wait3A_1251 = tpu.memref_slice %arg5[%add3A_1239, %dma_wait3A_1250] : memref<204800x128xf32, #tpu.memory_space<hbm>> -> memref<64x128xf32, #tpu.memory_space<hbm>>
      %dma_wait3A_1252 = arith.constant 0 : i32
      %dma_wait3A_1253 = arith.constant 0 : i32
      %dma_wait3A_1254 = tpu.memref_slice %arg8[%dma_wait3A_1240, %dma_wait3A_1252, %dma_wait3A_1253] : memref<10x64x128xf32, #tpu.memory_space<vmem>> -> memref<1x64x128xf32, #tpu.memory_space<vmem>>
      %dma_wait3A_1255 = tpu.memref_squeeze %dma_wait3A_1254 : memref<1x64x128xf32, #tpu.memory_space<vmem>> -> memref<64x128xf32, #tpu.memory_space<vmem>>
      tpu.wait_dma2 semaphore(%dma_wait3A_1249 : memref<!tpu.dma_semaphore, #tpu.memory_space<semaphore_mem>>) src(%dma_wait3A_1255 : memref<64x128xf32, #tpu.memory_space<vmem>>) dst(%dma_wait3A_1251 : memref<64x128xf32, #tpu.memory_space<hbm>>)
      %add3A_1256 = arith.constant 10 : i32
      %add3A_1257 = arith.addi %mul3A_630, %add3A_1256 : i32
      %add3A_1258 = arith.constant 6 : i32
      %add3A_1259 = arith.addi %add3A_1257, %add3A_1258 : i32
      %mul3A_1260 = arith.constant 64 : i32
      %mul3A_1261 = arith.muli %add3A_1259, %mul3A_1260 : i32
      %dma_start3A_1262 = arith.constant 6 : i32
      %dma_start3A_1263 = arith.constant 6 : i32
      %dma_start3A_1264 = arith.constant 0 : i32
      %dma_start3A_1265 = arith.constant 0 : i32
      %dma_start3A_1266 = tpu.memref_slice %arg8[%dma_start3A_1262, %dma_start3A_1264, %dma_start3A_1265] : memref<10x64x128xf32, #tpu.memory_space<vmem>> -> memref<1x64x128xf32, #tpu.memory_space<vmem>>
      %dma_start3A_1267 = tpu.memref_squeeze %dma_start3A_1266 : memref<1x64x128xf32, #tpu.memory_space<vmem>> -> memref<64x128xf32, #tpu.memory_space<vmem>>
      %dma_start3A_1268 = tpu.memref_slice %arg7[%mul3A_1261] : memref<6400xi32, #tpu.memory_space<vmem>> -> memref<64xi32, #tpu.memory_space<vmem>>
      %dma_start3A_1269 = arith.constant 0 : i32
      %dma_start3A_1270 = arith.constant 0 : i32
      %dma_start3A_1271 = tpu.memref_slice %arg6[%dma_start3A_1269, %dma_start3A_1270] : memref<200x128xf32, #tpu.memory_space<vmem_shared>> -> memref<200x128xf32, #tpu.memory_space<vmem_shared>>
      %dma_start3A_1272 = tpu.memref_slice %arg9[%dma_start3A_1263] : memref<10x!tpu.dma_semaphore, #tpu.memory_space<semaphore_mem>> -> memref<1x!tpu.dma_semaphore, #tpu.memory_space<semaphore_mem>>
      %dma_start3A_1273 = tpu.memref_squeeze %dma_start3A_1272 : memref<1x!tpu.dma_semaphore, #tpu.memory_space<semaphore_mem>> -> memref<!tpu.dma_semaphore, #tpu.memory_space<semaphore_mem>>
      tpu.enqueue_indirect_dma source(%dma_start3A_1271 : memref<200x128xf32, #tpu.memory_space<vmem_shared>>) target(%dma_start3A_1267 : memref<64x128xf32, #tpu.memory_space<vmem>>) offsets(%dma_start3A_1268 : memref<64xi32, #tpu.memory_space<vmem>>) semaphore(%dma_start3A_1273 : memref<!tpu.dma_semaphore, #tpu.memory_space<semaphore_mem>>)
      %add3A_1274 = arith.constant 7 : i32
      %add3A_1275 = arith.addi %mul3A_630, %add3A_1274 : i32
      %mul3A_1276 = arith.constant 64 : i32
      %mul3A_1277 = arith.muli %add3A_1275, %mul3A_1276 : i32
      %add3A_1278 = arith.addi %mul3A_2, %mul3A_1277 : i32
      %dma_wait3A_1279 = arith.constant 7 : i32
      %dma_wait3A_1280 = arith.constant 7 : i32
      %dma_wait3A_1281 = arith.constant 0 : i32
      %dma_wait3A_1282 = arith.constant 0 : i32
      %dma_wait3A_1283 = tpu.memref_slice %arg8[%dma_wait3A_1279, %dma_wait3A_1281, %dma_wait3A_1282] : memref<10x64x128xf32, #tpu.memory_space<vmem>> -> memref<1x64x128xf32, #tpu.memory_space<vmem>>
      %dma_wait3A_1284 = tpu.memref_squeeze %dma_wait3A_1283 : memref<1x64x128xf32, #tpu.memory_space<vmem>> -> memref<64x128xf32, #tpu.memory_space<vmem>>
      %dma_wait3A_1285 = arith.constant 0 : i32
      %dma_wait3A_1286 = tpu.memref_slice %arg5[%add3A_1278, %dma_wait3A_1285] : memref<204800x128xf32, #tpu.memory_space<hbm>> -> memref<64x128xf32, #tpu.memory_space<hbm>>
      %dma_wait3A_1287 = tpu.memref_slice %arg10[%dma_wait3A_1280] : memref<10x!tpu.dma_semaphore, #tpu.memory_space<semaphore_mem>> -> memref<1x!tpu.dma_semaphore, #tpu.memory_space<semaphore_mem>>
      %dma_wait3A_1288 = tpu.memref_squeeze %dma_wait3A_1287 : memref<1x!tpu.dma_semaphore, #tpu.memory_space<semaphore_mem>> -> memref<!tpu.dma_semaphore, #tpu.memory_space<semaphore_mem>>
      %dma_wait3A_1289 = arith.constant 0 : i32
      %dma_wait3A_1290 = tpu.memref_slice %arg5[%add3A_1278, %dma_wait3A_1289] : memref<204800x128xf32, #tpu.memory_space<hbm>> -> memref<64x128xf32, #tpu.memory_space<hbm>>
      %dma_wait3A_1291 = arith.constant 0 : i32
      %dma_wait3A_1292 = arith.constant 0 : i32
      %dma_wait3A_1293 = tpu.memref_slice %arg8[%dma_wait3A_1279, %dma_wait3A_1291, %dma_wait3A_1292] : memref<10x64x128xf32, #tpu.memory_space<vmem>> -> memref<1x64x128xf32, #tpu.memory_space<vmem>>
      %dma_wait3A_1294 = tpu.memref_squeeze %dma_wait3A_1293 : memref<1x64x128xf32, #tpu.memory_space<vmem>> -> memref<64x128xf32, #tpu.memory_space<vmem>>
      tpu.wait_dma2 semaphore(%dma_wait3A_1288 : memref<!tpu.dma_semaphore, #tpu.memory_space<semaphore_mem>>) src(%dma_wait3A_1294 : memref<64x128xf32, #tpu.memory_space<vmem>>) dst(%dma_wait3A_1290 : memref<64x128xf32, #tpu.memory_space<hbm>>)
      %add3A_1295 = arith.constant 10 : i32
      %add3A_1296 = arith.addi %mul3A_630, %add3A_1295 : i32
      %add3A_1297 = arith.constant 7 : i32
      %add3A_1298 = arith.addi %add3A_1296, %add3A_1297 : i32
      %mul3A_1299 = arith.constant 64 : i32
      %mul3A_1300 = arith.muli %add3A_1298, %mul3A_1299 : i32
      %dma_start3A_1301 = arith.constant 7 : i32
      %dma_start3A_1302 = arith.constant 7 : i32
      %dma_start3A_1303 = arith.constant 0 : i32
      %dma_start3A_1304 = arith.constant 0 : i32
      %dma_start3A_1305 = tpu.memref_slice %arg8[%dma_start3A_1301, %dma_start3A_1303, %dma_start3A_1304] : memref<10x64x128xf32, #tpu.memory_space<vmem>> -> memref<1x64x128xf32, #tpu.memory_space<vmem>>
      %dma_start3A_1306 = tpu.memref_squeeze %dma_start3A_1305 : memref<1x64x128xf32, #tpu.memory_space<vmem>> -> memref<64x128xf32, #tpu.memory_space<vmem>>
      %dma_start3A_1307 = tpu.memref_slice %arg7[%mul3A_1300] : memref<6400xi32, #tpu.memory_space<vmem>> -> memref<64xi32, #tpu.memory_space<vmem>>
      %dma_start3A_1308 = arith.constant 0 : i32
      %dma_start3A_1309 = arith.constant 0 : i32
      %dma_start3A_1310 = tpu.memref_slice %arg6[%dma_start3A_1308, %dma_start3A_1309] : memref<200x128xf32, #tpu.memory_space<vmem_shared>> -> memref<200x128xf32, #tpu.memory_space<vmem_shared>>
      %dma_start3A_1311 = tpu.memref_slice %arg9[%dma_start3A_1302] : memref<10x!tpu.dma_semaphore, #tpu.memory_space<semaphore_mem>> -> memref<1x!tpu.dma_semaphore, #tpu.memory_space<semaphore_mem>>
      %dma_start3A_1312 = tpu.memref_squeeze %dma_start3A_1311 : memref<1x!tpu.dma_semaphore, #tpu.memory_space<semaphore_mem>> -> memref<!tpu.dma_semaphore, #tpu.memory_space<semaphore_mem>>
      tpu.enqueue_indirect_dma source(%dma_start3A_1310 : memref<200x128xf32, #tpu.memory_space<vmem_shared>>) target(%dma_start3A_1306 : memref<64x128xf32, #tpu.memory_space<vmem>>) offsets(%dma_start3A_1307 : memref<64xi32, #tpu.memory_space<vmem>>) semaphore(%dma_start3A_1312 : memref<!tpu.dma_semaphore, #tpu.memory_space<semaphore_mem>>)
      %add3A_1313 = arith.constant 8 : i32
      %add3A_1314 = arith.addi %mul3A_630, %add3A_1313 : i32
      %mul3A_1315 = arith.constant 64 : i32
      %mul3A_1316 = arith.muli %add3A_1314, %mul3A_1315 : i32
      %add3A_1317 = arith.addi %mul3A_2, %mul3A_1316 : i32
      %dma_wait3A_1318 = arith.constant 8 : i32
      %dma_wait3A_1319 = arith.constant 8 : i32
      %dma_wait3A_1320 = arith.constant 0 : i32
      %dma_wait3A_1321 = arith.constant 0 : i32
      %dma_wait3A_1322 = tpu.memref_slice %arg8[%dma_wait3A_1318, %dma_wait3A_1320, %dma_wait3A_1321] : memref<10x64x128xf32, #tpu.memory_space<vmem>> -> memref<1x64x128xf32, #tpu.memory_space<vmem>>
      %dma_wait3A_1323 = tpu.memref_squeeze %dma_wait3A_1322 : memref<1x64x128xf32, #tpu.memory_space<vmem>> -> memref<64x128xf32, #tpu.memory_space<vmem>>
      %dma_wait3A_1324 = arith.constant 0 : i32
      %dma_wait3A_1325 = tpu.memref_slice %arg5[%add3A_1317, %dma_wait3A_1324] : memref<204800x128xf32, #tpu.memory_space<hbm>> -> memref<64x128xf32, #tpu.memory_space<hbm>>
      %dma_wait3A_1326 = tpu.memref_slice %arg10[%dma_wait3A_1319] : memref<10x!tpu.dma_semaphore, #tpu.memory_space<semaphore_mem>> -> memref<1x!tpu.dma_semaphore, #tpu.memory_space<semaphore_mem>>
      %dma_wait3A_1327 = tpu.memref_squeeze %dma_wait3A_1326 : memref<1x!tpu.dma_semaphore, #tpu.memory_space<semaphore_mem>> -> memref<!tpu.dma_semaphore, #tpu.memory_space<semaphore_mem>>
      %dma_wait3A_1328 = arith.constant 0 : i32
      %dma_wait3A_1329 = tpu.memref_slice %arg5[%add3A_1317, %dma_wait3A_1328] : memref<204800x128xf32, #tpu.memory_space<hbm>> -> memref<64x128xf32, #tpu.memory_space<hbm>>
      %dma_wait3A_1330 = arith.constant 0 : i32
      %dma_wait3A_1331 = arith.constant 0 : i32
      %dma_wait3A_1332 = tpu.memref_slice %arg8[%dma_wait3A_1318, %dma_wait3A_1330, %dma_wait3A_1331] : memref<10x64x128xf32, #tpu.memory_space<vmem>> -> memref<1x64x128xf32, #tpu.memory_space<vmem>>
      %dma_wait3A_1333 = tpu.memref_squeeze %dma_wait3A_1332 : memref<1x64x128xf32, #tpu.memory_space<vmem>> -> memref<64x128xf32, #tpu.memory_space<vmem>>
      tpu.wait_dma2 semaphore(%dma_wait3A_1327 : memref<!tpu.dma_semaphore, #tpu.memory_space<semaphore_mem>>) src(%dma_wait3A_1333 : memref<64x128xf32, #tpu.memory_space<vmem>>) dst(%dma_wait3A_1329 : memref<64x128xf32, #tpu.memory_space<hbm>>)
      %add3A_1334 = arith.constant 10 : i32
      %add3A_1335 = arith.addi %mul3A_630, %add3A_1334 : i32
      %add3A_1336 = arith.constant 8 : i32
      %add3A_1337 = arith.addi %add3A_1335, %add3A_1336 : i32
      %mul3A_1338 = arith.constant 64 : i32
      %mul3A_1339 = arith.muli %add3A_1337, %mul3A_1338 : i32
      %dma_start3A_1340 = arith.constant 8 : i32
      %dma_start3A_1341 = arith.constant 8 : i32
      %dma_start3A_1342 = arith.constant 0 : i32
      %dma_start3A_1343 = arith.constant 0 : i32
      %dma_start3A_1344 = tpu.memref_slice %arg8[%dma_start3A_1340, %dma_start3A_1342, %dma_start3A_1343] : memref<10x64x128xf32, #tpu.memory_space<vmem>> -> memref<1x64x128xf32, #tpu.memory_space<vmem>>
      %dma_start3A_1345 = tpu.memref_squeeze %dma_start3A_1344 : memref<1x64x128xf32, #tpu.memory_space<vmem>> -> memref<64x128xf32, #tpu.memory_space<vmem>>
      %dma_start3A_1346 = tpu.memref_slice %arg7[%mul3A_1339] : memref<6400xi32, #tpu.memory_space<vmem>> -> memref<64xi32, #tpu.memory_space<vmem>>
      %dma_start3A_1347 = arith.constant 0 : i32
      %dma_start3A_1348 = arith.constant 0 : i32
      %dma_start3A_1349 = tpu.memref_slice %arg6[%dma_start3A_1347, %dma_start3A_1348] : memref<200x128xf32, #tpu.memory_space<vmem_shared>> -> memref<200x128xf32, #tpu.memory_space<vmem_shared>>
      %dma_start3A_1350 = tpu.memref_slice %arg9[%dma_start3A_1341] : memref<10x!tpu.dma_semaphore, #tpu.memory_space<semaphore_mem>> -> memref<1x!tpu.dma_semaphore, #tpu.memory_space<semaphore_mem>>
      %dma_start3A_1351 = tpu.memref_squeeze %dma_start3A_1350 : memref<1x!tpu.dma_semaphore, #tpu.memory_space<semaphore_mem>> -> memref<!tpu.dma_semaphore, #tpu.memory_space<semaphore_mem>>
      tpu.enqueue_indirect_dma source(%dma_start3A_1349 : memref<200x128xf32, #tpu.memory_space<vmem_shared>>) target(%dma_start3A_1345 : memref<64x128xf32, #tpu.memory_space<vmem>>) offsets(%dma_start3A_1346 : memref<64xi32, #tpu.memory_space<vmem>>) semaphore(%dma_start3A_1351 : memref<!tpu.dma_semaphore, #tpu.memory_space<semaphore_mem>>)
      %add3A_1352 = arith.constant 9 : i32
      %add3A_1353 = arith.addi %mul3A_630, %add3A_1352 : i32
      %mul3A_1354 = arith.constant 64 : i32
      %mul3A_1355 = arith.muli %add3A_1353, %mul3A_1354 : i32
      %add3A_1356 = arith.addi %mul3A_2, %mul3A_1355 : i32
      %dma_wait3A_1357 = arith.constant 9 : i32
      %dma_wait3A_1358 = arith.constant 9 : i32
      %dma_wait3A_1359 = arith.constant 0 : i32
      %dma_wait3A_1360 = arith.constant 0 : i32
      %dma_wait3A_1361 = tpu.memref_slice %arg8[%dma_wait3A_1357, %dma_wait3A_1359, %dma_wait3A_1360] : memref<10x64x128xf32, #tpu.memory_space<vmem>> -> memref<1x64x128xf32, #tpu.memory_space<vmem>>
      %dma_wait3A_1362 = tpu.memref_squeeze %dma_wait3A_1361 : memref<1x64x128xf32, #tpu.memory_space<vmem>> -> memref<64x128xf32, #tpu.memory_space<vmem>>
      %dma_wait3A_1363 = arith.constant 0 : i32
      %dma_wait3A_1364 = tpu.memref_slice %arg5[%add3A_1356, %dma_wait3A_1363] : memref<204800x128xf32, #tpu.memory_space<hbm>> -> memref<64x128xf32, #tpu.memory_space<hbm>>
      %dma_wait3A_1365 = tpu.memref_slice %arg10[%dma_wait3A_1358] : memref<10x!tpu.dma_semaphore, #tpu.memory_space<semaphore_mem>> -> memref<1x!tpu.dma_semaphore, #tpu.memory_space<semaphore_mem>>
      %dma_wait3A_1366 = tpu.memref_squeeze %dma_wait3A_1365 : memref<1x!tpu.dma_semaphore, #tpu.memory_space<semaphore_mem>> -> memref<!tpu.dma_semaphore, #tpu.memory_space<semaphore_mem>>
      %dma_wait3A_1367 = arith.constant 0 : i32
      %dma_wait3A_1368 = tpu.memref_slice %arg5[%add3A_1356, %dma_wait3A_1367] : memref<204800x128xf32, #tpu.memory_space<hbm>> -> memref<64x128xf32, #tpu.memory_space<hbm>>
      %dma_wait3A_1369 = arith.constant 0 : i32
      %dma_wait3A_1370 = arith.constant 0 : i32
      %dma_wait3A_1371 = tpu.memref_slice %arg8[%dma_wait3A_1357, %dma_wait3A_1369, %dma_wait3A_1370] : memref<10x64x128xf32, #tpu.memory_space<vmem>> -> memref<1x64x128xf32, #tpu.memory_space<vmem>>
      %dma_wait3A_1372 = tpu.memref_squeeze %dma_wait3A_1371 : memref<1x64x128xf32, #tpu.memory_space<vmem>> -> memref<64x128xf32, #tpu.memory_space<vmem>>
      tpu.wait_dma2 semaphore(%dma_wait3A_1366 : memref<!tpu.dma_semaphore, #tpu.memory_space<semaphore_mem>>) src(%dma_wait3A_1372 : memref<64x128xf32, #tpu.memory_space<vmem>>) dst(%dma_wait3A_1368 : memref<64x128xf32, #tpu.memory_space<hbm>>)
      %add3A_1373 = arith.constant 10 : i32
      %add3A_1374 = arith.addi %mul3A_630, %add3A_1373 : i32
      %add3A_1375 = arith.constant 9 : i32
      %add3A_1376 = arith.addi %add3A_1374, %add3A_1375 : i32
      %mul3A_1377 = arith.constant 64 : i32
      %mul3A_1378 = arith.muli %add3A_1376, %mul3A_1377 : i32
      %dma_start3A_1379 = arith.constant 9 : i32
      %dma_start3A_1380 = arith.constant 9 : i32
      %dma_start3A_1381 = arith.constant 0 : i32
      %dma_start3A_1382 = arith.constant 0 : i32
      %dma_start3A_1383 = tpu.memref_slice %arg8[%dma_start3A_1379, %dma_start3A_1381, %dma_start3A_1382] : memref<10x64x128xf32, #tpu.memory_space<vmem>> -> memref<1x64x128xf32, #tpu.memory_space<vmem>>
      %dma_start3A_1384 = tpu.memref_squeeze %dma_start3A_1383 : memref<1x64x128xf32, #tpu.memory_space<vmem>> -> memref<64x128xf32, #tpu.memory_space<vmem>>
      %dma_start3A_1385 = tpu.memref_slice %arg7[%mul3A_1378] : memref<6400xi32, #tpu.memory_space<vmem>> -> memref<64xi32, #tpu.memory_space<vmem>>
      %dma_start3A_1386 = arith.constant 0 : i32
      %dma_start3A_1387 = arith.constant 0 : i32
      %dma_start3A_1388 = tpu.memref_slice %arg6[%dma_start3A_1386, %dma_start3A_1387] : memref<200x128xf32, #tpu.memory_space<vmem_shared>> -> memref<200x128xf32, #tpu.memory_space<vmem_shared>>
      %dma_start3A_1389 = tpu.memref_slice %arg9[%dma_start3A_1380] : memref<10x!tpu.dma_semaphore, #tpu.memory_space<semaphore_mem>> -> memref<1x!tpu.dma_semaphore, #tpu.memory_space<semaphore_mem>>
      %dma_start3A_1390 = tpu.memref_squeeze %dma_start3A_1389 : memref<1x!tpu.dma_semaphore, #tpu.memory_space<semaphore_mem>> -> memref<!tpu.dma_semaphore, #tpu.memory_space<semaphore_mem>>
      tpu.enqueue_indirect_dma source(%dma_start3A_1388 : memref<200x128xf32, #tpu.memory_space<vmem_shared>>) target(%dma_start3A_1384 : memref<64x128xf32, #tpu.memory_space<vmem>>) offsets(%dma_start3A_1385 : memref<64xi32, #tpu.memory_space<vmem>>) semaphore(%dma_start3A_1390 : memref<!tpu.dma_semaphore, #tpu.memory_space<semaphore_mem>>)
    }
    %scan3A_138 = arith.constant 9 : i32
    %dma_wait3A = arith.constant 0 : i32
    %dma_wait3A_139 = arith.constant 0 : i32
    %dma_wait3A_140 = arith.constant 0 : i32
    %dma_wait3A_141 = arith.constant 0 : i32
    %dma_wait3A_142 = tpu.memref_slice %arg8[%dma_wait3A, %dma_wait3A_140, %dma_wait3A_141] : memref<10x64x128xf32, #tpu.memory_space<vmem>> -> memref<1x64x128xf32, #tpu.memory_space<vmem>>
    %dma_wait3A_143 = tpu.memref_squeeze %dma_wait3A_142 : memref<1x64x128xf32, #tpu.memory_space<vmem>> -> memref<64x128xf32, #tpu.memory_space<vmem>>
    %dma_wait3A_144 = arith.constant 5760 : i32
    %dma_wait3A_145 = tpu.memref_slice %arg7[%dma_wait3A_144] : memref<6400xi32, #tpu.memory_space<vmem>> -> memref<64xi32, #tpu.memory_space<vmem>>
    %dma_wait3A_146 = arith.constant 0 : i32
    %dma_wait3A_147 = arith.constant 0 : i32
    %dma_wait3A_148 = tpu.memref_slice %arg6[%dma_wait3A_146, %dma_wait3A_147] : memref<200x128xf32, #tpu.memory_space<vmem_shared>> -> memref<200x128xf32, #tpu.memory_space<vmem_shared>>
    %dma_wait3A_149 = tpu.memref_slice %arg9[%dma_wait3A_139] : memref<10x!tpu.dma_semaphore, #tpu.memory_space<semaphore_mem>> -> memref<1x!tpu.dma_semaphore, #tpu.memory_space<semaphore_mem>>
    %dma_wait3A_150 = tpu.memref_squeeze %dma_wait3A_149 : memref<1x!tpu.dma_semaphore, #tpu.memory_space<semaphore_mem>> -> memref<!tpu.dma_semaphore, #tpu.memory_space<semaphore_mem>>
    tpu.wait_indirect_dma semaphore(%dma_wait3A_150 : memref<!tpu.dma_semaphore, #tpu.memory_space<semaphore_mem>>) src(%dma_wait3A_148 : memref<200x128xf32, #tpu.memory_space<vmem_shared>>) dst(%dma_wait3A_143 : memref<64x128xf32, #tpu.memory_space<vmem>>)
    %add3A_151 = arith.constant 5760 : i32
    %add3A_152 = arith.addi %mul3A_2, %add3A_151 : i32
    %dma_start3A_153 = arith.constant 0 : i32
    %dma_start3A_154 = arith.constant 0 : i32
    %dma_start3A_155 = arith.constant 0 : i32
    %dma_start3A_156 = arith.constant 0 : i32
    %dma_start3A_157 = tpu.memref_slice %arg8[%dma_start3A_153, %dma_start3A_155, %dma_start3A_156] : memref<10x64x128xf32, #tpu.memory_space<vmem>> -> memref<1x64x128xf32, #tpu.memory_space<vmem>>
    %dma_start3A_158 = tpu.memref_squeeze %dma_start3A_157 : memref<1x64x128xf32, #tpu.memory_space<vmem>> -> memref<64x128xf32, #tpu.memory_space<vmem>>
    %dma_start3A_159 = arith.constant 0 : i32
    %dma_start3A_160 = tpu.memref_slice %arg5[%add3A_152, %dma_start3A_159] : memref<204800x128xf32, #tpu.memory_space<hbm>> -> memref<64x128xf32, #tpu.memory_space<hbm>>
    %dma_start3A_161 = tpu.memref_slice %arg10[%dma_start3A_154] : memref<10x!tpu.dma_semaphore, #tpu.memory_space<semaphore_mem>> -> memref<1x!tpu.dma_semaphore, #tpu.memory_space<semaphore_mem>>
    %dma_start3A_162 = tpu.memref_squeeze %dma_start3A_161 : memref<1x!tpu.dma_semaphore, #tpu.memory_space<semaphore_mem>> -> memref<!tpu.dma_semaphore, #tpu.memory_space<semaphore_mem>>
    %dma_start3A_163 = arith.constant 0 : i32
    %dma_start3A_164 = tpu.memref_slice %arg5[%add3A_152, %dma_start3A_163] : memref<204800x128xf32, #tpu.memory_space<hbm>> -> memref<64x128xf32, #tpu.memory_space<hbm>>
    %dma_start3A_165 = arith.constant 0 : i32
    %dma_start3A_166 = arith.constant 0 : i32
    %dma_start3A_167 = tpu.memref_slice %arg8[%dma_start3A_153, %dma_start3A_165, %dma_start3A_166] : memref<10x64x128xf32, #tpu.memory_space<vmem>> -> memref<1x64x128xf32, #tpu.memory_space<vmem>>
    %dma_start3A_168 = tpu.memref_squeeze %dma_start3A_167 : memref<1x64x128xf32, #tpu.memory_space<vmem>> -> memref<64x128xf32, #tpu.memory_space<vmem>>
    tpu.enqueue_dma source(%dma_start3A_168 : memref<64x128xf32, #tpu.memory_space<vmem>>) target(%dma_start3A_164 : memref<64x128xf32, #tpu.memory_space<hbm>>) target_semaphore(%dma_start3A_162 : memref<!tpu.dma_semaphore, #tpu.memory_space<semaphore_mem>>)
    %dma_wait3A_169 = arith.constant 1 : i32
    %dma_wait3A_170 = arith.constant 1 : i32
    %dma_wait3A_171 = arith.constant 0 : i32
    %dma_wait3A_172 = arith.constant 0 : i32
    %dma_wait3A_173 = tpu.memref_slice %arg8[%dma_wait3A_169, %dma_wait3A_171, %dma_wait3A_172] : memref<10x64x128xf32, #tpu.memory_space<vmem>> -> memref<1x64x128xf32, #tpu.memory_space<vmem>>
    %dma_wait3A_174 = tpu.memref_squeeze %dma_wait3A_173 : memref<1x64x128xf32, #tpu.memory_space<vmem>> -> memref<64x128xf32, #tpu.memory_space<vmem>>
    %dma_wait3A_175 = arith.constant 5824 : i32
    %dma_wait3A_176 = tpu.memref_slice %arg7[%dma_wait3A_175] : memref<6400xi32, #tpu.memory_space<vmem>> -> memref<64xi32, #tpu.memory_space<vmem>>
    %dma_wait3A_177 = arith.constant 0 : i32
    %dma_wait3A_178 = arith.constant 0 : i32
    %dma_wait3A_179 = tpu.memref_slice %arg6[%dma_wait3A_177, %dma_wait3A_178] : memref<200x128xf32, #tpu.memory_space<vmem_shared>> -> memref<200x128xf32, #tpu.memory_space<vmem_shared>>
    %dma_wait3A_180 = tpu.memref_slice %arg9[%dma_wait3A_170] : memref<10x!tpu.dma_semaphore, #tpu.memory_space<semaphore_mem>> -> memref<1x!tpu.dma_semaphore, #tpu.memory_space<semaphore_mem>>
    %dma_wait3A_181 = tpu.memref_squeeze %dma_wait3A_180 : memref<1x!tpu.dma_semaphore, #tpu.memory_space<semaphore_mem>> -> memref<!tpu.dma_semaphore, #tpu.memory_space<semaphore_mem>>
    tpu.wait_indirect_dma semaphore(%dma_wait3A_181 : memref<!tpu.dma_semaphore, #tpu.memory_space<semaphore_mem>>) src(%dma_wait3A_179 : memref<200x128xf32, #tpu.memory_space<vmem_shared>>) dst(%dma_wait3A_174 : memref<64x128xf32, #tpu.memory_space<vmem>>)
    %add3A_182 = arith.constant 5824 : i32
    %add3A_183 = arith.addi %mul3A_2, %add3A_182 : i32
    %dma_start3A_184 = arith.constant 1 : i32
    %dma_start3A_185 = arith.constant 1 : i32
    %dma_start3A_186 = arith.constant 0 : i32
    %dma_start3A_187 = arith.constant 0 : i32
    %dma_start3A_188 = tpu.memref_slice %arg8[%dma_start3A_184, %dma_start3A_186, %dma_start3A_187] : memref<10x64x128xf32, #tpu.memory_space<vmem>> -> memref<1x64x128xf32, #tpu.memory_space<vmem>>
    %dma_start3A_189 = tpu.memref_squeeze %dma_start3A_188 : memref<1x64x128xf32, #tpu.memory_space<vmem>> -> memref<64x128xf32, #tpu.memory_space<vmem>>
    %dma_start3A_190 = arith.constant 0 : i32
    %dma_start3A_191 = tpu.memref_slice %arg5[%add3A_183, %dma_start3A_190] : memref<204800x128xf32, #tpu.memory_space<hbm>> -> memref<64x128xf32, #tpu.memory_space<hbm>>
    %dma_start3A_192 = tpu.memref_slice %arg10[%dma_start3A_185] : memref<10x!tpu.dma_semaphore, #tpu.memory_space<semaphore_mem>> -> memref<1x!tpu.dma_semaphore, #tpu.memory_space<semaphore_mem>>
    %dma_start3A_193 = tpu.memref_squeeze %dma_start3A_192 : memref<1x!tpu.dma_semaphore, #tpu.memory_space<semaphore_mem>> -> memref<!tpu.dma_semaphore, #tpu.memory_space<semaphore_mem>>
    %dma_start3A_194 = arith.constant 0 : i32
    %dma_start3A_195 = tpu.memref_slice %arg5[%add3A_183, %dma_start3A_194] : memref<204800x128xf32, #tpu.memory_space<hbm>> -> memref<64x128xf32, #tpu.memory_space<hbm>>
    %dma_start3A_196 = arith.constant 0 : i32
    %dma_start3A_197 = arith.constant 0 : i32
    %dma_start3A_198 = tpu.memref_slice %arg8[%dma_start3A_184, %dma_start3A_196, %dma_start3A_197] : memref<10x64x128xf32, #tpu.memory_space<vmem>> -> memref<1x64x128xf32, #tpu.memory_space<vmem>>
    %dma_start3A_199 = tpu.memref_squeeze %dma_start3A_198 : memref<1x64x128xf32, #tpu.memory_space<vmem>> -> memref<64x128xf32, #tpu.memory_space<vmem>>
    tpu.enqueue_dma source(%dma_start3A_199 : memref<64x128xf32, #tpu.memory_space<vmem>>) target(%dma_start3A_195 : memref<64x128xf32, #tpu.memory_space<hbm>>) target_semaphore(%dma_start3A_193 : memref<!tpu.dma_semaphore, #tpu.memory_space<semaphore_mem>>)
    %dma_wait3A_200 = arith.constant 2 : i32
    %dma_wait3A_201 = arith.constant 2 : i32
    %dma_wait3A_202 = arith.constant 0 : i32
    %dma_wait3A_203 = arith.constant 0 : i32
    %dma_wait3A_204 = tpu.memref_slice %arg8[%dma_wait3A_200, %dma_wait3A_202, %dma_wait3A_203] : memref<10x64x128xf32, #tpu.memory_space<vmem>> -> memref<1x64x128xf32, #tpu.memory_space<vmem>>
    %dma_wait3A_205 = tpu.memref_squeeze %dma_wait3A_204 : memref<1x64x128xf32, #tpu.memory_space<vmem>> -> memref<64x128xf32, #tpu.memory_space<vmem>>
    %dma_wait3A_206 = arith.constant 5888 : i32
    %dma_wait3A_207 = tpu.memref_slice %arg7[%dma_wait3A_206] : memref<6400xi32, #tpu.memory_space<vmem>> -> memref<64xi32, #tpu.memory_space<vmem>>
    %dma_wait3A_208 = arith.constant 0 : i32
    %dma_wait3A_209 = arith.constant 0 : i32
    %dma_wait3A_210 = tpu.memref_slice %arg6[%dma_wait3A_208, %dma_wait3A_209] : memref<200x128xf32, #tpu.memory_space<vmem_shared>> -> memref<200x128xf32, #tpu.memory_space<vmem_shared>>
    %dma_wait3A_211 = tpu.memref_slice %arg9[%dma_wait3A_201] : memref<10x!tpu.dma_semaphore, #tpu.memory_space<semaphore_mem>> -> memref<1x!tpu.dma_semaphore, #tpu.memory_space<semaphore_mem>>
    %dma_wait3A_212 = tpu.memref_squeeze %dma_wait3A_211 : memref<1x!tpu.dma_semaphore, #tpu.memory_space<semaphore_mem>> -> memref<!tpu.dma_semaphore, #tpu.memory_space<semaphore_mem>>
    tpu.wait_indirect_dma semaphore(%dma_wait3A_212 : memref<!tpu.dma_semaphore, #tpu.memory_space<semaphore_mem>>) src(%dma_wait3A_210 : memref<200x128xf32, #tpu.memory_space<vmem_shared>>) dst(%dma_wait3A_205 : memref<64x128xf32, #tpu.memory_space<vmem>>)
    %add3A_213 = arith.constant 5888 : i32
    %add3A_214 = arith.addi %mul3A_2, %add3A_213 : i32
    %dma_start3A_215 = arith.constant 2 : i32
    %dma_start3A_216 = arith.constant 2 : i32
    %dma_start3A_217 = arith.constant 0 : i32
    %dma_start3A_218 = arith.constant 0 : i32
    %dma_start3A_219 = tpu.memref_slice %arg8[%dma_start3A_215, %dma_start3A_217, %dma_start3A_218] : memref<10x64x128xf32, #tpu.memory_space<vmem>> -> memref<1x64x128xf32, #tpu.memory_space<vmem>>
    %dma_start3A_220 = tpu.memref_squeeze %dma_start3A_219 : memref<1x64x128xf32, #tpu.memory_space<vmem>> -> memref<64x128xf32, #tpu.memory_space<vmem>>
    %dma_start3A_221 = arith.constant 0 : i32
    %dma_start3A_222 = tpu.memref_slice %arg5[%add3A_214, %dma_start3A_221] : memref<204800x128xf32, #tpu.memory_space<hbm>> -> memref<64x128xf32, #tpu.memory_space<hbm>>
    %dma_start3A_223 = tpu.memref_slice %arg10[%dma_start3A_216] : memref<10x!tpu.dma_semaphore, #tpu.memory_space<semaphore_mem>> -> memref<1x!tpu.dma_semaphore, #tpu.memory_space<semaphore_mem>>
    %dma_start3A_224 = tpu.memref_squeeze %dma_start3A_223 : memref<1x!tpu.dma_semaphore, #tpu.memory_space<semaphore_mem>> -> memref<!tpu.dma_semaphore, #tpu.memory_space<semaphore_mem>>
    %dma_start3A_225 = arith.constant 0 : i32
    %dma_start3A_226 = tpu.memref_slice %arg5[%add3A_214, %dma_start3A_225] : memref<204800x128xf32, #tpu.memory_space<hbm>> -> memref<64x128xf32, #tpu.memory_space<hbm>>
    %dma_start3A_227 = arith.constant 0 : i32
    %dma_start3A_228 = arith.constant 0 : i32
    %dma_start3A_229 = tpu.memref_slice %arg8[%dma_start3A_215, %dma_start3A_227, %dma_start3A_228] : memref<10x64x128xf32, #tpu.memory_space<vmem>> -> memref<1x64x128xf32, #tpu.memory_space<vmem>>
    %dma_start3A_230 = tpu.memref_squeeze %dma_start3A_229 : memref<1x64x128xf32, #tpu.memory_space<vmem>> -> memref<64x128xf32, #tpu.memory_space<vmem>>
    tpu.enqueue_dma source(%dma_start3A_230 : memref<64x128xf32, #tpu.memory_space<vmem>>) target(%dma_start3A_226 : memref<64x128xf32, #tpu.memory_space<hbm>>) target_semaphore(%dma_start3A_224 : memref<!tpu.dma_semaphore, #tpu.memory_space<semaphore_mem>>)
    %dma_wait3A_231 = arith.constant 3 : i32
    %dma_wait3A_232 = arith.constant 3 : i32
    %dma_wait3A_233 = arith.constant 0 : i32
    %dma_wait3A_234 = arith.constant 0 : i32
    %dma_wait3A_235 = tpu.memref_slice %arg8[%dma_wait3A_231, %dma_wait3A_233, %dma_wait3A_234] : memref<10x64x128xf32, #tpu.memory_space<vmem>> -> memref<1x64x128xf32, #tpu.memory_space<vmem>>
    %dma_wait3A_236 = tpu.memref_squeeze %dma_wait3A_235 : memref<1x64x128xf32, #tpu.memory_space<vmem>> -> memref<64x128xf32, #tpu.memory_space<vmem>>
    %dma_wait3A_237 = arith.constant 5952 : i32
    %dma_wait3A_238 = tpu.memref_slice %arg7[%dma_wait3A_237] : memref<6400xi32, #tpu.memory_space<vmem>> -> memref<64xi32, #tpu.memory_space<vmem>>
    %dma_wait3A_239 = arith.constant 0 : i32
    %dma_wait3A_240 = arith.constant 0 : i32
    %dma_wait3A_241 = tpu.memref_slice %arg6[%dma_wait3A_239, %dma_wait3A_240] : memref<200x128xf32, #tpu.memory_space<vmem_shared>> -> memref<200x128xf32, #tpu.memory_space<vmem_shared>>
    %dma_wait3A_242 = tpu.memref_slice %arg9[%dma_wait3A_232] : memref<10x!tpu.dma_semaphore, #tpu.memory_space<semaphore_mem>> -> memref<1x!tpu.dma_semaphore, #tpu.memory_space<semaphore_mem>>
    %dma_wait3A_243 = tpu.memref_squeeze %dma_wait3A_242 : memref<1x!tpu.dma_semaphore, #tpu.memory_space<semaphore_mem>> -> memref<!tpu.dma_semaphore, #tpu.memory_space<semaphore_mem>>
    tpu.wait_indirect_dma semaphore(%dma_wait3A_243 : memref<!tpu.dma_semaphore, #tpu.memory_space<semaphore_mem>>) src(%dma_wait3A_241 : memref<200x128xf32, #tpu.memory_space<vmem_shared>>) dst(%dma_wait3A_236 : memref<64x128xf32, #tpu.memory_space<vmem>>)
    %add3A_244 = arith.constant 5952 : i32
    %add3A_245 = arith.addi %mul3A_2, %add3A_244 : i32
    %dma_start3A_246 = arith.constant 3 : i32
    %dma_start3A_247 = arith.constant 3 : i32
    %dma_start3A_248 = arith.constant 0 : i32
    %dma_start3A_249 = arith.constant 0 : i32
    %dma_start3A_250 = tpu.memref_slice %arg8[%dma_start3A_246, %dma_start3A_248, %dma_start3A_249] : memref<10x64x128xf32, #tpu.memory_space<vmem>> -> memref<1x64x128xf32, #tpu.memory_space<vmem>>
    %dma_start3A_251 = tpu.memref_squeeze %dma_start3A_250 : memref<1x64x128xf32, #tpu.memory_space<vmem>> -> memref<64x128xf32, #tpu.memory_space<vmem>>
    %dma_start3A_252 = arith.constant 0 : i32
    %dma_start3A_253 = tpu.memref_slice %arg5[%add3A_245, %dma_start3A_252] : memref<204800x128xf32, #tpu.memory_space<hbm>> -> memref<64x128xf32, #tpu.memory_space<hbm>>
    %dma_start3A_254 = tpu.memref_slice %arg10[%dma_start3A_247] : memref<10x!tpu.dma_semaphore, #tpu.memory_space<semaphore_mem>> -> memref<1x!tpu.dma_semaphore, #tpu.memory_space<semaphore_mem>>
    %dma_start3A_255 = tpu.memref_squeeze %dma_start3A_254 : memref<1x!tpu.dma_semaphore, #tpu.memory_space<semaphore_mem>> -> memref<!tpu.dma_semaphore, #tpu.memory_space<semaphore_mem>>
    %dma_start3A_256 = arith.constant 0 : i32
    %dma_start3A_257 = tpu.memref_slice %arg5[%add3A_245, %dma_start3A_256] : memref<204800x128xf32, #tpu.memory_space<hbm>> -> memref<64x128xf32, #tpu.memory_space<hbm>>
    %dma_start3A_258 = arith.constant 0 : i32
    %dma_start3A_259 = arith.constant 0 : i32
    %dma_start3A_260 = tpu.memref_slice %arg8[%dma_start3A_246, %dma_start3A_258, %dma_start3A_259] : memref<10x64x128xf32, #tpu.memory_space<vmem>> -> memref<1x64x128xf32, #tpu.memory_space<vmem>>
    %dma_start3A_261 = tpu.memref_squeeze %dma_start3A_260 : memref<1x64x128xf32, #tpu.memory_space<vmem>> -> memref<64x128xf32, #tpu.memory_space<vmem>>
    tpu.enqueue_dma source(%dma_start3A_261 : memref<64x128xf32, #tpu.memory_space<vmem>>) target(%dma_start3A_257 : memref<64x128xf32, #tpu.memory_space<hbm>>) target_semaphore(%dma_start3A_255 : memref<!tpu.dma_semaphore, #tpu.memory_space<semaphore_mem>>)
    %dma_wait3A_262 = arith.constant 4 : i32
    %dma_wait3A_263 = arith.constant 4 : i32
    %dma_wait3A_264 = arith.constant 0 : i32
    %dma_wait3A_265 = arith.constant 0 : i32
    %dma_wait3A_266 = tpu.memref_slice %arg8[%dma_wait3A_262, %dma_wait3A_264, %dma_wait3A_265] : memref<10x64x128xf32, #tpu.memory_space<vmem>> -> memref<1x64x128xf32, #tpu.memory_space<vmem>>
    %dma_wait3A_267 = tpu.memref_squeeze %dma_wait3A_266 : memref<1x64x128xf32, #tpu.memory_space<vmem>> -> memref<64x128xf32, #tpu.memory_space<vmem>>
    %dma_wait3A_268 = arith.constant 6016 : i32
    %dma_wait3A_269 = tpu.memref_slice %arg7[%dma_wait3A_268] : memref<6400xi32, #tpu.memory_space<vmem>> -> memref<64xi32, #tpu.memory_space<vmem>>
    %dma_wait3A_270 = arith.constant 0 : i32
    %dma_wait3A_271 = arith.constant 0 : i32
    %dma_wait3A_272 = tpu.memref_slice %arg6[%dma_wait3A_270, %dma_wait3A_271] : memref<200x128xf32, #tpu.memory_space<vmem_shared>> -> memref<200x128xf32, #tpu.memory_space<vmem_shared>>
    %dma_wait3A_273 = tpu.memref_slice %arg9[%dma_wait3A_263] : memref<10x!tpu.dma_semaphore, #tpu.memory_space<semaphore_mem>> -> memref<1x!tpu.dma_semaphore, #tpu.memory_space<semaphore_mem>>
    %dma_wait3A_274 = tpu.memref_squeeze %dma_wait3A_273 : memref<1x!tpu.dma_semaphore, #tpu.memory_space<semaphore_mem>> -> memref<!tpu.dma_semaphore, #tpu.memory_space<semaphore_mem>>
    tpu.wait_indirect_dma semaphore(%dma_wait3A_274 : memref<!tpu.dma_semaphore, #tpu.memory_space<semaphore_mem>>) src(%dma_wait3A_272 : memref<200x128xf32, #tpu.memory_space<vmem_shared>>) dst(%dma_wait3A_267 : memref<64x128xf32, #tpu.memory_space<vmem>>)
    %add3A_275 = arith.constant 6016 : i32
    %add3A_276 = arith.addi %mul3A_2, %add3A_275 : i32
    %dma_start3A_277 = arith.constant 4 : i32
    %dma_start3A_278 = arith.constant 4 : i32
    %dma_start3A_279 = arith.constant 0 : i32
    %dma_start3A_280 = arith.constant 0 : i32
    %dma_start3A_281 = tpu.memref_slice %arg8[%dma_start3A_277, %dma_start3A_279, %dma_start3A_280] : memref<10x64x128xf32, #tpu.memory_space<vmem>> -> memref<1x64x128xf32, #tpu.memory_space<vmem>>
    %dma_start3A_282 = tpu.memref_squeeze %dma_start3A_281 : memref<1x64x128xf32, #tpu.memory_space<vmem>> -> memref<64x128xf32, #tpu.memory_space<vmem>>
    %dma_start3A_283 = arith.constant 0 : i32
    %dma_start3A_284 = tpu.memref_slice %arg5[%add3A_276, %dma_start3A_283] : memref<204800x128xf32, #tpu.memory_space<hbm>> -> memref<64x128xf32, #tpu.memory_space<hbm>>
    %dma_start3A_285 = tpu.memref_slice %arg10[%dma_start3A_278] : memref<10x!tpu.dma_semaphore, #tpu.memory_space<semaphore_mem>> -> memref<1x!tpu.dma_semaphore, #tpu.memory_space<semaphore_mem>>
    %dma_start3A_286 = tpu.memref_squeeze %dma_start3A_285 : memref<1x!tpu.dma_semaphore, #tpu.memory_space<semaphore_mem>> -> memref<!tpu.dma_semaphore, #tpu.memory_space<semaphore_mem>>
    %dma_start3A_287 = arith.constant 0 : i32
    %dma_start3A_288 = tpu.memref_slice %arg5[%add3A_276, %dma_start3A_287] : memref<204800x128xf32, #tpu.memory_space<hbm>> -> memref<64x128xf32, #tpu.memory_space<hbm>>
    %dma_start3A_289 = arith.constant 0 : i32
    %dma_start3A_290 = arith.constant 0 : i32
    %dma_start3A_291 = tpu.memref_slice %arg8[%dma_start3A_277, %dma_start3A_289, %dma_start3A_290] : memref<10x64x128xf32, #tpu.memory_space<vmem>> -> memref<1x64x128xf32, #tpu.memory_space<vmem>>
    %dma_start3A_292 = tpu.memref_squeeze %dma_start3A_291 : memref<1x64x128xf32, #tpu.memory_space<vmem>> -> memref<64x128xf32, #tpu.memory_space<vmem>>
    tpu.enqueue_dma source(%dma_start3A_292 : memref<64x128xf32, #tpu.memory_space<vmem>>) target(%dma_start3A_288 : memref<64x128xf32, #tpu.memory_space<hbm>>) target_semaphore(%dma_start3A_286 : memref<!tpu.dma_semaphore, #tpu.memory_space<semaphore_mem>>)
    %dma_wait3A_293 = arith.constant 5 : i32
    %dma_wait3A_294 = arith.constant 5 : i32
    %dma_wait3A_295 = arith.constant 0 : i32
    %dma_wait3A_296 = arith.constant 0 : i32
    %dma_wait3A_297 = tpu.memref_slice %arg8[%dma_wait3A_293, %dma_wait3A_295, %dma_wait3A_296] : memref<10x64x128xf32, #tpu.memory_space<vmem>> -> memref<1x64x128xf32, #tpu.memory_space<vmem>>
    %dma_wait3A_298 = tpu.memref_squeeze %dma_wait3A_297 : memref<1x64x128xf32, #tpu.memory_space<vmem>> -> memref<64x128xf32, #tpu.memory_space<vmem>>
    %dma_wait3A_299 = arith.constant 6080 : i32
    %dma_wait3A_300 = tpu.memref_slice %arg7[%dma_wait3A_299] : memref<6400xi32, #tpu.memory_space<vmem>> -> memref<64xi32, #tpu.memory_space<vmem>>
    %dma_wait3A_301 = arith.constant 0 : i32
    %dma_wait3A_302 = arith.constant 0 : i32
    %dma_wait3A_303 = tpu.memref_slice %arg6[%dma_wait3A_301, %dma_wait3A_302] : memref<200x128xf32, #tpu.memory_space<vmem_shared>> -> memref<200x128xf32, #tpu.memory_space<vmem_shared>>
    %dma_wait3A_304 = tpu.memref_slice %arg9[%dma_wait3A_294] : memref<10x!tpu.dma_semaphore, #tpu.memory_space<semaphore_mem>> -> memref<1x!tpu.dma_semaphore, #tpu.memory_space<semaphore_mem>>
    %dma_wait3A_305 = tpu.memref_squeeze %dma_wait3A_304 : memref<1x!tpu.dma_semaphore, #tpu.memory_space<semaphore_mem>> -> memref<!tpu.dma_semaphore, #tpu.memory_space<semaphore_mem>>
    tpu.wait_indirect_dma semaphore(%dma_wait3A_305 : memref<!tpu.dma_semaphore, #tpu.memory_space<semaphore_mem>>) src(%dma_wait3A_303 : memref<200x128xf32, #tpu.memory_space<vmem_shared>>) dst(%dma_wait3A_298 : memref<64x128xf32, #tpu.memory_space<vmem>>)
    %add3A_306 = arith.constant 6080 : i32
    %add3A_307 = arith.addi %mul3A_2, %add3A_306 : i32
    %dma_start3A_308 = arith.constant 5 : i32
    %dma_start3A_309 = arith.constant 5 : i32
    %dma_start3A_310 = arith.constant 0 : i32
    %dma_start3A_311 = arith.constant 0 : i32
    %dma_start3A_312 = tpu.memref_slice %arg8[%dma_start3A_308, %dma_start3A_310, %dma_start3A_311] : memref<10x64x128xf32, #tpu.memory_space<vmem>> -> memref<1x64x128xf32, #tpu.memory_space<vmem>>
    %dma_start3A_313 = tpu.memref_squeeze %dma_start3A_312 : memref<1x64x128xf32, #tpu.memory_space<vmem>> -> memref<64x128xf32, #tpu.memory_space<vmem>>
    %dma_start3A_314 = arith.constant 0 : i32
    %dma_start3A_315 = tpu.memref_slice %arg5[%add3A_307, %dma_start3A_314] : memref<204800x128xf32, #tpu.memory_space<hbm>> -> memref<64x128xf32, #tpu.memory_space<hbm>>
    %dma_start3A_316 = tpu.memref_slice %arg10[%dma_start3A_309] : memref<10x!tpu.dma_semaphore, #tpu.memory_space<semaphore_mem>> -> memref<1x!tpu.dma_semaphore, #tpu.memory_space<semaphore_mem>>
    %dma_start3A_317 = tpu.memref_squeeze %dma_start3A_316 : memref<1x!tpu.dma_semaphore, #tpu.memory_space<semaphore_mem>> -> memref<!tpu.dma_semaphore, #tpu.memory_space<semaphore_mem>>
    %dma_start3A_318 = arith.constant 0 : i32
    %dma_start3A_319 = tpu.memref_slice %arg5[%add3A_307, %dma_start3A_318] : memref<204800x128xf32, #tpu.memory_space<hbm>> -> memref<64x128xf32, #tpu.memory_space<hbm>>
    %dma_start3A_320 = arith.constant 0 : i32
    %dma_start3A_321 = arith.constant 0 : i32
    %dma_start3A_322 = tpu.memref_slice %arg8[%dma_start3A_308, %dma_start3A_320, %dma_start3A_321] : memref<10x64x128xf32, #tpu.memory_space<vmem>> -> memref<1x64x128xf32, #tpu.memory_space<vmem>>
    %dma_start3A_323 = tpu.memref_squeeze %dma_start3A_322 : memref<1x64x128xf32, #tpu.memory_space<vmem>> -> memref<64x128xf32, #tpu.memory_space<vmem>>
    tpu.enqueue_dma source(%dma_start3A_323 : memref<64x128xf32, #tpu.memory_space<vmem>>) target(%dma_start3A_319 : memref<64x128xf32, #tpu.memory_space<hbm>>) target_semaphore(%dma_start3A_317 : memref<!tpu.dma_semaphore, #tpu.memory_space<semaphore_mem>>)
    %dma_wait3A_324 = arith.constant 6 : i32
    %dma_wait3A_325 = arith.constant 6 : i32
    %dma_wait3A_326 = arith.constant 0 : i32
    %dma_wait3A_327 = arith.constant 0 : i32
    %dma_wait3A_328 = tpu.memref_slice %arg8[%dma_wait3A_324, %dma_wait3A_326, %dma_wait3A_327] : memref<10x64x128xf32, #tpu.memory_space<vmem>> -> memref<1x64x128xf32, #tpu.memory_space<vmem>>
    %dma_wait3A_329 = tpu.memref_squeeze %dma_wait3A_328 : memref<1x64x128xf32, #tpu.memory_space<vmem>> -> memref<64x128xf32, #tpu.memory_space<vmem>>
    %dma_wait3A_330 = arith.constant 6144 : i32
    %dma_wait3A_331 = tpu.memref_slice %arg7[%dma_wait3A_330] : memref<6400xi32, #tpu.memory_space<vmem>> -> memref<64xi32, #tpu.memory_space<vmem>>
    %dma_wait3A_332 = arith.constant 0 : i32
    %dma_wait3A_333 = arith.constant 0 : i32
    %dma_wait3A_334 = tpu.memref_slice %arg6[%dma_wait3A_332, %dma_wait3A_333] : memref<200x128xf32, #tpu.memory_space<vmem_shared>> -> memref<200x128xf32, #tpu.memory_space<vmem_shared>>
    %dma_wait3A_335 = tpu.memref_slice %arg9[%dma_wait3A_325] : memref<10x!tpu.dma_semaphore, #tpu.memory_space<semaphore_mem>> -> memref<1x!tpu.dma_semaphore, #tpu.memory_space<semaphore_mem>>
    %dma_wait3A_336 = tpu.memref_squeeze %dma_wait3A_335 : memref<1x!tpu.dma_semaphore, #tpu.memory_space<semaphore_mem>> -> memref<!tpu.dma_semaphore, #tpu.memory_space<semaphore_mem>>
    tpu.wait_indirect_dma semaphore(%dma_wait3A_336 : memref<!tpu.dma_semaphore, #tpu.memory_space<semaphore_mem>>) src(%dma_wait3A_334 : memref<200x128xf32, #tpu.memory_space<vmem_shared>>) dst(%dma_wait3A_329 : memref<64x128xf32, #tpu.memory_space<vmem>>)
    %add3A_337 = arith.constant 6144 : i32
    %add3A_338 = arith.addi %mul3A_2, %add3A_337 : i32
    %dma_start3A_339 = arith.constant 6 : i32
    %dma_start3A_340 = arith.constant 6 : i32
    %dma_start3A_341 = arith.constant 0 : i32
    %dma_start3A_342 = arith.constant 0 : i32
    %dma_start3A_343 = tpu.memref_slice %arg8[%dma_start3A_339, %dma_start3A_341, %dma_start3A_342] : memref<10x64x128xf32, #tpu.memory_space<vmem>> -> memref<1x64x128xf32, #tpu.memory_space<vmem>>
    %dma_start3A_344 = tpu.memref_squeeze %dma_start3A_343 : memref<1x64x128xf32, #tpu.memory_space<vmem>> -> memref<64x128xf32, #tpu.memory_space<vmem>>
    %dma_start3A_345 = arith.constant 0 : i32
    %dma_start3A_346 = tpu.memref_slice %arg5[%add3A_338, %dma_start3A_345] : memref<204800x128xf32, #tpu.memory_space<hbm>> -> memref<64x128xf32, #tpu.memory_space<hbm>>
    %dma_start3A_347 = tpu.memref_slice %arg10[%dma_start3A_340] : memref<10x!tpu.dma_semaphore, #tpu.memory_space<semaphore_mem>> -> memref<1x!tpu.dma_semaphore, #tpu.memory_space<semaphore_mem>>
    %dma_start3A_348 = tpu.memref_squeeze %dma_start3A_347 : memref<1x!tpu.dma_semaphore, #tpu.memory_space<semaphore_mem>> -> memref<!tpu.dma_semaphore, #tpu.memory_space<semaphore_mem>>
    %dma_start3A_349 = arith.constant 0 : i32
    %dma_start3A_350 = tpu.memref_slice %arg5[%add3A_338, %dma_start3A_349] : memref<204800x128xf32, #tpu.memory_space<hbm>> -> memref<64x128xf32, #tpu.memory_space<hbm>>
    %dma_start3A_351 = arith.constant 0 : i32
    %dma_start3A_352 = arith.constant 0 : i32
    %dma_start3A_353 = tpu.memref_slice %arg8[%dma_start3A_339, %dma_start3A_351, %dma_start3A_352] : memref<10x64x128xf32, #tpu.memory_space<vmem>> -> memref<1x64x128xf32, #tpu.memory_space<vmem>>
    %dma_start3A_354 = tpu.memref_squeeze %dma_start3A_353 : memref<1x64x128xf32, #tpu.memory_space<vmem>> -> memref<64x128xf32, #tpu.memory_space<vmem>>
    tpu.enqueue_dma source(%dma_start3A_354 : memref<64x128xf32, #tpu.memory_space<vmem>>) target(%dma_start3A_350 : memref<64x128xf32, #tpu.memory_space<hbm>>) target_semaphore(%dma_start3A_348 : memref<!tpu.dma_semaphore, #tpu.memory_space<semaphore_mem>>)
    %dma_wait3A_355 = arith.constant 7 : i32
    %dma_wait3A_356 = arith.constant 7 : i32
    %dma_wait3A_357 = arith.constant 0 : i32
    %dma_wait3A_358 = arith.constant 0 : i32
    %dma_wait3A_359 = tpu.memref_slice %arg8[%dma_wait3A_355, %dma_wait3A_357, %dma_wait3A_358] : memref<10x64x128xf32, #tpu.memory_space<vmem>> -> memref<1x64x128xf32, #tpu.memory_space<vmem>>
    %dma_wait3A_360 = tpu.memref_squeeze %dma_wait3A_359 : memref<1x64x128xf32, #tpu.memory_space<vmem>> -> memref<64x128xf32, #tpu.memory_space<vmem>>
    %dma_wait3A_361 = arith.constant 6208 : i32
    %dma_wait3A_362 = tpu.memref_slice %arg7[%dma_wait3A_361] : memref<6400xi32, #tpu.memory_space<vmem>> -> memref<64xi32, #tpu.memory_space<vmem>>
    %dma_wait3A_363 = arith.constant 0 : i32
    %dma_wait3A_364 = arith.constant 0 : i32
    %dma_wait3A_365 = tpu.memref_slice %arg6[%dma_wait3A_363, %dma_wait3A_364] : memref<200x128xf32, #tpu.memory_space<vmem_shared>> -> memref<200x128xf32, #tpu.memory_space<vmem_shared>>
    %dma_wait3A_366 = tpu.memref_slice %arg9[%dma_wait3A_356] : memref<10x!tpu.dma_semaphore, #tpu.memory_space<semaphore_mem>> -> memref<1x!tpu.dma_semaphore, #tpu.memory_space<semaphore_mem>>
    %dma_wait3A_367 = tpu.memref_squeeze %dma_wait3A_366 : memref<1x!tpu.dma_semaphore, #tpu.memory_space<semaphore_mem>> -> memref<!tpu.dma_semaphore, #tpu.memory_space<semaphore_mem>>
    tpu.wait_indirect_dma semaphore(%dma_wait3A_367 : memref<!tpu.dma_semaphore, #tpu.memory_space<semaphore_mem>>) src(%dma_wait3A_365 : memref<200x128xf32, #tpu.memory_space<vmem_shared>>) dst(%dma_wait3A_360 : memref<64x128xf32, #tpu.memory_space<vmem>>)
    %add3A_368 = arith.constant 6208 : i32
    %add3A_369 = arith.addi %mul3A_2, %add3A_368 : i32
    %dma_start3A_370 = arith.constant 7 : i32
    %dma_start3A_371 = arith.constant 7 : i32
    %dma_start3A_372 = arith.constant 0 : i32
    %dma_start3A_373 = arith.constant 0 : i32
    %dma_start3A_374 = tpu.memref_slice %arg8[%dma_start3A_370, %dma_start3A_372, %dma_start3A_373] : memref<10x64x128xf32, #tpu.memory_space<vmem>> -> memref<1x64x128xf32, #tpu.memory_space<vmem>>
    %dma_start3A_375 = tpu.memref_squeeze %dma_start3A_374 : memref<1x64x128xf32, #tpu.memory_space<vmem>> -> memref<64x128xf32, #tpu.memory_space<vmem>>
    %dma_start3A_376 = arith.constant 0 : i32
    %dma_start3A_377 = tpu.memref_slice %arg5[%add3A_369, %dma_start3A_376] : memref<204800x128xf32, #tpu.memory_space<hbm>> -> memref<64x128xf32, #tpu.memory_space<hbm>>
    %dma_start3A_378 = tpu.memref_slice %arg10[%dma_start3A_371] : memref<10x!tpu.dma_semaphore, #tpu.memory_space<semaphore_mem>> -> memref<1x!tpu.dma_semaphore, #tpu.memory_space<semaphore_mem>>
    %dma_start3A_379 = tpu.memref_squeeze %dma_start3A_378 : memref<1x!tpu.dma_semaphore, #tpu.memory_space<semaphore_mem>> -> memref<!tpu.dma_semaphore, #tpu.memory_space<semaphore_mem>>
    %dma_start3A_380 = arith.constant 0 : i32
    %dma_start3A_381 = tpu.memref_slice %arg5[%add3A_369, %dma_start3A_380] : memref<204800x128xf32, #tpu.memory_space<hbm>> -> memref<64x128xf32, #tpu.memory_space<hbm>>
    %dma_start3A_382 = arith.constant 0 : i32
    %dma_start3A_383 = arith.constant 0 : i32
    %dma_start3A_384 = tpu.memref_slice %arg8[%dma_start3A_370, %dma_start3A_382, %dma_start3A_383] : memref<10x64x128xf32, #tpu.memory_space<vmem>> -> memref<1x64x128xf32, #tpu.memory_space<vmem>>
    %dma_start3A_385 = tpu.memref_squeeze %dma_start3A_384 : memref<1x64x128xf32, #tpu.memory_space<vmem>> -> memref<64x128xf32, #tpu.memory_space<vmem>>
    tpu.enqueue_dma source(%dma_start3A_385 : memref<64x128xf32, #tpu.memory_space<vmem>>) target(%dma_start3A_381 : memref<64x128xf32, #tpu.memory_space<hbm>>) target_semaphore(%dma_start3A_379 : memref<!tpu.dma_semaphore, #tpu.memory_space<semaphore_mem>>)
    %dma_wait3A_386 = arith.constant 8 : i32
    %dma_wait3A_387 = arith.constant 8 : i32
    %dma_wait3A_388 = arith.constant 0 : i32
    %dma_wait3A_389 = arith.constant 0 : i32
    %dma_wait3A_390 = tpu.memref_slice %arg8[%dma_wait3A_386, %dma_wait3A_388, %dma_wait3A_389] : memref<10x64x128xf32, #tpu.memory_space<vmem>> -> memref<1x64x128xf32, #tpu.memory_space<vmem>>
    %dma_wait3A_391 = tpu.memref_squeeze %dma_wait3A_390 : memref<1x64x128xf32, #tpu.memory_space<vmem>> -> memref<64x128xf32, #tpu.memory_space<vmem>>
    %dma_wait3A_392 = arith.constant 6272 : i32
    %dma_wait3A_393 = tpu.memref_slice %arg7[%dma_wait3A_392] : memref<6400xi32, #tpu.memory_space<vmem>> -> memref<64xi32, #tpu.memory_space<vmem>>
    %dma_wait3A_394 = arith.constant 0 : i32
    %dma_wait3A_395 = arith.constant 0 : i32
    %dma_wait3A_396 = tpu.memref_slice %arg6[%dma_wait3A_394, %dma_wait3A_395] : memref<200x128xf32, #tpu.memory_space<vmem_shared>> -> memref<200x128xf32, #tpu.memory_space<vmem_shared>>
    %dma_wait3A_397 = tpu.memref_slice %arg9[%dma_wait3A_387] : memref<10x!tpu.dma_semaphore, #tpu.memory_space<semaphore_mem>> -> memref<1x!tpu.dma_semaphore, #tpu.memory_space<semaphore_mem>>
    %dma_wait3A_398 = tpu.memref_squeeze %dma_wait3A_397 : memref<1x!tpu.dma_semaphore, #tpu.memory_space<semaphore_mem>> -> memref<!tpu.dma_semaphore, #tpu.memory_space<semaphore_mem>>
    tpu.wait_indirect_dma semaphore(%dma_wait3A_398 : memref<!tpu.dma_semaphore, #tpu.memory_space<semaphore_mem>>) src(%dma_wait3A_396 : memref<200x128xf32, #tpu.memory_space<vmem_shared>>) dst(%dma_wait3A_391 : memref<64x128xf32, #tpu.memory_space<vmem>>)
    %add3A_399 = arith.constant 6272 : i32
    %add3A_400 = arith.addi %mul3A_2, %add3A_399 : i32
    %dma_start3A_401 = arith.constant 8 : i32
    %dma_start3A_402 = arith.constant 8 : i32
    %dma_start3A_403 = arith.constant 0 : i32
    %dma_start3A_404 = arith.constant 0 : i32
    %dma_start3A_405 = tpu.memref_slice %arg8[%dma_start3A_401, %dma_start3A_403, %dma_start3A_404] : memref<10x64x128xf32, #tpu.memory_space<vmem>> -> memref<1x64x128xf32, #tpu.memory_space<vmem>>
    %dma_start3A_406 = tpu.memref_squeeze %dma_start3A_405 : memref<1x64x128xf32, #tpu.memory_space<vmem>> -> memref<64x128xf32, #tpu.memory_space<vmem>>
    %dma_start3A_407 = arith.constant 0 : i32
    %dma_start3A_408 = tpu.memref_slice %arg5[%add3A_400, %dma_start3A_407] : memref<204800x128xf32, #tpu.memory_space<hbm>> -> memref<64x128xf32, #tpu.memory_space<hbm>>
    %dma_start3A_409 = tpu.memref_slice %arg10[%dma_start3A_402] : memref<10x!tpu.dma_semaphore, #tpu.memory_space<semaphore_mem>> -> memref<1x!tpu.dma_semaphore, #tpu.memory_space<semaphore_mem>>
    %dma_start3A_410 = tpu.memref_squeeze %dma_start3A_409 : memref<1x!tpu.dma_semaphore, #tpu.memory_space<semaphore_mem>> -> memref<!tpu.dma_semaphore, #tpu.memory_space<semaphore_mem>>
    %dma_start3A_411 = arith.constant 0 : i32
    %dma_start3A_412 = tpu.memref_slice %arg5[%add3A_400, %dma_start3A_411] : memref<204800x128xf32, #tpu.memory_space<hbm>> -> memref<64x128xf32, #tpu.memory_space<hbm>>
    %dma_start3A_413 = arith.constant 0 : i32
    %dma_start3A_414 = arith.constant 0 : i32
    %dma_start3A_415 = tpu.memref_slice %arg8[%dma_start3A_401, %dma_start3A_413, %dma_start3A_414] : memref<10x64x128xf32, #tpu.memory_space<vmem>> -> memref<1x64x128xf32, #tpu.memory_space<vmem>>
    %dma_start3A_416 = tpu.memref_squeeze %dma_start3A_415 : memref<1x64x128xf32, #tpu.memory_space<vmem>> -> memref<64x128xf32, #tpu.memory_space<vmem>>
    tpu.enqueue_dma source(%dma_start3A_416 : memref<64x128xf32, #tpu.memory_space<vmem>>) target(%dma_start3A_412 : memref<64x128xf32, #tpu.memory_space<hbm>>) target_semaphore(%dma_start3A_410 : memref<!tpu.dma_semaphore, #tpu.memory_space<semaphore_mem>>)
    %dma_wait3A_417 = arith.constant 9 : i32
    %dma_wait3A_418 = arith.constant 9 : i32
    %dma_wait3A_419 = arith.constant 0 : i32
    %dma_wait3A_420 = arith.constant 0 : i32
    %dma_wait3A_421 = tpu.memref_slice %arg8[%dma_wait3A_417, %dma_wait3A_419, %dma_wait3A_420] : memref<10x64x128xf32, #tpu.memory_space<vmem>> -> memref<1x64x128xf32, #tpu.memory_space<vmem>>
    %dma_wait3A_422 = tpu.memref_squeeze %dma_wait3A_421 : memref<1x64x128xf32, #tpu.memory_space<vmem>> -> memref<64x128xf32, #tpu.memory_space<vmem>>
    %dma_wait3A_423 = arith.constant 6336 : i32
    %dma_wait3A_424 = tpu.memref_slice %arg7[%dma_wait3A_423] : memref<6400xi32, #tpu.memory_space<vmem>> -> memref<64xi32, #tpu.memory_space<vmem>>
    %dma_wait3A_425 = arith.constant 0 : i32
    %dma_wait3A_426 = arith.constant 0 : i32
    %dma_wait3A_427 = tpu.memref_slice %arg6[%dma_wait3A_425, %dma_wait3A_426] : memref<200x128xf32, #tpu.memory_space<vmem_shared>> -> memref<200x128xf32, #tpu.memory_space<vmem_shared>>
    %dma_wait3A_428 = tpu.memref_slice %arg9[%dma_wait3A_418] : memref<10x!tpu.dma_semaphore, #tpu.memory_space<semaphore_mem>> -> memref<1x!tpu.dma_semaphore, #tpu.memory_space<semaphore_mem>>
    %dma_wait3A_429 = tpu.memref_squeeze %dma_wait3A_428 : memref<1x!tpu.dma_semaphore, #tpu.memory_space<semaphore_mem>> -> memref<!tpu.dma_semaphore, #tpu.memory_space<semaphore_mem>>
    tpu.wait_indirect_dma semaphore(%dma_wait3A_429 : memref<!tpu.dma_semaphore, #tpu.memory_space<semaphore_mem>>) src(%dma_wait3A_427 : memref<200x128xf32, #tpu.memory_space<vmem_shared>>) dst(%dma_wait3A_422 : memref<64x128xf32, #tpu.memory_space<vmem>>)
    %add3A_430 = arith.constant 6336 : i32
    %add3A_431 = arith.addi %mul3A_2, %add3A_430 : i32
    %dma_start3A_432 = arith.constant 9 : i32
    %dma_start3A_433 = arith.constant 9 : i32
    %dma_start3A_434 = arith.constant 0 : i32
    %dma_start3A_435 = arith.constant 0 : i32
    %dma_start3A_436 = tpu.memref_slice %arg8[%dma_start3A_432, %dma_start3A_434, %dma_start3A_435] : memref<10x64x128xf32, #tpu.memory_space<vmem>> -> memref<1x64x128xf32, #tpu.memory_space<vmem>>
    %dma_start3A_437 = tpu.memref_squeeze %dma_start3A_436 : memref<1x64x128xf32, #tpu.memory_space<vmem>> -> memref<64x128xf32, #tpu.memory_space<vmem>>
    %dma_start3A_438 = arith.constant 0 : i32
    %dma_start3A_439 = tpu.memref_slice %arg5[%add3A_431, %dma_start3A_438] : memref<204800x128xf32, #tpu.memory_space<hbm>> -> memref<64x128xf32, #tpu.memory_space<hbm>>
    %dma_start3A_440 = tpu.memref_slice %arg10[%dma_start3A_433] : memref<10x!tpu.dma_semaphore, #tpu.memory_space<semaphore_mem>> -> memref<1x!tpu.dma_semaphore, #tpu.memory_space<semaphore_mem>>
    %dma_start3A_441 = tpu.memref_squeeze %dma_start3A_440 : memref<1x!tpu.dma_semaphore, #tpu.memory_space<semaphore_mem>> -> memref<!tpu.dma_semaphore, #tpu.memory_space<semaphore_mem>>
    %dma_start3A_442 = arith.constant 0 : i32
    %dma_start3A_443 = tpu.memref_slice %arg5[%add3A_431, %dma_start3A_442] : memref<204800x128xf32, #tpu.memory_space<hbm>> -> memref<64x128xf32, #tpu.memory_space<hbm>>
    %dma_start3A_444 = arith.constant 0 : i32
    %dma_start3A_445 = arith.constant 0 : i32
    %dma_start3A_446 = tpu.memref_slice %arg8[%dma_start3A_432, %dma_start3A_444, %dma_start3A_445] : memref<10x64x128xf32, #tpu.memory_space<vmem>> -> memref<1x64x128xf32, #tpu.memory_space<vmem>>
    %dma_start3A_447 = tpu.memref_squeeze %dma_start3A_446 : memref<1x64x128xf32, #tpu.memory_space<vmem>> -> memref<64x128xf32, #tpu.memory_space<vmem>>
    tpu.enqueue_dma source(%dma_start3A_447 : memref<64x128xf32, #tpu.memory_space<vmem>>) target(%dma_start3A_443 : memref<64x128xf32, #tpu.memory_space<hbm>>) target_semaphore(%dma_start3A_441 : memref<!tpu.dma_semaphore, #tpu.memory_space<semaphore_mem>>)
    %add3A_448 = arith.constant 5760 : i32
    %add3A_449 = arith.addi %mul3A_2, %add3A_448 : i32
    %dma_wait3A_450 = arith.constant 0 : i32
    %dma_wait3A_451 = arith.constant 0 : i32
    %dma_wait3A_452 = arith.constant 0 : i32
    %dma_wait3A_453 = arith.constant 0 : i32
    %dma_wait3A_454 = tpu.memref_slice %arg8[%dma_wait3A_450, %dma_wait3A_452, %dma_wait3A_453] : memref<10x64x128xf32, #tpu.memory_space<vmem>> -> memref<1x64x128xf32, #tpu.memory_space<vmem>>
    %dma_wait3A_455 = tpu.memref_squeeze %dma_wait3A_454 : memref<1x64x128xf32, #tpu.memory_space<vmem>> -> memref<64x128xf32, #tpu.memory_space<vmem>>
    %dma_wait3A_456 = arith.constant 0 : i32
    %dma_wait3A_457 = tpu.memref_slice %arg5[%add3A_449, %dma_wait3A_456] : memref<204800x128xf32, #tpu.memory_space<hbm>> -> memref<64x128xf32, #tpu.memory_space<hbm>>
    %dma_wait3A_458 = tpu.memref_slice %arg10[%dma_wait3A_451] : memref<10x!tpu.dma_semaphore, #tpu.memory_space<semaphore_mem>> -> memref<1x!tpu.dma_semaphore, #tpu.memory_space<semaphore_mem>>
    %dma_wait3A_459 = tpu.memref_squeeze %dma_wait3A_458 : memref<1x!tpu.dma_semaphore, #tpu.memory_space<semaphore_mem>> -> memref<!tpu.dma_semaphore, #tpu.memory_space<semaphore_mem>>
    %dma_wait3A_460 = arith.constant 0 : i32
    %dma_wait3A_461 = tpu.memref_slice %arg5[%add3A_449, %dma_wait3A_460] : memref<204800x128xf32, #tpu.memory_space<hbm>> -> memref<64x128xf32, #tpu.memory_space<hbm>>
    %dma_wait3A_462 = arith.constant 0 : i32
    %dma_wait3A_463 = arith.constant 0 : i32
    %dma_wait3A_464 = tpu.memref_slice %arg8[%dma_wait3A_450, %dma_wait3A_462, %dma_wait3A_463] : memref<10x64x128xf32, #tpu.memory_space<vmem>> -> memref<1x64x128xf32, #tpu.memory_space<vmem>>
    %dma_wait3A_465 = tpu.memref_squeeze %dma_wait3A_464 : memref<1x64x128xf32, #tpu.memory_space<vmem>> -> memref<64x128xf32, #tpu.memory_space<vmem>>
    tpu.wait_dma2 semaphore(%dma_wait3A_459 : memref<!tpu.dma_semaphore, #tpu.memory_space<semaphore_mem>>) src(%dma_wait3A_465 : memref<64x128xf32, #tpu.memory_space<vmem>>) dst(%dma_wait3A_461 : memref<64x128xf32, #tpu.memory_space<hbm>>)
    %add3A_466 = arith.constant 5824 : i32
    %add3A_467 = arith.addi %mul3A_2, %add3A_466 : i32
    %dma_wait3A_468 = arith.constant 1 : i32
    %dma_wait3A_469 = arith.constant 1 : i32
    %dma_wait3A_470 = arith.constant 0 : i32
    %dma_wait3A_471 = arith.constant 0 : i32
    %dma_wait3A_472 = tpu.memref_slice %arg8[%dma_wait3A_468, %dma_wait3A_470, %dma_wait3A_471] : memref<10x64x128xf32, #tpu.memory_space<vmem>> -> memref<1x64x128xf32, #tpu.memory_space<vmem>>
    %dma_wait3A_473 = tpu.memref_squeeze %dma_wait3A_472 : memref<1x64x128xf32, #tpu.memory_space<vmem>> -> memref<64x128xf32, #tpu.memory_space<vmem>>
    %dma_wait3A_474 = arith.constant 0 : i32
    %dma_wait3A_475 = tpu.memref_slice %arg5[%add3A_467, %dma_wait3A_474] : memref<204800x128xf32, #tpu.memory_space<hbm>> -> memref<64x128xf32, #tpu.memory_space<hbm>>
    %dma_wait3A_476 = tpu.memref_slice %arg10[%dma_wait3A_469] : memref<10x!tpu.dma_semaphore, #tpu.memory_space<semaphore_mem>> -> memref<1x!tpu.dma_semaphore, #tpu.memory_space<semaphore_mem>>
    %dma_wait3A_477 = tpu.memref_squeeze %dma_wait3A_476 : memref<1x!tpu.dma_semaphore, #tpu.memory_space<semaphore_mem>> -> memref<!tpu.dma_semaphore, #tpu.memory_space<semaphore_mem>>
    %dma_wait3A_478 = arith.constant 0 : i32
    %dma_wait3A_479 = tpu.memref_slice %arg5[%add3A_467, %dma_wait3A_478] : memref<204800x128xf32, #tpu.memory_space<hbm>> -> memref<64x128xf32, #tpu.memory_space<hbm>>
    %dma_wait3A_480 = arith.constant 0 : i32
    %dma_wait3A_481 = arith.constant 0 : i32
    %dma_wait3A_482 = tpu.memref_slice %arg8[%dma_wait3A_468, %dma_wait3A_480, %dma_wait3A_481] : memref<10x64x128xf32, #tpu.memory_space<vmem>> -> memref<1x64x128xf32, #tpu.memory_space<vmem>>
    %dma_wait3A_483 = tpu.memref_squeeze %dma_wait3A_482 : memref<1x64x128xf32, #tpu.memory_space<vmem>> -> memref<64x128xf32, #tpu.memory_space<vmem>>
    tpu.wait_dma2 semaphore(%dma_wait3A_477 : memref<!tpu.dma_semaphore, #tpu.memory_space<semaphore_mem>>) src(%dma_wait3A_483 : memref<64x128xf32, #tpu.memory_space<vmem>>) dst(%dma_wait3A_479 : memref<64x128xf32, #tpu.memory_space<hbm>>)
    %add3A_484 = arith.constant 5888 : i32
    %add3A_485 = arith.addi %mul3A_2, %add3A_484 : i32
    %dma_wait3A_486 = arith.constant 2 : i32
    %dma_wait3A_487 = arith.constant 2 : i32
    %dma_wait3A_488 = arith.constant 0 : i32
    %dma_wait3A_489 = arith.constant 0 : i32
    %dma_wait3A_490 = tpu.memref_slice %arg8[%dma_wait3A_486, %dma_wait3A_488, %dma_wait3A_489] : memref<10x64x128xf32, #tpu.memory_space<vmem>> -> memref<1x64x128xf32, #tpu.memory_space<vmem>>
    %dma_wait3A_491 = tpu.memref_squeeze %dma_wait3A_490 : memref<1x64x128xf32, #tpu.memory_space<vmem>> -> memref<64x128xf32, #tpu.memory_space<vmem>>
    %dma_wait3A_492 = arith.constant 0 : i32
    %dma_wait3A_493 = tpu.memref_slice %arg5[%add3A_485, %dma_wait3A_492] : memref<204800x128xf32, #tpu.memory_space<hbm>> -> memref<64x128xf32, #tpu.memory_space<hbm>>
    %dma_wait3A_494 = tpu.memref_slice %arg10[%dma_wait3A_487] : memref<10x!tpu.dma_semaphore, #tpu.memory_space<semaphore_mem>> -> memref<1x!tpu.dma_semaphore, #tpu.memory_space<semaphore_mem>>
    %dma_wait3A_495 = tpu.memref_squeeze %dma_wait3A_494 : memref<1x!tpu.dma_semaphore, #tpu.memory_space<semaphore_mem>> -> memref<!tpu.dma_semaphore, #tpu.memory_space<semaphore_mem>>
    %dma_wait3A_496 = arith.constant 0 : i32
    %dma_wait3A_497 = tpu.memref_slice %arg5[%add3A_485, %dma_wait3A_496] : memref<204800x128xf32, #tpu.memory_space<hbm>> -> memref<64x128xf32, #tpu.memory_space<hbm>>
    %dma_wait3A_498 = arith.constant 0 : i32
    %dma_wait3A_499 = arith.constant 0 : i32
    %dma_wait3A_500 = tpu.memref_slice %arg8[%dma_wait3A_486, %dma_wait3A_498, %dma_wait3A_499] : memref<10x64x128xf32, #tpu.memory_space<vmem>> -> memref<1x64x128xf32, #tpu.memory_space<vmem>>
    %dma_wait3A_501 = tpu.memref_squeeze %dma_wait3A_500 : memref<1x64x128xf32, #tpu.memory_space<vmem>> -> memref<64x128xf32, #tpu.memory_space<vmem>>
    tpu.wait_dma2 semaphore(%dma_wait3A_495 : memref<!tpu.dma_semaphore, #tpu.memory_space<semaphore_mem>>) src(%dma_wait3A_501 : memref<64x128xf32, #tpu.memory_space<vmem>>) dst(%dma_wait3A_497 : memref<64x128xf32, #tpu.memory_space<hbm>>)
    %add3A_502 = arith.constant 5952 : i32
    %add3A_503 = arith.addi %mul3A_2, %add3A_502 : i32
    %dma_wait3A_504 = arith.constant 3 : i32
    %dma_wait3A_505 = arith.constant 3 : i32
    %dma_wait3A_506 = arith.constant 0 : i32
    %dma_wait3A_507 = arith.constant 0 : i32
    %dma_wait3A_508 = tpu.memref_slice %arg8[%dma_wait3A_504, %dma_wait3A_506, %dma_wait3A_507] : memref<10x64x128xf32, #tpu.memory_space<vmem>> -> memref<1x64x128xf32, #tpu.memory_space<vmem>>
    %dma_wait3A_509 = tpu.memref_squeeze %dma_wait3A_508 : memref<1x64x128xf32, #tpu.memory_space<vmem>> -> memref<64x128xf32, #tpu.memory_space<vmem>>
    %dma_wait3A_510 = arith.constant 0 : i32
    %dma_wait3A_511 = tpu.memref_slice %arg5[%add3A_503, %dma_wait3A_510] : memref<204800x128xf32, #tpu.memory_space<hbm>> -> memref<64x128xf32, #tpu.memory_space<hbm>>
    %dma_wait3A_512 = tpu.memref_slice %arg10[%dma_wait3A_505] : memref<10x!tpu.dma_semaphore, #tpu.memory_space<semaphore_mem>> -> memref<1x!tpu.dma_semaphore, #tpu.memory_space<semaphore_mem>>
    %dma_wait3A_513 = tpu.memref_squeeze %dma_wait3A_512 : memref<1x!tpu.dma_semaphore, #tpu.memory_space<semaphore_mem>> -> memref<!tpu.dma_semaphore, #tpu.memory_space<semaphore_mem>>
    %dma_wait3A_514 = arith.constant 0 : i32
    %dma_wait3A_515 = tpu.memref_slice %arg5[%add3A_503, %dma_wait3A_514] : memref<204800x128xf32, #tpu.memory_space<hbm>> -> memref<64x128xf32, #tpu.memory_space<hbm>>
    %dma_wait3A_516 = arith.constant 0 : i32
    %dma_wait3A_517 = arith.constant 0 : i32
    %dma_wait3A_518 = tpu.memref_slice %arg8[%dma_wait3A_504, %dma_wait3A_516, %dma_wait3A_517] : memref<10x64x128xf32, #tpu.memory_space<vmem>> -> memref<1x64x128xf32, #tpu.memory_space<vmem>>
    %dma_wait3A_519 = tpu.memref_squeeze %dma_wait3A_518 : memref<1x64x128xf32, #tpu.memory_space<vmem>> -> memref<64x128xf32, #tpu.memory_space<vmem>>
    tpu.wait_dma2 semaphore(%dma_wait3A_513 : memref<!tpu.dma_semaphore, #tpu.memory_space<semaphore_mem>>) src(%dma_wait3A_519 : memref<64x128xf32, #tpu.memory_space<vmem>>) dst(%dma_wait3A_515 : memref<64x128xf32, #tpu.memory_space<hbm>>)
    %add3A_520 = arith.constant 6016 : i32
    %add3A_521 = arith.addi %mul3A_2, %add3A_520 : i32
    %dma_wait3A_522 = arith.constant 4 : i32
    %dma_wait3A_523 = arith.constant 4 : i32
    %dma_wait3A_524 = arith.constant 0 : i32
    %dma_wait3A_525 = arith.constant 0 : i32
    %dma_wait3A_526 = tpu.memref_slice %arg8[%dma_wait3A_522, %dma_wait3A_524, %dma_wait3A_525] : memref<10x64x128xf32, #tpu.memory_space<vmem>> -> memref<1x64x128xf32, #tpu.memory_space<vmem>>
    %dma_wait3A_527 = tpu.memref_squeeze %dma_wait3A_526 : memref<1x64x128xf32, #tpu.memory_space<vmem>> -> memref<64x128xf32, #tpu.memory_space<vmem>>
    %dma_wait3A_528 = arith.constant 0 : i32
    %dma_wait3A_529 = tpu.memref_slice %arg5[%add3A_521, %dma_wait3A_528] : memref<204800x128xf32, #tpu.memory_space<hbm>> -> memref<64x128xf32, #tpu.memory_space<hbm>>
    %dma_wait3A_530 = tpu.memref_slice %arg10[%dma_wait3A_523] : memref<10x!tpu.dma_semaphore, #tpu.memory_space<semaphore_mem>> -> memref<1x!tpu.dma_semaphore, #tpu.memory_space<semaphore_mem>>
    %dma_wait3A_531 = tpu.memref_squeeze %dma_wait3A_530 : memref<1x!tpu.dma_semaphore, #tpu.memory_space<semaphore_mem>> -> memref<!tpu.dma_semaphore, #tpu.memory_space<semaphore_mem>>
    %dma_wait3A_532 = arith.constant 0 : i32
    %dma_wait3A_533 = tpu.memref_slice %arg5[%add3A_521, %dma_wait3A_532] : memref<204800x128xf32, #tpu.memory_space<hbm>> -> memref<64x128xf32, #tpu.memory_space<hbm>>
    %dma_wait3A_534 = arith.constant 0 : i32
    %dma_wait3A_535 = arith.constant 0 : i32
    %dma_wait3A_536 = tpu.memref_slice %arg8[%dma_wait3A_522, %dma_wait3A_534, %dma_wait3A_535] : memref<10x64x128xf32, #tpu.memory_space<vmem>> -> memref<1x64x128xf32, #tpu.memory_space<vmem>>
    %dma_wait3A_537 = tpu.memref_squeeze %dma_wait3A_536 : memref<1x64x128xf32, #tpu.memory_space<vmem>> -> memref<64x128xf32, #tpu.memory_space<vmem>>
    tpu.wait_dma2 semaphore(%dma_wait3A_531 : memref<!tpu.dma_semaphore, #tpu.memory_space<semaphore_mem>>) src(%dma_wait3A_537 : memref<64x128xf32, #tpu.memory_space<vmem>>) dst(%dma_wait3A_533 : memref<64x128xf32, #tpu.memory_space<hbm>>)
    %add3A_538 = arith.constant 6080 : i32
    %add3A_539 = arith.addi %mul3A_2, %add3A_538 : i32
    %dma_wait3A_540 = arith.constant 5 : i32
    %dma_wait3A_541 = arith.constant 5 : i32
    %dma_wait3A_542 = arith.constant 0 : i32
    %dma_wait3A_543 = arith.constant 0 : i32
    %dma_wait3A_544 = tpu.memref_slice %arg8[%dma_wait3A_540, %dma_wait3A_542, %dma_wait3A_543] : memref<10x64x128xf32, #tpu.memory_space<vmem>> -> memref<1x64x128xf32, #tpu.memory_space<vmem>>
    %dma_wait3A_545 = tpu.memref_squeeze %dma_wait3A_544 : memref<1x64x128xf32, #tpu.memory_space<vmem>> -> memref<64x128xf32, #tpu.memory_space<vmem>>
    %dma_wait3A_546 = arith.constant 0 : i32
    %dma_wait3A_547 = tpu.memref_slice %arg5[%add3A_539, %dma_wait3A_546] : memref<204800x128xf32, #tpu.memory_space<hbm>> -> memref<64x128xf32, #tpu.memory_space<hbm>>
    %dma_wait3A_548 = tpu.memref_slice %arg10[%dma_wait3A_541] : memref<10x!tpu.dma_semaphore, #tpu.memory_space<semaphore_mem>> -> memref<1x!tpu.dma_semaphore, #tpu.memory_space<semaphore_mem>>
    %dma_wait3A_549 = tpu.memref_squeeze %dma_wait3A_548 : memref<1x!tpu.dma_semaphore, #tpu.memory_space<semaphore_mem>> -> memref<!tpu.dma_semaphore, #tpu.memory_space<semaphore_mem>>
    %dma_wait3A_550 = arith.constant 0 : i32
    %dma_wait3A_551 = tpu.memref_slice %arg5[%add3A_539, %dma_wait3A_550] : memref<204800x128xf32, #tpu.memory_space<hbm>> -> memref<64x128xf32, #tpu.memory_space<hbm>>
    %dma_wait3A_552 = arith.constant 0 : i32
    %dma_wait3A_553 = arith.constant 0 : i32
    %dma_wait3A_554 = tpu.memref_slice %arg8[%dma_wait3A_540, %dma_wait3A_552, %dma_wait3A_553] : memref<10x64x128xf32, #tpu.memory_space<vmem>> -> memref<1x64x128xf32, #tpu.memory_space<vmem>>
    %dma_wait3A_555 = tpu.memref_squeeze %dma_wait3A_554 : memref<1x64x128xf32, #tpu.memory_space<vmem>> -> memref<64x128xf32, #tpu.memory_space<vmem>>
    tpu.wait_dma2 semaphore(%dma_wait3A_549 : memref<!tpu.dma_semaphore, #tpu.memory_space<semaphore_mem>>) src(%dma_wait3A_555 : memref<64x128xf32, #tpu.memory_space<vmem>>) dst(%dma_wait3A_551 : memref<64x128xf32, #tpu.memory_space<hbm>>)
    %add3A_556 = arith.constant 6144 : i32
    %add3A_557 = arith.addi %mul3A_2, %add3A_556 : i32
    %dma_wait3A_558 = arith.constant 6 : i32
    %dma_wait3A_559 = arith.constant 6 : i32
    %dma_wait3A_560 = arith.constant 0 : i32
    %dma_wait3A_561 = arith.constant 0 : i32
    %dma_wait3A_562 = tpu.memref_slice %arg8[%dma_wait3A_558, %dma_wait3A_560, %dma_wait3A_561] : memref<10x64x128xf32, #tpu.memory_space<vmem>> -> memref<1x64x128xf32, #tpu.memory_space<vmem>>
    %dma_wait3A_563 = tpu.memref_squeeze %dma_wait3A_562 : memref<1x64x128xf32, #tpu.memory_space<vmem>> -> memref<64x128xf32, #tpu.memory_space<vmem>>
    %dma_wait3A_564 = arith.constant 0 : i32
    %dma_wait3A_565 = tpu.memref_slice %arg5[%add3A_557, %dma_wait3A_564] : memref<204800x128xf32, #tpu.memory_space<hbm>> -> memref<64x128xf32, #tpu.memory_space<hbm>>
    %dma_wait3A_566 = tpu.memref_slice %arg10[%dma_wait3A_559] : memref<10x!tpu.dma_semaphore, #tpu.memory_space<semaphore_mem>> -> memref<1x!tpu.dma_semaphore, #tpu.memory_space<semaphore_mem>>
    %dma_wait3A_567 = tpu.memref_squeeze %dma_wait3A_566 : memref<1x!tpu.dma_semaphore, #tpu.memory_space<semaphore_mem>> -> memref<!tpu.dma_semaphore, #tpu.memory_space<semaphore_mem>>
    %dma_wait3A_568 = arith.constant 0 : i32
    %dma_wait3A_569 = tpu.memref_slice %arg5[%add3A_557, %dma_wait3A_568] : memref<204800x128xf32, #tpu.memory_space<hbm>> -> memref<64x128xf32, #tpu.memory_space<hbm>>
    %dma_wait3A_570 = arith.constant 0 : i32
    %dma_wait3A_571 = arith.constant 0 : i32
    %dma_wait3A_572 = tpu.memref_slice %arg8[%dma_wait3A_558, %dma_wait3A_570, %dma_wait3A_571] : memref<10x64x128xf32, #tpu.memory_space<vmem>> -> memref<1x64x128xf32, #tpu.memory_space<vmem>>
    %dma_wait3A_573 = tpu.memref_squeeze %dma_wait3A_572 : memref<1x64x128xf32, #tpu.memory_space<vmem>> -> memref<64x128xf32, #tpu.memory_space<vmem>>
    tpu.wait_dma2 semaphore(%dma_wait3A_567 : memref<!tpu.dma_semaphore, #tpu.memory_space<semaphore_mem>>) src(%dma_wait3A_573 : memref<64x128xf32, #tpu.memory_space<vmem>>) dst(%dma_wait3A_569 : memref<64x128xf32, #tpu.memory_space<hbm>>)
    %add3A_574 = arith.constant 6208 : i32
    %add3A_575 = arith.addi %mul3A_2, %add3A_574 : i32
    %dma_wait3A_576 = arith.constant 7 : i32
    %dma_wait3A_577 = arith.constant 7 : i32
    %dma_wait3A_578 = arith.constant 0 : i32
    %dma_wait3A_579 = arith.constant 0 : i32
    %dma_wait3A_580 = tpu.memref_slice %arg8[%dma_wait3A_576, %dma_wait3A_578, %dma_wait3A_579] : memref<10x64x128xf32, #tpu.memory_space<vmem>> -> memref<1x64x128xf32, #tpu.memory_space<vmem>>
    %dma_wait3A_581 = tpu.memref_squeeze %dma_wait3A_580 : memref<1x64x128xf32, #tpu.memory_space<vmem>> -> memref<64x128xf32, #tpu.memory_space<vmem>>
    %dma_wait3A_582 = arith.constant 0 : i32
    %dma_wait3A_583 = tpu.memref_slice %arg5[%add3A_575, %dma_wait3A_582] : memref<204800x128xf32, #tpu.memory_space<hbm>> -> memref<64x128xf32, #tpu.memory_space<hbm>>
    %dma_wait3A_584 = tpu.memref_slice %arg10[%dma_wait3A_577] : memref<10x!tpu.dma_semaphore, #tpu.memory_space<semaphore_mem>> -> memref<1x!tpu.dma_semaphore, #tpu.memory_space<semaphore_mem>>
    %dma_wait3A_585 = tpu.memref_squeeze %dma_wait3A_584 : memref<1x!tpu.dma_semaphore, #tpu.memory_space<semaphore_mem>> -> memref<!tpu.dma_semaphore, #tpu.memory_space<semaphore_mem>>
    %dma_wait3A_586 = arith.constant 0 : i32
    %dma_wait3A_587 = tpu.memref_slice %arg5[%add3A_575, %dma_wait3A_586] : memref<204800x128xf32, #tpu.memory_space<hbm>> -> memref<64x128xf32, #tpu.memory_space<hbm>>
    %dma_wait3A_588 = arith.constant 0 : i32
    %dma_wait3A_589 = arith.constant 0 : i32
    %dma_wait3A_590 = tpu.memref_slice %arg8[%dma_wait3A_576, %dma_wait3A_588, %dma_wait3A_589] : memref<10x64x128xf32, #tpu.memory_space<vmem>> -> memref<1x64x128xf32, #tpu.memory_space<vmem>>
    %dma_wait3A_591 = tpu.memref_squeeze %dma_wait3A_590 : memref<1x64x128xf32, #tpu.memory_space<vmem>> -> memref<64x128xf32, #tpu.memory_space<vmem>>
    tpu.wait_dma2 semaphore(%dma_wait3A_585 : memref<!tpu.dma_semaphore, #tpu.memory_space<semaphore_mem>>) src(%dma_wait3A_591 : memref<64x128xf32, #tpu.memory_space<vmem>>) dst(%dma_wait3A_587 : memref<64x128xf32, #tpu.memory_space<hbm>>)
    %add3A_592 = arith.constant 6272 : i32
    %add3A_593 = arith.addi %mul3A_2, %add3A_592 : i32
    %dma_wait3A_594 = arith.constant 8 : i32
    %dma_wait3A_595 = arith.constant 8 : i32
    %dma_wait3A_596 = arith.constant 0 : i32
    %dma_wait3A_597 = arith.constant 0 : i32
    %dma_wait3A_598 = tpu.memref_slice %arg8[%dma_wait3A_594, %dma_wait3A_596, %dma_wait3A_597] : memref<10x64x128xf32, #tpu.memory_space<vmem>> -> memref<1x64x128xf32, #tpu.memory_space<vmem>>
    %dma_wait3A_599 = tpu.memref_squeeze %dma_wait3A_598 : memref<1x64x128xf32, #tpu.memory_space<vmem>> -> memref<64x128xf32, #tpu.memory_space<vmem>>
    %dma_wait3A_600 = arith.constant 0 : i32
    %dma_wait3A_601 = tpu.memref_slice %arg5[%add3A_593, %dma_wait3A_600] : memref<204800x128xf32, #tpu.memory_space<hbm>> -> memref<64x128xf32, #tpu.memory_space<hbm>>
    %dma_wait3A_602 = tpu.memref_slice %arg10[%dma_wait3A_595] : memref<10x!tpu.dma_semaphore, #tpu.memory_space<semaphore_mem>> -> memref<1x!tpu.dma_semaphore, #tpu.memory_space<semaphore_mem>>
    %dma_wait3A_603 = tpu.memref_squeeze %dma_wait3A_602 : memref<1x!tpu.dma_semaphore, #tpu.memory_space<semaphore_mem>> -> memref<!tpu.dma_semaphore, #tpu.memory_space<semaphore_mem>>
    %dma_wait3A_604 = arith.constant 0 : i32
    %dma_wait3A_605 = tpu.memref_slice %arg5[%add3A_593, %dma_wait3A_604] : memref<204800x128xf32, #tpu.memory_space<hbm>> -> memref<64x128xf32, #tpu.memory_space<hbm>>
    %dma_wait3A_606 = arith.constant 0 : i32
    %dma_wait3A_607 = arith.constant 0 : i32
    %dma_wait3A_608 = tpu.memref_slice %arg8[%dma_wait3A_594, %dma_wait3A_606, %dma_wait3A_607] : memref<10x64x128xf32, #tpu.memory_space<vmem>> -> memref<1x64x128xf32, #tpu.memory_space<vmem>>
    %dma_wait3A_609 = tpu.memref_squeeze %dma_wait3A_608 : memref<1x64x128xf32, #tpu.memory_space<vmem>> -> memref<64x128xf32, #tpu.memory_space<vmem>>
    tpu.wait_dma2 semaphore(%dma_wait3A_603 : memref<!tpu.dma_semaphore, #tpu.memory_space<semaphore_mem>>) src(%dma_wait3A_609 : memref<64x128xf32, #tpu.memory_space<vmem>>) dst(%dma_wait3A_605 : memref<64x128xf32, #tpu.memory_space<hbm>>)
    %add3A_610 = arith.constant 6336 : i32
    %add3A_611 = arith.addi %mul3A_2, %add3A_610 : i32
    %dma_wait3A_612 = arith.constant 9 : i32
    %dma_wait3A_613 = arith.constant 9 : i32
    %dma_wait3A_614 = arith.constant 0 : i32
    %dma_wait3A_615 = arith.constant 0 : i32
    %dma_wait3A_616 = tpu.memref_slice %arg8[%dma_wait3A_612, %dma_wait3A_614, %dma_wait3A_615] : memref<10x64x128xf32, #tpu.memory_space<vmem>> -> memref<1x64x128xf32, #tpu.memory_space<vmem>>
    %dma_wait3A_617 = tpu.memref_squeeze %dma_wait3A_616 : memref<1x64x128xf32, #tpu.memory_space<vmem>> -> memref<64x128xf32, #tpu.memory_space<vmem>>
    %dma_wait3A_618 = arith.constant 0 : i32
    %dma_wait3A_619 = tpu.memref_slice %arg5[%add3A_611, %dma_wait3A_618] : memref<204800x128xf32, #tpu.memory_space<hbm>> -> memref<64x128xf32, #tpu.memory_space<hbm>>
    %dma_wait3A_620 = tpu.memref_slice %arg10[%dma_wait3A_613] : memref<10x!tpu.dma_semaphore, #tpu.memory_space<semaphore_mem>> -> memref<1x!tpu.dma_semaphore, #tpu.memory_space<semaphore_mem>>
    %dma_wait3A_621 = tpu.memref_squeeze %dma_wait3A_620 : memref<1x!tpu.dma_semaphore, #tpu.memory_space<semaphore_mem>> -> memref<!tpu.dma_semaphore, #tpu.memory_space<semaphore_mem>>
    %dma_wait3A_622 = arith.constant 0 : i32
    %dma_wait3A_623 = tpu.memref_slice %arg5[%add3A_611, %dma_wait3A_622] : memref<204800x128xf32, #tpu.memory_space<hbm>> -> memref<64x128xf32, #tpu.memory_space<hbm>>
    %dma_wait3A_624 = arith.constant 0 : i32
    %dma_wait3A_625 = arith.constant 0 : i32
    %dma_wait3A_626 = tpu.memref_slice %arg8[%dma_wait3A_612, %dma_wait3A_624, %dma_wait3A_625] : memref<10x64x128xf32, #tpu.memory_space<vmem>> -> memref<1x64x128xf32, #tpu.memory_space<vmem>>
    %dma_wait3A_627 = tpu.memref_squeeze %dma_wait3A_626 : memref<1x64x128xf32, #tpu.memory_space<vmem>> -> memref<64x128xf32, #tpu.memory_space<vmem>>
    tpu.wait_dma2 semaphore(%dma_wait3A_621 : memref<!tpu.dma_semaphore, #tpu.memory_space<semaphore_mem>>) src(%dma_wait3A_627 : memref<64x128xf32, #tpu.memory_space<vmem>>) dst(%dma_wait3A_623 : memref<64x128xf32, #tpu.memory_space<hbm>>)
    return
  }
}

</mosaic_0001>

<sc_bundles>
// kernel: kernel.3.cloned.1.call-start
scs
__scs_entry_jumppad:
0x0: {  	(pc) =	sbr.rel $0x88, $3  }
0x1: {  	(tag) =	ssettag $0x0;
	lr =	simm.s32 $0x1  }
0x2: {  	[smem:$0x3F9E] =	sst lr;
	_ =	strace $0xD0000000  }
0x3: {  	_ = 	snop  }
0x4: {  	_ = 	snop  }
0x5: {  	_ = 	snop  }
0x6: {  	_ = 	snop  }
0x7: {  	_ = 	snop  }
__scs_overlays_trampoline_lowered:
0x8: {  	[smem:$0x3FAD] =	sst s0  }
0x9: {  	[smem:$0x3FAE] =	sst s1  }
0xa: {  	[smem:$0x3FAF] =	sst s2  }
0xb: {  	[smem:$0x3FB0] =	sst s3  }
0xc: {  	[smem:$0x3FB1] =	sst s4  }
0xd: {  	[smem:$0x3FB2] =	sst s5  }
0xe: {  	[smem:$0x3FB3] =	sst s6  }
0xf: {  	[smem:$0x3FB4] =	sst s7  }
0x10: {  	[smem:$0x3FB5] =	sst s8  }
0x11: {  	[smem:$0x3FB6] =	sst s9;
	s0 =	simm.s32 @!p0 $0x0  }
0x12: {  	s1 =	sld [smem:$0x3F9C];
	s0 =	simm.s32 @p0 $0x1  }
0x13: {  	[smem:$0x3FB7] =	sst s0;
	s0 =	simm.s32 @!p1 $0x0  }
0x14: {  	s2 =	sld [smem:$0x3F9B];
	s0 =	simm.s32 @p1 $0x1  }
0x15: {  	[smem:$0x3FB8] =	sst s0;
	s0 =	simm.s32 @!p2 $0x0  }
0x16: {  	s3 =	sld [smem:$0x3FDB];
	s0 =	simm.s32 @p2 $0x1  }
0x17: {  	s4 =	simm.s32 $0x1BF5;
	[smem:$0x3FBA] =	sst s0  }
0x18: {  	s0 =	sld [smem:$0x3F9D];
	_ =	swait.ge [sflag:s4], $0x0  }
0x19: {  	s7 =	sld [smem:$0x3F9E]  }
0x1a: {  	s8 =	sadd.s32 $0xFFFFE003, lr  }
0x1b: {  	s9 =	sadd.s32 $0xFFFFFEF7, lr;
	s5 =	simm.s32 $0xFFFFFFFF;
	p2 =	slt.u32 s8, $0xFFFFF086  }
0x1c: {  	p1 =	slt.u32 s9, $0xF7A;
	s5 =	simm.s32 @!p2 $0x0  }
0x1d: {  	s5 =	simm.s32 @p1 $0x1;
	p0 =	seq.s32 s7, s2  }
0x1e: {  	s7 =	smul.u32 @!p0 $0xF7A, s2;
	p2 =	seq.s32 @!p0 s5, $0x0  }
0x1f: {  	s9 =	smul.u32 $0xF7A, s1;
	s8 =	simm.s32 @!p0 $0x1BF5;
	p2 =	por !p2, p0  }
0x20: {  	[sflag:s8] =	ssyncset.s32 @!p0 $0xFFFFF086;
	s6 =	sadd.s32 @!p0 s3, s7;
	s7 =	simm.s32 @!p0 $0x108  }
0x21: {  	s3 =	sadd.s32 s3, s9;
	s6 =	sadd.s32 @!p0 $0x88, s6;
	s7 =	simm.s32 @p2 $0x1082  }
0x22: {  	[simem:s7], [sflag:s8] =	dma.local @!p0 [hbm:s6], $0xF7A  }
0x23: {  	s9 =	sor.u32 $0xD0000000, s2;
	s6 =	simm.s32 $0x108;
	_ =	swait.ge @!p0 [sflag:s8], $0x0  }
0x24: {  	s3 =	sadd.s32 $0x88, s3;
	s6 =	simm.s32 @!p1 $0x1082;
	[sflag:s4] =	ssyncset.s32 $0xFFFFF086  }
0x25: {  	[simem:s6], [sflag:s4] =	dma.local [hbm:s3], $0xF7A  }
0x26: {  	[smem:$0x3F9E] =	sst s1;
	(tag) =	ssettag s2;
	_ =	strace s9  }
0x27: {  	s1 =	sld [smem:$0x3FAE]  }
0x28: {  	s2 =	sld [smem:$0x3FAF]  }
0x29: {  	s4 =	sld [smem:$0x3FB1]  }
0x2a: {  	p0 =	seq.s32 s5, $0x0;
	s5 =	sld [smem:$0x3FB2]  }
0x2b: {  	s6 =	sld [smem:$0x3FB3]  }
0x2c: {  	s7 =	sld [smem:$0x3FB4]  }
0x2d: {  	s3 =	simm.s32 $0x108;
	s8 =	sld [smem:$0x3FB5]  }
0x2e: {  	s3 =	simm.s32 @!p0 $0x1082;
	s9 =	sld [smem:$0x3FB6]  }
0x2f: {  	lr =	sadd.s32 s0, s3;
	s0 =	sld [smem:$0x3FAD]  }
0x30: {  	s3 =	sld [smem:$0x3FB0]  }
0x31: {  	[smem:$0x3FB9] =	sst s10  }
0x32: {  	s10 =	sld [smem:$0x3FB7];
	_ =	sdelay $0x3  }
0x33: {  	p0 =	seq.s32 s10, $0x1;
	s10 =	sld [smem:$0x3FB9];
	_ =	sdelay $0x3  }
0x34: {  	[smem:$0x3FB9] =	sst s10  }
0x35: {  	s10 =	sld [smem:$0x3FB8];
	_ =	sdelay $0x3  }
0x36: {  	p1 =	seq.s32 s10, $0x1;
	s10 =	sld [smem:$0x3FB9];
	_ =	sdelay $0x3  }
0x37: {  	[smem:$0x3FB9] =	sst s10  }
0x38: {  	s10 =	sld [smem:$0x3FBA]  }
0x39: {  	_ = 	snop;
	(pc) =	sbr.ind lr, $3  }
0x3a: {  	_ = 	snop  }
0x3b: {  	_ = 	snop  }
0x3c: {  	p2 =	seq.s32 s10, $0x1;
	s10 =	sld [smem:$0x3FB9]  }
0x3d: {  	_ =	shalt  }
0x3e: {  	_ =	shalt  }
0x3f: {  	_ =	shalt  }
0x40: {  	_ =	shalt  }
0x41: {  	_ =	shalt  }
0x42: {  	_ =	shalt  }
0x43: {  	_ =	shalt  }
0x44: {  	_ =	shalt  }
0x45: {  	_ =	shalt  }
0x46: {  	_ =	shalt  }
0x47: {  	_ =	shalt  }
0x48: {  	_ =	shalt  }
0x49: {  	_ =	shalt  }
0x4a: {  	_ =	shalt  }
0x4b: {  	_ =	shalt  }
0x4c: {  	_ =	shalt  }
0x4d: {  	_ =	shalt  }
0x4e: {  	_ =	shalt  }
0x4f: {  	_ =	shalt  }
0x50: {  	_ =	shalt  }
0x51: {  	_ =	shalt  }
0x52: {  	_ =	shalt  }
0x53: {  	_ =	shalt  }
0x54: {  	_ =	shalt  }
0x55: {  	_ =	shalt  }
0x56: {  	_ =	shalt  }
0x57: {  	_ =	shalt  }
0x58: {  	_ =	shalt  }
0x59: {  	_ =	shalt  }
0x5a: {  	_ =	shalt  }
0x5b: {  	_ =	shalt  }
0x5c: {  	_ =	shalt  }
0x5d: {  	_ =	shalt  }
0x5e: {  	_ =	shalt  }
0x5f: {  	_ =	shalt  }
0x60: {  	_ =	shalt  }
0x61: {  	_ =	shalt  }
0x62: {  	_ =	shalt  }
0x63: {  	_ =	shalt  }
0x64: {  	_ =	shalt  }
0x65: {  	_ =	shalt  }
0x66: {  	_ =	shalt  }
0x67: {  	_ =	shalt  }
0x68: {  	_ =	shalt  }
0x69: {  	_ =	shalt  }
0x6a: {  	_ =	shalt  }
0x6b: {  	_ =	shalt  }
0x6c: {  	_ =	shalt  }
0x6d: {  	_ =	shalt  }
0x6e: {  	_ =	shalt  }
0x6f: {  	_ =	shalt  }
0x70: {  	_ =	shalt  }
0x71: {  	_ =	shalt  }
0x72: {  	_ =	shalt  }
0x73: {  	_ =	shalt  }
0x74: {  	_ =	shalt  }
0x75: {  	_ =	shalt  }
0x76: {  	_ =	shalt  }
0x77: {  	_ =	shalt  }
0x78: {  	_ =	shalt  }
0x79: {  	_ =	shalt  }
0x7a: {  	_ =	shalt  }
0x7b: {  	_ =	shalt  }
0x7c: {  	_ =	shalt  }
0x7d: {  	_ =	shalt  }
0x7e: {  	_ =	shalt  }
0x7f: {  	_ =	shalt  }
0x80: {  	_ =	shalt  }
0x81: {  	_ =	shalt  }
0x82: {  	_ =	shalt  }
0x83: {  	_ =	shalt  }
0x84: {  	_ =	shalt  }
0x85: {  	_ =	shalt  }
0x86: {  	_ =	shalt  }
0x87: {  	_ =	shalt  }
.Lfunc_end0:
.L_simem_size_0:
called_computation_lowered:
.L_overlay_start_0:
0x88: {  	s2 =	sld [smem:$0x3FD9]  }
0x89: {  	s3 =	sld [smem:$0x3FFE];
	_ =	sdelay $0x1  }
0x8a: {  	s1 =	srdreg.scid  }
0x8b: {  	s0 =	sand.u32 $0x1, s1  }
0x8c: {  	s18 =	sshll.u32 s0, $0xA;
	s2 =	sadd.s32 s3, s2  }
0x8d: {  	s2 =	sadd.s32 s2, s18  }
0x8e: {  	[smem:$0x3FC5] =	sst s2  }
0x8f: {  	_ = 	snop  }
0x90: {  	s2 =	sld [smem:$0x3FC9]  }
0x91: {  	s19 =	sld [smem:$0x3FC8]  }
0x92: {  	s4 =	sld [smem:$0x3FC7]  }
0x93: {  	s5 =	sld [smem:$0x3FD0];
	(tm) =	ssettm $0x1  }
0x94: {  	s6 =	sld [smem:$0x3FFB];
	_ =	sdelay $0x3  }
0x95: {  	_ =	strace s6  }
0x96: {  	s6 =	sld [smem:$0x3FFC];
	_ =	sdelay $0x3  }
0x97: {  	_ =	strace s6  }
0x98: {  	s6 =	sld [smem:$0x3FFD];
	_ =	sdelay $0x3  }
0x99: {  	_ =	strace s6  }
0x9a: {  	_ =	strace $0x8FFFFFFF  }
0x9b: {  	s20 =	sld [smem:$0x3FDB];
	_ =	sdelay $0x1  }
0x9c: {  	s7 =	simm.s32 $_scs_section_size  }
0x9d: {  	s8 =	simm.s32 $_size__tile_overlayer_lowered;
	s9 =	simm.s32 $_tile_overlayer_lowered  }
0x9e: {  	s23 =	simm.s32 $0x1BFF;
	s22 =	sshll.u32 s9, $0x1;
	s6 =	sadd.s32 s7, s20  }
0x9f: {  	s10 =	simm.s32 $0x0;
	s21 =	sshll.u32 s8, $0x1;
	s8 =	sadd.s32 s22, s6  }
0xa0: {  	[timem:s10], [sflag:s23] =	dma.local [hbm:s8], s21  }
0xa1: {  	_ =	swait.ge [sflag:s23], s21  }
0xa2: {  	s7 =	ssub.s32 $0x0, s21;
	[sflag:s23] =	ssyncset.done $0x0  }
0xa3: {  	[sflag:s23] =	ssyncadd.s32 s7;
	_ =	sdelay $0x1  }
0xa4: {  	s24 =	simm.s32 $0x1B8B  }
0xa5: {  	_ =	swait.ge [sflag:s24], $0x1  }
0xa6: {  	[sflag:s24] =	ssyncset.done $0x0  }
0xa7: {  	s25 =	simm.s32 $0x1B8E;
	[sflag:s24] =	ssyncadd.s32 $0xFFFFFFFF  }
0xa8: {  	s26 =	simm.s32 $execute0_lowered;
	[smem:$0x3FD2] =	sst s25  }
0xa9: {  	s7 =	sshll.u32 s26, $0x1;
	_ =	strace $0x80000046;
	[dreg:$0x1] =	wrdreg $0xFFFFFFFF  }
0xaa: {  	s28 =	simm.s32 $_size_execute0_lowered;
	s6 =	sadd.s32 s6, s7;
	[dreg:$0x0] =	wrdreg $0x0  }
0xab: {  	s7 =	sshll.u32 s28, $0x1;
	[dreg:$0x2] =	wrdreg s6  }
0xac: {  	[dreg:$0x3] =	wrdreg s7  }
0xad: {  	[dreg:$0x4] =	wrdreg $0xC0  }
0xae: {  	_ =	task [dreg:s10], $0x5FFFF  }
0xaf: {  	[dreg:$0x1] =	wrdreg $0xFFFFFFFF  }
0xb0: {  	[dreg:$0x0] =	wrdreg $0x60  }
0xb1: {  	[dreg:$0x2] =	wrdreg s2  }
0xb2: {  	[dreg:$0x3] =	wrdreg s19  }
0xb3: {  	[dreg:$0x4] =	wrdreg s4  }
0xb4: {  	[dreg:$0x5] =	wrdreg s5  }
0xb5: {  	[dreg:$0x6] =	wrdreg $0x0  }
0xb6: {  	[dreg:$0x7] =	wrdreg $0x9  }
0xb7: {  	_ =	task.clear_ibuf [dreg:s10], $0x8FFFF;
	_ =	strace $0x90000046  }
0xb8: {  	s29 =	simm.s32 $0x9;
	_ =	strace $0x80000048  }
0xb9: {  	_ =	swait.ge [sflag:s29], $0x1  }
0xba: {  	[sflag:s29] =	ssyncadd.s32 $0xFFFFFFFF  }
0xbb: {  	_ =	strace $0x90000048  }
0xbc: {  	_ =	sfence  }
0xbd: {  	s30 =	sld [smem:$0x0];
	_ =	sdelay $0x2  }
0xbe: {  	s31 =	sshll.u32 s1, $0xD;
	s1 =	sshrl.u32 s1, $0x2  }
0xbf: {  	s3 =	sand.u32 $0x4000, s31;
	s1 =	sadd.s32 s1, s30  }
0xc0: {  	s0 =	sor.u32 s3, s0;
	s1 =	sshll.u32 s1, $0x11  }
0xc1: {  	s0 =	sor.u32 s1, s0  }
0xc2: {  	s0 =	sadd.s32 $0x8F2B, s0  }
0xc3: {  	[sflag:s0] =	ssyncadd.remote.s32 $0x1  }
0xc4: {  	_ =	sfence.sel $0xFFFF  }
0xc5: {  	[dreg:$0x0] =	wrdreg $0xFFFFFFFF;
	(pc) =	sbr.abs _section_cstart, $3  }
0xc6: {  	[dreg:$0x1] =	wrdreg $0xFFFFFFFF  }
0xc7: {  	_ =	task.clear_ibuf [dreg:s10], $0x2FFFF;
	_ =	strace $0x9FFFFFFF  }
0xc8: {  	(tm) =	ssettm $0x7FFFFFFF  }
0xc9: {  	_ =	shalt  }
tec
execute0_lowered:
.L_overlay_start_1:
0x0: {  	(tag) =	ssettag $0x1  }
0x1: {  	s0 =	rddreg [dreg:$0x0]  }
0x2: {  	s1 =	rddreg [dreg:$0x3];
	s2 =	srdreg.scid  }
0x3: {  	s5 =	stileid.u32;
	s3 =	rddreg [dreg:$0x4]  }
0x4: {  	s10 =	simm.s32 $0x7;
	s2 =	sand.u32 $0x1, s2;
	s4 =	sshll.u32 s5, $0x1  }
0x5: {  	s11 =	simm.s32 $0x8;
	s12 =	simm.s32 $0x9;
	s6 =	sor.u32 s2, s4  }
0x6: {  	s4 =	simm.s32 $0x0;
	s7 =	ssub.s32 $0x2, s2;
	s8 =	smul.u32 $0xC8000, s6  }
0x7: {  	[smem:$0x7FF] =	sst s4;
	s9 =	sshrl.u32 s7, $0x1;
	s6 =	smul.u32 $0x1900, s6  }
0x8: {  	s13 =	simm.s32 $0xA;
	_ =	strace $0x80000047;
	s7 =	ssub.s32 s7, s9  }
0x9: {  	s8 =	sshrl.u32 s8, $0x3;
	s6 =	sshrl.u32 s6, $0x3;
	s31 =	smax.u32 s7, $0x1  }
0xa: {  	s8 =	sadd.s32 s1, s8;
	s0 =	sadd.s32 s0, s6;
	[dreg:$0x11] =	wrdreg s31  }
0xb: {  	s14 =	simm.s32 $0xB;
	[dreg:$0x6] =	wrdreg s0;
	s19 =	sadd.s32 $0x16800, s8  }
0xc: {  	s15 =	simm.s32 $0xD;
	s20 =	sadd.s32 $0x16C00, s8;
	[dreg:$0x7] =	wrdreg s19  }
0xd: {  	s16 =	simm.s32 $0xE;
	s21 =	sadd.s32 $0x17000, s8;
	[dreg:$0x8] =	wrdreg s20  }
0xe: {  	s18 =	simm.s32 $0xF;
	s22 =	sadd.s32 $0x17400, s8;
	[dreg:$0x9] =	wrdreg s21  }
0xf: {  	s17 =	simm.s32 $0x12;
	s24 =	sadd.s32 $0x17800, s8;
	[dreg:$0xa] =	wrdreg s22  }
0x10: {  	s23 =	smul.u32 $0x32000, s5;
	s25 =	sadd.s32 $0x17C00, s8;
	[dreg:$0xb] =	wrdreg s24  }
0x11: {  	p0 =	sne.s32 s5, $0x0;
	s26 =	sadd.s32 $0x18000, s8;
	[dreg:$0xc] =	wrdreg s25  }
0x12: {  	s2 =	smul.u32 $0x19000, s2;
	s28 =	sadd.s32 $0x18400, s8;
	[dreg:$0xd] =	wrdreg s26  }
0x13: {  	s9 =	sadd.s32 $0xA00, s3;
	s29 =	sadd.s32 $0x18800, s8;
	[dreg:$0xe] =	wrdreg s28  }
0x14: {  	s0 =	sadd.s32 s23, s1;
	s30 =	sadd.s32 $0x18C00, s8;
	[dreg:$0xf] =	wrdreg s29  }
0x15: {  	s23 =	simm.s32 $0x13;
	[dreg:$0x10] =	wrdreg s30;
	s0 =	sadd.s32 s2, s0  }
0x16: {  	s22 =	simm.s32 $0x40;
	s20 =	simm.s32 $0xC;
	s0 =	sadd.s32 $0x2400, s0  }
0x17: {  	s19 =	simm.s32 $0x10;
	[dreg:$0x12] =	wrdreg s0;
	s0 =	sshrl.u32 @!p0 s3, $0x3  }
0x18: {  	s21 =	simm.s32 $0x11;
	[dreg:$0x13] =	wrdreg s0;
	s0 =	sshrl.u32 @!p0 s9, $0x3  }
0x19: {  	s25 =	simm.s32 $0x14;
	[dreg:$0x14] =	wrdreg s0;
	s0 =	simm.s32 $0x0  }
.LBB2_1:
0x1a: {  	[dreg:$0x15] =	wrdreg s0  }
0x1b: {  	s1 =	rddreg [dreg:$0x1]  }
0x1c: {  	s2 =	simm.s32 @!p0 $0x1C15;
	s28 =	rddreg [dreg:$0x13]  }
0x1d: {  	[spmem:s28], [sflag:s2] =	dma.local @!p0 [hbm:s1], $0x140  }
0x1e: {  	s28 =	simm.s32 @!p0 $0x15  }
0x1f: {  	_ =	swait.ge @!p0 [sflag:s28], $0x140  }
0x20: {  	[sflag:s28] =	ssyncset.done @!p0 $0x0  }
0x21: {  	s30 =	rddreg [dreg:$0x14];
	[sflag:s28] =	ssyncadd.s32 @!p0 $0xFFFFFEC0  }
0x22: {  	s1 =	rddreg [dreg:$0x2]  }
0x23: {  	[spmem:s30], [sflag:s2] =	dma.local @!p0 [hbm:s1], $0xB40  }
0x24: {  	_ =	swait.ge @!p0 [sflag:s28], $0xB40  }
0x25: {  	s5 =	simm.s32 $0x640;
	[sflag:s28] =	ssyncset.done @!p0 $0x0  }
0x26: {  	s6 =	simm.s32 $0x15;
	s2 =	rddreg [dreg:$0x6];
	[sflag:s28] =	ssyncadd.s32 @!p0 $0xFFFFF4C0  }
0x27: {  	[tilespmem:s5], [sflag:$0x15] =	stream.linear.gather [hbm4b:s2+s4], $0x1900, $0x38;
	[tilespmem:$0x15F40] =	vst v63  }
0x28: {  	_ =	swait.ge [sflag:s6], $0x1900  }
0x29: {  	[sflag:s6] =	ssyncset.done $0x0  }
0x2a: {  	[sflag:s6] =	ssyncadd.s32 $0xFFFFE700  }
0x2b: {  	s26 =	simm.s32 $0x1F40;
	[bflag:$0x0] =	sbarrier.arrive $0xFFFF  }
0x2c: {  	[tilespmem:s26], [sflag:$0x1] =	stream.indirect.gather [spmem:s3], $0x80, s5, s22, $0xb8;
	[tilespmem:$0x15F40] =	vst v63  }
0x2d: {  	s7 =	simm.s32 $0x680;
	s24 =	simm.s32 $0x3F40  }
0x2e: {  	[tilespmem:s24], [sflag:$0x2] =	stream.indirect.gather [spmem:s3], $0x80, s7, s22, $0xb8;
	[tilespmem:$0x15F40] =	vst v63  }
0x2f: {  	s8 =	simm.s32 $0x6C0;
	s0 =	simm.s32 $0x5F40  }
0x30: {  	[tilespmem:s0], [sflag:$0x3] =	stream.indirect.gather [spmem:s3], $0x80, s8, s22, $0xb8;
	[tilespmem:$0x15F40] =	vst v63  }
0x31: {  	s9 =	simm.s32 $0x700;
	s28 =	simm.s32 $0x7F40  }
0x32: {  	[tilespmem:s28], [sflag:$0x4] =	stream.indirect.gather [spmem:s3], $0x80, s9, s22, $0xb8;
	[tilespmem:$0x15F40] =	vst v63  }
0x33: {  	s29 =	simm.s32 $0x740;
	s5 =	simm.s32 $0x9F40  }
0x34: {  	[tilespmem:s5], [sflag:$0x5] =	stream.indirect.gather [spmem:s3], $0x80, s29, s22, $0xb8;
	[tilespmem:$0x15F40] =	vst v63  }
0x35: {  	s31 =	simm.s32 $0x780;
	s6 =	simm.s32 $0xBF40  }
0x36: {  	[tilespmem:s6], [sflag:$0x6] =	stream.indirect.gather [spmem:s3], $0x80, s31, s22, $0xb8;
	[tilespmem:$0x15F40] =	vst v63  }
0x37: {  	s2 =	simm.s32 $0x7C0;
	s7 =	simm.s32 $0xDF40  }
0x38: {  	[tilespmem:s7], [sflag:$0x7] =	stream.indirect.gather [spmem:s3], $0x80, s2, s22, $0xb8;
	[tilespmem:$0x15F40] =	vst v63  }
0x39: {  	s8 =	simm.s32 $0x800;
	s29 =	simm.s32 $0xFF40  }
0x3a: {  	[tilespmem:s29], [sflag:$0x8] =	stream.indirect.gather [spmem:s3], $0x80, s8, s22, $0xb8;
	[tilespmem:$0x15F40] =	vst v63  }
0x3b: {  	s9 =	simm.s32 $0x840;
	s8 =	simm.s32 $0x11F40  }
0x3c: {  	[tilespmem:s8], [sflag:$0x9] =	stream.indirect.gather [spmem:s3], $0x80, s9, s22, $0xb8;
	[tilespmem:$0x15F40] =	vst v63  }
0x3d: {  	s31 =	simm.s32 $0x880;
	s2 =	simm.s32 $0x1;
	s9 =	simm.s32 $0x13F40  }
0x3e: {  	[tilespmem:s9], [sflag:$0xA] =	stream.indirect.gather [spmem:s3], $0x80, s31, s22, $0xb8;
	[tilespmem:$0x15F40] =	vst v63  }
0x3f: {  	_ =	swait.ge [sflag:s2], $0x2000  }
0x40: {  	[sflag:s2] =	ssyncset.done $0x0;
	s1 =	rddreg [dreg:$0x12]  }
0x41: {  	[sflag:s2] =	ssyncadd.s32 $0xFFFFE000;
	s31 =	sadd.s32 $0xFFFFDC00, s1  }
0x42: {  	[hbm4b:s31+s4] =	stream.linear.scatter [tilespmem:s26], [sflag:$0xB], $0x2000, $0x38;
	[tilespmem:$0x15F40] =	vst v63  }
0x43: {  	s31 =	simm.s32 $0x2  }
0x44: {  	_ =	swait.ge [sflag:s31], $0x2000  }
0x45: {  	[sflag:s31] =	ssyncset.done $0x0  }
0x46: {  	[sflag:s31] =	ssyncadd.s32 $0xFFFFE000;
	s31 =	sadd.s32 $0xFFFFE000, s1  }
0x47: {  	[hbm4b:s31+s4] =	stream.linear.scatter [tilespmem:s24], [sflag:$0xC], $0x2000, $0x38;
	[tilespmem:$0x15F40] =	vst v63  }
0x48: {  	s31 =	simm.s32 $0x3  }
0x49: {  	_ =	swait.ge [sflag:s31], $0x2000  }
0x4a: {  	[sflag:s31] =	ssyncset.done $0x0  }
0x4b: {  	[sflag:s31] =	ssyncadd.s32 $0xFFFFE000;
	s31 =	sadd.s32 $0xFFFFE400, s1  }
0x4c: {  	[hbm4b:s31+s4] =	stream.linear.scatter [tilespmem:s0], [sflag:$0xD], $0x2000, $0x38;
	[tilespmem:$0x15F40] =	vst v63  }
0x4d: {  	s31 =	simm.s32 $0x4  }
0x4e: {  	_ =	swait.ge [sflag:s31], $0x2000  }
0x4f: {  	[sflag:s31] =	ssyncset.done $0x0  }
0x50: {  	[sflag:s31] =	ssyncadd.s32 $0xFFFFE000;
	s31 =	sadd.s32 $0xFFFFE800, s1  }
0x51: {  	[hbm4b:s31+s4] =	stream.linear.scatter [tilespmem:s28], [sflag:$0xE], $0x2000, $0x38;
	[tilespmem:$0x15F40] =	vst v63  }
0x52: {  	s31 =	simm.s32 $0x5  }
0x53: {  	_ =	swait.ge [sflag:s31], $0x2000  }
0x54: {  	[sflag:s31] =	ssyncset.done $0x0  }
0x55: {  	[sflag:s31] =	ssyncadd.s32 $0xFFFFE000;
	s31 =	sadd.s32 $0xFFFFEC00, s1  }
0x56: {  	[hbm4b:s31+s4] =	stream.linear.scatter [tilespmem:s5], [sflag:$0xF], $0x2000, $0x38;
	[tilespmem:$0x15F40] =	vst v63  }
0x57: {  	s31 =	simm.s32 $0x6  }
0x58: {  	_ =	swait.ge [sflag:s31], $0x2000  }
0x59: {  	[sflag:s31] =	ssyncset.done $0x0  }
0x5a: {  	[sflag:s31] =	ssyncadd.s32 $0xFFFFE000;
	s31 =	sadd.s32 $0xFFFFF000, s1  }
0x5b: {  	[hbm4b:s31+s4] =	stream.linear.scatter [tilespmem:s6], [sflag:$0x10], $0x2000, $0x38;
	[tilespmem:$0x15F40] =	vst v63  }
0x5c: {  	_ =	swait.ge [sflag:s10], $0x2000  }
0x5d: {  	[sflag:s10] =	ssyncset.done $0x0  }
0x5e: {  	s31 =	sadd.s32 $0xFFFFF400, s1;
	[sflag:s10] =	ssyncadd.s32 $0xFFFFE000  }
0x5f: {  	[hbm4b:s31+s4] =	stream.linear.scatter [tilespmem:s7], [sflag:$0x11], $0x2000, $0x38;
	[tilespmem:$0x15F40] =	vst v63  }
0x60: {  	_ =	swait.ge [sflag:s11], $0x2000  }
0x61: {  	[sflag:s11] =	ssyncset.done $0x0  }
0x62: {  	s31 =	sadd.s32 $0xFFFFF800, s1;
	[sflag:s11] =	ssyncadd.s32 $0xFFFFE000  }
0x63: {  	[hbm4b:s31+s4] =	stream.linear.scatter [tilespmem:s29], [sflag:$0x12], $0x2000, $0x38;
	[tilespmem:$0x15F40] =	vst v63  }
0x64: {  	_ =	swait.ge [sflag:s12], $0x2000  }
0x65: {  	[sflag:s12] =	ssyncset.done $0x0  }
0x66: {  	s31 =	sadd.s32 $0xFFFFFC00, s1;
	[sflag:s12] =	ssyncadd.s32 $0xFFFFE000  }
0x67: {  	[hbm4b:s31+s4] =	stream.linear.scatter [tilespmem:s8], [sflag:$0x13], $0x2000, $0x38;
	[tilespmem:$0x15F40] =	vst v63  }
0x68: {  	_ =	swait.ge [sflag:s13], $0x2000  }
0x69: {  	[sflag:s13] =	ssyncset.done $0x0  }
0x6a: {  	[sflag:s13] =	ssyncadd.s32 $0xFFFFE000  }
0x6b: {  	[hbm4b:s1+s4] =	stream.linear.scatter [tilespmem:s9], [sflag:$0x14], $0x2000, $0x38;
	[tilespmem:$0x15F40] =	vst v63  }
0x6c: {  	_ =	swait.ge [sflag:s14], $0x2000  }
0x6d: {  	[sflag:s14] =	ssyncset.done $0x0  }
0x6e: {  	s31 =	simm.s32 $0x8C0;
	[sflag:s14] =	ssyncadd.s32 $0xFFFFE000  }
0x6f: {  	[tilespmem:s26], [sflag:$0x1] =	stream.indirect.gather [spmem:s3], $0x80, s31, s22, $0xb8;
	[tilespmem:$0x15F40] =	vst v63  }
0x70: {  	_ =	swait.ge [sflag:s20], $0x2000  }
0x71: {  	[sflag:s20] =	ssyncset.done $0x0  }
0x72: {  	s9 =	simm.s32 $0x900;
	[sflag:s20] =	ssyncadd.s32 $0xFFFFE000  }
0x73: {  	[tilespmem:s24], [sflag:$0x2] =	stream.indirect.gather [spmem:s3], $0x80, s9, s22, $0xb8;
	[tilespmem:$0x15F40] =	vst v63  }
0x74: {  	_ =	swait.ge [sflag:s15], $0x2000  }
0x75: {  	[sflag:s15] =	ssyncset.done $0x0  }
0x76: {  	s26 =	simm.s32 $0x940;
	[sflag:s15] =	ssyncadd.s32 $0xFFFFE000  }
0x77: {  	[tilespmem:s0], [sflag:$0x3] =	stream.indirect.gather [spmem:s3], $0x80, s26, s22, $0xb8;
	[tilespmem:$0x15F40] =	vst v63  }
0x78: {  	_ =	swait.ge [sflag:s16], $0x2000  }
0x79: {  	[sflag:s16] =	ssyncset.done $0x0  }
0x7a: {  	s31 =	simm.s32 $0x980;
	[sflag:s16] =	ssyncadd.s32 $0xFFFFE000  }
0x7b: {  	[tilespmem:s28], [sflag:$0x4] =	stream.indirect.gather [spmem:s3], $0x80, s31, s22, $0xb8;
	[tilespmem:$0x15F40] =	vst v63  }
0x7c: {  	_ =	swait.ge [sflag:s18], $0x2000  }
0x7d: {  	[sflag:s18] =	ssyncset.done $0x0  }
0x7e: {  	s0 =	simm.s32 $0x9C0;
	[sflag:s18] =	ssyncadd.s32 $0xFFFFE000  }
0x7f: {  	[tilespmem:s5], [sflag:$0x5] =	stream.indirect.gather [spmem:s3], $0x80, s0, s22, $0xb8;
	[tilespmem:$0x15F40] =	vst v63  }
0x80: {  	_ =	swait.ge [sflag:s19], $0x2000  }
0x81: {  	[sflag:s19] =	ssyncset.done $0x0  }
0x82: {  	s9 =	simm.s32 $0xA00;
	[sflag:s19] =	ssyncadd.s32 $0xFFFFE000  }
0x83: {  	[tilespmem:s6], [sflag:$0x6] =	stream.indirect.gather [spmem:s3], $0x80, s9, s22, $0xb8;
	[tilespmem:$0x15F40] =	vst v63  }
0x84: {  	_ =	swait.ge [sflag:s21], $0x2000  }
0x85: {  	[sflag:s21] =	ssyncset.done $0x0  }
0x86: {  	s24 =	simm.s32 $0xA40;
	[sflag:s21] =	ssyncadd.s32 $0xFFFFE000  }
0x87: {  	[tilespmem:s7], [sflag:$0x7] =	stream.indirect.gather [spmem:s3], $0x80, s24, s22, $0xb8;
	[tilespmem:$0x15F40] =	vst v63  }
0x88: {  	_ =	swait.ge [sflag:s17], $0x2000  }
0x89: {  	[sflag:s17] =	ssyncset.done $0x0  }
0x8a: {  	s26 =	simm.s32 $0xA80;
	[sflag:s17] =	ssyncadd.s32 $0xFFFFE000  }
0x8b: {  	[tilespmem:s29], [sflag:$0x8] =	stream.indirect.gather [spmem:s3], $0x80, s26, s22, $0xb8;
	[tilespmem:$0x15F40] =	vst v63  }
0x8c: {  	_ =	swait.ge [sflag:s23], $0x2000  }
0x8d: {  	[sflag:s23] =	ssyncset.done $0x0  }
0x8e: {  	s31 =	simm.s32 $0xAC0;
	[sflag:s23] =	ssyncadd.s32 $0xFFFFE000  }
0x8f: {  	[tilespmem:s8], [sflag:$0x9] =	stream.indirect.gather [spmem:s3], $0x80, s31, s22, $0xb8;
	[tilespmem:$0x15F40] =	vst v63  }
0x90: {  	_ =	swait.ge [sflag:s25], $0x2000  }
0x91: {  	s2 =	simm.s32 $0xB00;
	[sflag:s25] =	ssyncset.done $0x0  }
0x92: {  	s30 =	sadd.s32 $0x2800, s1;
	s28 =	simm.s32 $0xA00;
	[sflag:s25] =	ssyncadd.s32 $0xFFFFE000  }
.LBB2_2:
0x93: {  	s31 =	simm.s32 $0x13F40  }
0x94: {  	[tilespmem:s31], [sflag:$0xA] =	stream.indirect.gather [spmem:s3], $0x80, s2, s22, $0xb8;
	[tilespmem:$0x15F40] =	vst v63  }
0x95: {  	s0 =	simm.s32 $0x1;
	s2 =	smov.u32 s28  }
0x96: {  	p1 =	sne.s32 s28, $0x5000;
	s28 =	sadd.s32 $0xA00, s28;
	_ =	swait.ge [sflag:s0], $0x2000  }
0x97: {  	s1 =	sadd.s32 $0xFFFFDC00, s30;
	[sflag:s0] =	ssyncset.done $0x0  }
0x98: {  	s26 =	simm.s32 $0x1F40;
	[sflag:s0] =	ssyncadd.s32 $0xFFFFE000;
	s0 =	simm.s32 $0x2  }
0x99: {  	[hbm4b:s1+s4] =	stream.linear.scatter [tilespmem:s26], [sflag:$0xB], $0x2000, $0x38;
	[tilespmem:$0x15F40] =	vst v63  }
0x9a: {  	_ =	swait.ge [sflag:s0], $0x2000  }
0x9b: {  	s24 =	simm.s32 $0x3F40;
	[sflag:s0] =	ssyncset.done $0x0  }
0x9c: {  	s1 =	sadd.s32 $0xFFFFE000, s30;
	[sflag:s0] =	ssyncadd.s32 $0xFFFFE000;
	s0 =	simm.s32 $0x3  }
0x9d: {  	[hbm4b:s1+s4] =	stream.linear.scatter [tilespmem:s24], [sflag:$0xC], $0x2000, $0x38;
	[tilespmem:$0x15F40] =	vst v63  }
0x9e: {  	_ =	swait.ge [sflag:s0], $0x2000  }
0x9f: {  	[sflag:s0] =	ssyncset.done $0x0  }
0xa0: {  	s1 =	sadd.s32 $0xFFFFE400, s30;
	[sflag:s0] =	ssyncadd.s32 $0xFFFFE000;
	s0 =	simm.s32 $0x5F40  }
0xa1: {  	[hbm4b:s1+s4] =	stream.linear.scatter [tilespmem:s0], [sflag:$0xD], $0x2000, $0x38;
	[tilespmem:$0x15F40] =	vst v63  }
0xa2: {  	s1 =	simm.s32 $0x4  }
0xa3: {  	_ =	swait.ge [sflag:s1], $0x2000  }
0xa4: {  	[sflag:s1] =	ssyncset.done $0x0  }
0xa5: {  	s29 =	simm.s32 $0x7F40;
	[sflag:s1] =	ssyncadd.s32 $0xFFFFE000;
	s1 =	sadd.s32 $0xFFFFE800, s30  }
0xa6: {  	[hbm4b:s1+s4] =	stream.linear.scatter [tilespmem:s29], [sflag:$0xE], $0x2000, $0x38;
	[tilespmem:$0x15F40] =	vst v63  }
0xa7: {  	s1 =	simm.s32 $0x5  }
0xa8: {  	_ =	swait.ge [sflag:s1], $0x2000  }
0xa9: {  	[sflag:s1] =	ssyncset.done $0x0  }
0xaa: {  	s5 =	simm.s32 $0x9F40;
	[sflag:s1] =	ssyncadd.s32 $0xFFFFE000;
	s1 =	sadd.s32 $0xFFFFEC00, s30  }
0xab: {  	[hbm4b:s1+s4] =	stream.linear.scatter [tilespmem:s5], [sflag:$0xF], $0x2000, $0x38;
	[tilespmem:$0x15F40] =	vst v63  }
0xac: {  	s1 =	simm.s32 $0x6  }
0xad: {  	_ =	swait.ge [sflag:s1], $0x2000  }
0xae: {  	[sflag:s1] =	ssyncset.done $0x0  }
0xaf: {  	s6 =	simm.s32 $0xBF40;
	[sflag:s1] =	ssyncadd.s32 $0xFFFFE000;
	s1 =	sadd.s32 $0xFFFFF000, s30  }
0xb0: {  	[hbm4b:s1+s4] =	stream.linear.scatter [tilespmem:s6], [sflag:$0x10], $0x2000, $0x38;
	[tilespmem:$0x15F40] =	vst v63  }
0xb1: {  	_ =	swait.ge [sflag:s10], $0x2000  }
0xb2: {  	[sflag:s10] =	ssyncset.done $0x0  }
0xb3: {  	s7 =	simm.s32 $0xDF40;
	s1 =	sadd.s32 $0xFFFFF400, s30;
	[sflag:s10] =	ssyncadd.s32 $0xFFFFE000  }
0xb4: {  	[hbm4b:s1+s4] =	stream.linear.scatter [tilespmem:s7], [sflag:$0x11], $0x2000, $0x38;
	[tilespmem:$0x15F40] =	vst v63  }
0xb5: {  	_ =	swait.ge [sflag:s11], $0x2000  }
0xb6: {  	[sflag:s11] =	ssyncset.done $0x0  }
0xb7: {  	s8 =	simm.s32 $0xFF40;
	s1 =	sadd.s32 $0xFFFFF800, s30;
	[sflag:s11] =	ssyncadd.s32 $0xFFFFE000  }
0xb8: {  	[hbm4b:s1+s4] =	stream.linear.scatter [tilespmem:s8], [sflag:$0x12], $0x2000, $0x38;
	[tilespmem:$0x15F40] =	vst v63  }
0xb9: {  	_ =	swait.ge [sflag:s12], $0x2000  }
0xba: {  	[sflag:s12] =	ssyncset.done $0x0  }
0xbb: {  	s9 =	simm.s32 $0x11F40;
	s1 =	sadd.s32 $0xFFFFFC00, s30;
	[sflag:s12] =	ssyncadd.s32 $0xFFFFE000  }
0xbc: {  	[hbm4b:s1+s4] =	stream.linear.scatter [tilespmem:s9], [sflag:$0x13], $0x2000, $0x38;
	[tilespmem:$0x15F40] =	vst v63  }
0xbd: {  	_ =	swait.ge [sflag:s13], $0x2000  }
0xbe: {  	[sflag:s13] =	ssyncset.done $0x0  }
0xbf: {  	[sflag:s13] =	ssyncadd.s32 $0xFFFFE000  }
0xc0: {  	[hbm4b:s30+s4] =	stream.linear.scatter [tilespmem:s31], [sflag:$0x14], $0x2000, $0x38;
	[tilespmem:$0x15F40] =	vst v63  }
0xc1: {  	_ =	swait.ge [sflag:s14], $0x2000  }
0xc2: {  	s2 =	sshra.s32 s2, $0x2;
	[sflag:s14] =	ssyncset.done $0x0  }
0xc3: {  	s1 =	sadd.s32 $0x8C0, s2;
	s31 =	simm.s32 $0x1F40;
	[sflag:s14] =	ssyncadd.s32 $0xFFFFE000  }
0xc4: {  	[tilespmem:s26], [sflag:$0x1] =	stream.indirect.gather [spmem:s3], $0x80, s1, s22, $0xb8;
	[tilespmem:$0x15F40] =	vst v63  }
0xc5: {  	_ =	swait.ge [sflag:s20], $0x2000  }
0xc6: {  	[sflag:s20] =	ssyncset.done $0x0  }
0xc7: {  	s1 =	sadd.s32 $0x900, s2;
	s26 =	simm.s32 $0x3F40;
	[sflag:s20] =	ssyncadd.s32 $0xFFFFE000  }
0xc8: {  	[tilespmem:s24], [sflag:$0x2] =	stream.indirect.gather [spmem:s3], $0x80, s1, s22, $0xb8;
	[tilespmem:$0x15F40] =	vst v63  }
0xc9: {  	_ =	swait.ge [sflag:s15], $0x2000  }
0xca: {  	[sflag:s15] =	ssyncset.done $0x0  }
0xcb: {  	s1 =	sadd.s32 $0x940, s2;
	s24 =	simm.s32 $0x5F40;
	[sflag:s15] =	ssyncadd.s32 $0xFFFFE000  }
0xcc: {  	[tilespmem:s0], [sflag:$0x3] =	stream.indirect.gather [spmem:s3], $0x80, s1, s22, $0xb8;
	[tilespmem:$0x15F40] =	vst v63  }
0xcd: {  	_ =	swait.ge [sflag:s16], $0x2000  }
0xce: {  	[sflag:s16] =	ssyncset.done $0x0  }
0xcf: {  	s1 =	sadd.s32 $0x980, s2;
	s0 =	simm.s32 $0x7F40;
	[sflag:s16] =	ssyncadd.s32 $0xFFFFE000  }
0xd0: {  	[tilespmem:s29], [sflag:$0x4] =	stream.indirect.gather [spmem:s3], $0x80, s1, s22, $0xb8;
	[tilespmem:$0x15F40] =	vst v63  }
0xd1: {  	_ =	swait.ge [sflag:s18], $0x2000  }
0xd2: {  	[sflag:s18] =	ssyncset.done $0x0  }
0xd3: {  	s1 =	sadd.s32 $0x9C0, s2;
	s29 =	simm.s32 $0x9F40;
	[sflag:s18] =	ssyncadd.s32 $0xFFFFE000  }
0xd4: {  	[tilespmem:s5], [sflag:$0x5] =	stream.indirect.gather [spmem:s3], $0x80, s1, s22, $0xb8;
	[tilespmem:$0x15F40] =	vst v63  }
0xd5: {  	_ =	swait.ge [sflag:s19], $0x2000  }
0xd6: {  	[sflag:s19] =	ssyncset.done $0x0  }
0xd7: {  	s1 =	sadd.s32 $0xA00, s2;
	s5 =	simm.s32 $0xBF40;
	[sflag:s19] =	ssyncadd.s32 $0xFFFFE000  }
0xd8: {  	[tilespmem:s6], [sflag:$0x6] =	stream.indirect.gather [spmem:s3], $0x80, s1, s22, $0xb8;
	[tilespmem:$0x15F40] =	vst v63  }
0xd9: {  	_ =	swait.ge [sflag:s21], $0x2000  }
0xda: {  	[sflag:s21] =	ssyncset.done $0x0  }
0xdb: {  	s1 =	sadd.s32 $0xA40, s2;
	s6 =	simm.s32 $0xDF40;
	[sflag:s21] =	ssyncadd.s32 $0xFFFFE000  }
0xdc: {  	[tilespmem:s7], [sflag:$0x7] =	stream.indirect.gather [spmem:s3], $0x80, s1, s22, $0xb8;
	[tilespmem:$0x15F40] =	vst v63  }
0xdd: {  	_ =	swait.ge [sflag:s17], $0x2000  }
0xde: {  	[sflag:s17] =	ssyncset.done $0x0  }
0xdf: {  	s1 =	sadd.s32 $0xA80, s2;
	s7 =	simm.s32 $0xFF40;
	[sflag:s17] =	ssyncadd.s32 $0xFFFFE000  }
0xe0: {  	[tilespmem:s8], [sflag:$0x8] =	stream.indirect.gather [spmem:s3], $0x80, s1, s22, $0xb8;
	[tilespmem:$0x15F40] =	vst v63  }
0xe1: {  	_ =	swait.ge [sflag:s23], $0x2000  }
0xe2: {  	s1 =	sadd.s32 $0xAC0, s2;
	[sflag:s23] =	ssyncset.done $0x0  }
.Ltmp0:
0xe3: {  	s8 =	simm.s32 $0x11F40;
	[sflag:s23] =	ssyncadd.s32 $0xFFFFE000;
	(pc) =	sbr.rel @p1 .LBB2_2-.Ltmp0, $4  }
0xe4: {  	[tilespmem:s9], [sflag:$0x9] =	stream.indirect.gather [spmem:s3], $0x80, s1, s22, $0xb8;
	[tilespmem:$0x15F40] =	vst v63  }
0xe5: {  	_ =	swait.ge [sflag:s25], $0x2000  }
0xe6: {  	[sflag:s25] =	ssyncset.done $0x0  }
0xe7: {  	s30 =	sadd.s32 $0x2800, s30;
	s2 =	sadd.s32 $0xB00, s2;
	[sflag:s25] =	ssyncadd.s32 $0xFFFFE000  }
0xe8: {  	s9 =	simm.s32 $0x13F40;
	s1 =	simm.s32 $0x1  }
0xe9: {  	[tilespmem:s9], [sflag:$0xA] =	stream.indirect.gather [spmem:s3], $0x80, s2, s22, $0xb8;
	[tilespmem:$0x15F40] =	vst v63  }
0xea: {  	_ =	swait.ge [sflag:s1], $0x2000  }
0xeb: {  	[sflag:s1] =	ssyncset.done $0x0  }
0xec: {  	s30 =	simm.s32 $0x2;
	s28 =	rddreg [dreg:$0x7];
	[sflag:s1] =	ssyncadd.s32 $0xFFFFE000  }
0xed: {  	[hbm4b:s28+s4] =	stream.linear.scatter [tilespmem:s31], [sflag:$0xB], $0x2000, $0x38;
	[tilespmem:$0x15F40] =	vst v63  }
0xee: {  	_ =	swait.ge [sflag:s30], $0x2000  }
0xef: {  	[sflag:s30] =	ssyncset.done $0x0  }
0xf0: {  	s2 =	simm.s32 $0x3;
	s31 =	rddreg [dreg:$0x8];
	[sflag:s30] =	ssyncadd.s32 $0xFFFFE000  }
0xf1: {  	[hbm4b:s31+s4] =	stream.linear.scatter [tilespmem:s26], [sflag:$0xC], $0x2000, $0x38;
	[tilespmem:$0x15F40] =	vst v63  }
0xf2: {  	_ =	swait.ge [sflag:s2], $0x2000  }
0xf3: {  	[sflag:s2] =	ssyncset.done $0x0  }
0xf4: {  	s28 =	simm.s32 $0x4;
	s26 =	rddreg [dreg:$0x9];
	[sflag:s2] =	ssyncadd.s32 $0xFFFFE000  }
0xf5: {  	[hbm4b:s26+s4] =	stream.linear.scatter [tilespmem:s24], [sflag:$0xD], $0x2000, $0x38;
	[tilespmem:$0x15F40] =	vst v63  }
0xf6: {  	_ =	swait.ge [sflag:s28], $0x2000  }
0xf7: {  	[sflag:s28] =	ssyncset.done $0x0  }
0xf8: {  	s31 =	simm.s32 $0x5;
	s30 =	rddreg [dreg:$0xa];
	[sflag:s28] =	ssyncadd.s32 $0xFFFFE000  }
0xf9: {  	[hbm4b:s30+s4] =	stream.linear.scatter [tilespmem:s0], [sflag:$0xE], $0x2000, $0x38;
	[tilespmem:$0x15F40] =	vst v63  }
0xfa: {  	_ =	swait.ge [sflag:s31], $0x2000  }
0xfb: {  	[sflag:s31] =	ssyncset.done $0x0  }
0xfc: {  	s1 =	simm.s32 $0x6;
	s0 =	rddreg [dreg:$0xb];
	[sflag:s31] =	ssyncadd.s32 $0xFFFFE000  }
0xfd: {  	[hbm4b:s0+s4] =	stream.linear.scatter [tilespmem:s29], [sflag:$0xF], $0x2000, $0x38;
	[tilespmem:$0x15F40] =	vst v63  }
0xfe: {  	_ =	swait.ge [sflag:s1], $0x2000  }
0xff: {  	[sflag:s1] =	ssyncset.done $0x0  }
0x100: {  	s2 =	rddreg [dreg:$0xc];
	[sflag:s1] =	ssyncadd.s32 $0xFFFFE000  }
0x101: {  	[hbm4b:s2+s4] =	stream.linear.scatter [tilespmem:s5], [sflag:$0x10], $0x2000, $0x38;
	[tilespmem:$0x15F40] =	vst v63  }
0x102: {  	_ =	swait.ge [sflag:s10], $0x2000  }
0x103: {  	[sflag:s10] =	ssyncset.done $0x0  }
0x104: {  	s24 =	rddreg [dreg:$0xd];
	[sflag:s10] =	ssyncadd.s32 $0xFFFFE000  }
0x105: {  	[hbm4b:s24+s4] =	stream.linear.scatter [tilespmem:s6], [sflag:$0x11], $0x2000, $0x38;
	[tilespmem:$0x15F40] =	vst v63  }
0x106: {  	_ =	swait.ge [sflag:s11], $0x2000  }
0x107: {  	[sflag:s11] =	ssyncset.done $0x0  }
0x108: {  	s26 =	rddreg [dreg:$0xe];
	[sflag:s11] =	ssyncadd.s32 $0xFFFFE000  }
0x109: {  	[hbm4b:s26+s4] =	stream.linear.scatter [tilespmem:s7], [sflag:$0x12], $0x2000, $0x38;
	[tilespmem:$0x15F40] =	vst v63  }
0x10a: {  	_ =	swait.ge [sflag:s12], $0x2000  }
0x10b: {  	[sflag:s12] =	ssyncset.done $0x0  }
0x10c: {  	s28 =	rddreg [dreg:$0xf];
	[sflag:s12] =	ssyncadd.s32 $0xFFFFE000  }
0x10d: {  	[hbm4b:s28+s4] =	stream.linear.scatter [tilespmem:s8], [sflag:$0x13], $0x2000, $0x38;
	[tilespmem:$0x15F40] =	vst v63  }
0x10e: {  	_ =	swait.ge [sflag:s13], $0x2000  }
0x10f: {  	[sflag:s13] =	ssyncset.done $0x0  }
0x110: {  	s29 =	rddreg [dreg:$0x10];
	[sflag:s13] =	ssyncadd.s32 $0xFFFFE000  }
0x111: {  	[hbm4b:s29+s4] =	stream.linear.scatter [tilespmem:s9], [sflag:$0x14], $0x2000, $0x38;
	[tilespmem:$0x15F40] =	vst v63  }
0x112: {  	_ =	swait.ge [sflag:s14], $0x2000  }
0x113: {  	[sflag:s14] =	ssyncset.done $0x0  }
0x114: {  	[sflag:s14] =	ssyncadd.s32 $0xFFFFE000  }
0x115: {  	_ =	swait.ge [sflag:s20], $0x2000  }
0x116: {  	[sflag:s20] =	ssyncset.done $0x0  }
0x117: {  	[sflag:s20] =	ssyncadd.s32 $0xFFFFE000  }
0x118: {  	_ =	swait.ge [sflag:s15], $0x2000  }
0x119: {  	[sflag:s15] =	ssyncset.done $0x0  }
0x11a: {  	[sflag:s15] =	ssyncadd.s32 $0xFFFFE000  }
0x11b: {  	_ =	swait.ge [sflag:s16], $0x2000  }
0x11c: {  	[sflag:s16] =	ssyncset.done $0x0  }
0x11d: {  	[sflag:s16] =	ssyncadd.s32 $0xFFFFE000  }
0x11e: {  	_ =	swait.ge [sflag:s18], $0x2000  }
0x11f: {  	[sflag:s18] =	ssyncset.done $0x0  }
0x120: {  	[sflag:s18] =	ssyncadd.s32 $0xFFFFE000  }
0x121: {  	_ =	swait.ge [sflag:s19], $0x2000  }
0x122: {  	[sflag:s19] =	ssyncset.done $0x0  }
0x123: {  	[sflag:s19] =	ssyncadd.s32 $0xFFFFE000  }
0x124: {  	_ =	swait.ge [sflag:s21], $0x2000  }
0x125: {  	[sflag:s21] =	ssyncset.done $0x0  }
0x126: {  	[sflag:s21] =	ssyncadd.s32 $0xFFFFE000  }
0x127: {  	_ =	swait.ge [sflag:s17], $0x2000  }
0x128: {  	[sflag:s17] =	ssyncset.done $0x0  }
0x129: {  	[sflag:s17] =	ssyncadd.s32 $0xFFFFE000  }
0x12a: {  	_ =	swait.ge [sflag:s23], $0x2000  }
0x12b: {  	[sflag:s23] =	ssyncset.done $0x0  }
0x12c: {  	[sflag:s23] =	ssyncadd.s32 $0xFFFFE000  }
0x12d: {  	_ =	swait.ge [sflag:s25], $0x2000  }
0x12e: {  	s30 =	rddreg [dreg:$0x15]  }
0x12f: {  	s31 =	rddreg [dreg:$0x11];
	s0 =	sadd.s32 $0x1, s30  }
0x130: {  	p1 =	sne.s32 s0, s31  }
.Ltmp1:
0x131: {  	_ = 	snop;
	(pc) =	sbr.rel @p1 .LBB2_1-.Ltmp1, $3  }
0x132: {  	_ =	sdelay $0x1  }
0x133: {  	[sflag:s25] =	ssyncset.done $0x0  }
0x134: {  	[sflag:s25] =	ssyncadd.s32 $0xFFFFE000  }
0x135: {  	_ =	sfence.sel $0x180000  }
0x136: {  	[bflag:$0x0] =	sbarrier.arrive $0xFFFF  }
0x137: {  	_ =	strace $0x90000047  }
0x138: {  	[bflag:$0x2] =	sbarrier.arrive $0xFFFF  }
0x139: {  	s0 =	rddreg [dreg:$0x5]  }
0x13a: {  	s0 =	sadd.s32 @!p0 $0x100000, s0  }
0x13b: {  	[sflag:s0] =	ssyncadd.tile.s32 @!p0 $0x1;
	_ =	shalt  }
.Lfunc_end2:
_tile_overlayer_lowered:
.L_overlay_start_2:
0x13c: {  	(tag) =	ssettag $0x2  }
0x13d: {  	s0 =	rddreg [dreg:$0x0];
	s2 =	stileid.u32  }
0x13e: {  	s1 =	rddreg [dreg:$0x1];
	p0 =	sne.s32 s2, $0x0  }
0x13f: {  	s3 =	rddreg [dreg:$0x2];
	[bflag:$0x3] =	sbarrier.arrive $0xFFFF;
	s2 =	simm.s32 @!p0 $0x1C15  }
0x140: {  	[timem:s3], [sflag:s2] =	dma.local @!p0 [hbm:s0], s1  }
0x141: {  	s0 =	simm.s32 @!p0 $0x15  }
0x142: {  	_ =	swait.ge @!p0 [sflag:s0], s1  }
0x143: {  	s1 =	ssub.s32 @!p0 $0x0, s1;
	[sflag:s0] =	ssyncset.done @!p0 $0x0  }
0x144: {  	[sflag:s0] =	ssyncadd.s32 @!p0 s1  }
0x145: {  	[bflag:$0x3] =	sbarrier.arrive $0xFFFF  }
0x146: {  	_ =	shalt  }

</sc_bundles>
